<compile_context>
chip_gen: v7x
topology: tpu7x:2x2x1
jax: 0.10.2.dev20260603
libtpu: 0.0.44.dev20260713+nightly
codegen_flags: <defaults>
</compile_context>

<pallas_src>
import functools

import jax
import jax.numpy as jnp
from jax import lax
from jax.experimental import pallas as pl
from jax.experimental.pallas import tpu as pltpu
from jax.experimental.pallas import tpu_sc as plsc

N = 10000
E = 160000
H = 128
NGAUSS = 150
NGP = 160
NI = 3
NGRAPHS = 512
NEMB = 100
CUTOFF = 15.0
LOG2 = 0.6931471805599453

NW = 32
CH = 128
E_PAD = 163840
NS = 10240

_STOP = CUTOFF - CUTOFF / NGAUSS
_STEP = _STOP / (NGAUSS - 1)
_COEFF = -0.5 / (_STEP * _STEP)


def _ssp(x):
    return jnp.maximum(x, 0.0) + jnp.log1p(jnp.exp(-jnp.abs(x))) - LOG2


def _make_gather(D, B):
    per_w = B // NW
    n_ch = per_w // CH
    mesh = plsc.VectorSubcoreMesh(core_axis_name="c", subcore_axis_name="s")

    @functools.partial(
        pl.kernel,
        out_type=jax.ShapeDtypeStruct((B, D), jnp.float32),
        mesh=mesh,
        compiler_params=pltpu.CompilerParams(use_tc_tiling_on_sc=(D % 128 == 0)),
        scratch_types=[
            pltpu.VMEM((n_ch, CH), jnp.int32),
            pltpu.VMEM((CH, D), jnp.float32),
            pltpu.SemaphoreType.DMA,
        ],
    )
    def gather_k(table_hbm, idx_hbm, out_hbm, idx_v, buf, sem):
        wid = lax.axis_index("s") * 2 + lax.axis_index("c")
        base = wid * per_w
        pltpu.sync_copy(idx_hbm.at[pl.ds(wid * n_ch, n_ch)], idx_v)

        def body(j, carry):
            pltpu.async_copy(table_hbm.at[idx_v.at[j]], buf, sem).wait()
            pltpu.sync_copy(buf, out_hbm.at[pl.ds(base + j * CH, CH)])
            return carry

        lax.fori_loop(0, n_ch, body, 0)

    return gather_k


def _make_scatter():
    n_ch = E_PAD // 2 // 16 // CH
    rows_per_tile = NS // 16
    mesh = plsc.VectorSubcoreMesh(core_axis_name="c", subcore_axis_name="s")

    @functools.partial(
        pl.kernel,
        out_type=jax.ShapeDtypeStruct((2, NS, H), jnp.float32),
        mesh=mesh,
        scratch_types=[
            pltpu.VMEM((n_ch, CH), jnp.int32),
            pltpu.VMEM((CH, H), jnp.float32),
            pltpu.VMEM_SHARED((NS, H), jnp.float32),
            pltpu.SemaphoreType.DMA,
        ],
    )
    def scatter_k(msg_hbm, idx_hbm, zeros_hbm, out_hbm, idx_v, buf, acc, sem):
        c = lax.axis_index("c")
        s = lax.axis_index("s")

        @pl.when(s == 0)
        def _():
            pltpu.sync_copy(zeros_hbm, acc)

        plsc.subcore_barrier()
        chunk0 = c * (16 * n_ch) + s * n_ch
        pltpu.sync_copy(idx_hbm.at[pl.ds(chunk0, n_ch)], idx_v)

        def body(j, carry):
            pltpu.sync_copy(msg_hbm.at[pl.ds((chunk0 + j) * CH, CH)], buf)
            pltpu.sync_copy(buf, acc.at[idx_v.at[j]], add=True)
            return carry

        lax.fori_loop(0, n_ch, body, 0)
        plsc.subcore_barrier()
        r0 = s * rows_per_tile
        pltpu.sync_copy(acc.at[pl.ds(r0, rows_per_tile)],
                        out_hbm.at[c].at[pl.ds(r0, rows_per_tile)])

    return scatter_k


_gather_h = _make_gather(H, 2 * E_PAD)
_gather_pos = _make_gather(16, 2 * E_PAD)
_scatter_msg = _make_scatter()


BE = 1024
BN = 1000
BR = 2000


def _edge_body(t0, refs):
    if t0:
        (xj_ref, xi_ref, ps_ref, pd_ref,
         w1i, w1j, w1e, b1, w2, b2, f1, fb1, f2, fb2, cf,
         enew_ref, msg_ref) = refs
        dv = pd_ref[...] - ps_ref[...]
        d2 = jnp.sum(dv * dv, axis=1, keepdims=True)
        dist = jnp.sqrt(d2)
        offs = lax.broadcasted_iota(jnp.int32, (1, NGP), 1).astype(jnp.float32) * _STEP
        e = jnp.exp(_COEFF * (dist - offs) ** 2)
    else:
        (xj_ref, xi_ref, ea_ref,
         w1i, w1j, w1e, b1, w2, b2, f1, fb1, f2, fb2, cf,
         enew_ref, msg_ref) = refs
        e = ea_ref[...]
    xj = xj_ref[...]
    xi = xi_ref[...]
    f32 = jnp.float32
    t = (jnp.dot(xi, w1i[...], preferred_element_type=f32)
         + jnp.dot(xj, w1j[...], preferred_element_type=f32)
         + jnp.dot(e, w1e[...], preferred_element_type=f32) + b1[...])
    ea = _ssp(t)
    e2 = jnp.dot(ea, w2[...], preferred_element_type=f32) + b2[...]
    enew_ref[...] = e2
    wf = _ssp(jnp.dot(e2, f1[...], preferred_element_type=f32) + fb1[...])
    wf = _ssp(jnp.dot(wf, f2[...], preferred_element_type=f32) + fb2[...])
    msg_ref[...] = jnp.dot(xj, cf[...], preferred_element_type=f32) * wf


def _full(shape):
    return pl.BlockSpec(shape, lambda i: (0,) * len(shape))


def _edge_call(t0, g, eaux, weights):
    nblk = E_PAD // BE
    row = pl.BlockSpec((BE, H), lambda i: (i, 0))
    xj_spec = pl.BlockSpec((BE, H), lambda i: (i, 0))
    xi_spec = pl.BlockSpec((BE, H), lambda i: (i + nblk, 0))
    ein = NGP if t0 else H
    w_specs = [
        _full((H, 2 * H)), _full((H, 2 * H)), _full((ein, 2 * H)),
        _full((1, 2 * H)), _full((2 * H, H)), _full((1, H)),
        _full((H, H)), _full((1, H)), _full((H, H)), _full((1, H)),
        _full((H, H)),
    ]
    if t0:
        pos_spec = pl.BlockSpec((BE, 16), lambda i: (i, 0))
        pos_spec2 = pl.BlockSpec((BE, 16), lambda i: (i + nblk, 0))
        in_specs = [xj_spec, xi_spec, pos_spec, pos_spec2] + w_specs
        operands = (g, g, eaux, eaux) + weights
    else:
        ea_spec = pl.BlockSpec((BE, H), lambda i: (i, 0))
        in_specs = [xj_spec, xi_spec, ea_spec] + w_specs
        operands = (g, g, eaux) + weights
    out_shape = [jax.ShapeDtypeStruct((E_PAD, H), jnp.float32),
                 jax.ShapeDtypeStruct((E_PAD, H), jnp.float32)]
    body = lambda *refs: _edge_body(t0, refs)
    return pl.pallas_call(
        body,
        grid=(nblk,),
        in_specs=in_specs,
        out_specs=[row, row],
        out_shape=out_shape,
    )(*operands)


def _node_body(p_ref, h_ref, s1, b1, s2, b2, out_ref):
    msg = p_ref[0] + p_ref[1]
    u = _ssp(jnp.dot(msg, s1[...], preferred_element_type=jnp.float32) + b1[...])
    out_ref[...] = (h_ref[...] + jnp.dot(u, s2[...], preferred_element_type=jnp.float32)
                    + b2[...])


def _node_call(parts, h, s1, b1, s2, b2):
    nblk = N // BN
    return pl.pallas_call(
        _node_body,
        grid=(nblk,),
        in_specs=[
            pl.BlockSpec((2, BN, H), lambda i: (0, i, 0)),
            pl.BlockSpec((BN, H), lambda i: (i, 0)),
            _full((H, H)), _full((1, H)), _full((H, H)), _full((1, H)),
        ],
        out_specs=pl.BlockSpec((BN, H), lambda i: (i, 0)),
        out_shape=jax.ShapeDtypeStruct((N, H), jnp.float32),
    )(parts, h, s1, b1, s2, b2)


def _embed_body(z_ref, emb_ref, out_ref):
    ids = lax.broadcasted_iota(jnp.int32, (1, H), 1)
    oh = (z_ref[...] == ids).astype(jnp.float32)
    out_ref[...] = jnp.dot(oh, emb_ref[...], preferred_element_type=jnp.float32)


def _embed_call(z2d, emb_pad):
    nblk = N // BN
    return pl.pallas_call(
        _embed_body,
        grid=(nblk,),
        in_specs=[pl.BlockSpec((BN, 1), lambda i: (i, 0)), _full((H, H))],
        out_specs=pl.BlockSpec((BN, H), lambda i: (i, 0)),
        out_shape=jax.ShapeDtypeStruct((N, H), jnp.float32),
    )(z2d, emb_pad)


def _readout_body(h_ref, b_ref, l1, b1v, l2, b2v, out_ref):
    i = pl.program_id(0)
    t = _ssp(jnp.dot(h_ref[...], l1[...], preferred_element_type=jnp.float32) + b1v[...])
    node_out = jnp.dot(t, l2[...], preferred_element_type=jnp.float32) + b2v[...]
    ids = lax.broadcasted_iota(jnp.int32, (1, NGRAPHS), 1)
    oh = (b_ref[...] == ids).astype(jnp.float32)
    part = lax.dot_general(oh, node_out, (((0,), (0,)), ((), ())),
                           preferred_element_type=jnp.float32)

    @pl.when(i == 0)
    def _():
        out_ref[...] = part

    @pl.when(i > 0)
    def _():
        out_ref[...] = out_ref[...] + part


def _readout_call(h, b2d, l1, b1v, l2, b2v):
    nblk = N // BR
    return pl.pallas_call(
        _readout_body,
        grid=(nblk,),
        in_specs=[
            pl.BlockSpec((BR, H), lambda i: (i, 0)),
            pl.BlockSpec((BR, 1), lambda i: (i, 0)),
            _full((H, H // 2)), _full((1, H // 2)),
            _full((H // 2, 1)), _full((1, 1)),
        ],
        out_specs=pl.BlockSpec((NGRAPHS, 1), lambda i: (0, 0)),
        out_shape=jax.ShapeDtypeStruct((NGRAPHS, 1), jnp.float32),
    )(h, b2d, l1, b1v, l2, b2v)


def kernel(z, pos, edge_index, batch, params):
    src = edge_index[0].astype(jnp.int32)
    dst = edge_index[1].astype(jnp.int32)
    pad = E_PAD - E
    zpad = jnp.zeros((pad,), jnp.int32)
    srcp = jnp.concatenate([src, zpad])
    dstp = jnp.concatenate([dst, zpad])
    idx_sd = jnp.concatenate([srcp, dstp]).reshape(2 * E_PAD // CH, CH)
    dst_sc = jnp.concatenate([dst, jnp.full((pad,), N, jnp.int32)]
                             ).reshape(E_PAD // CH, CH)

    pos16 = jnp.zeros((N, 16), jnp.float32).at[:, :3].set(pos.astype(jnp.float32))
    emb_pad = jnp.zeros((H, H), jnp.float32).at[:NEMB].set(params['embedding'])
    zeros_ns = jnp.zeros((NS, H), jnp.float32)

    ppack = _gather_pos(pos16, idx_sd)
    h = _embed_call(z.astype(jnp.int32).reshape(N, 1), emb_pad)

    eattr = None
    for t, p in enumerate(params['interactions']):
        w1T = p['eu1_W'].T
        w1i = w1T[:H]
        w1j = w1T[H:2 * H]
        if t == 0:
            w1e = jnp.zeros((NGP, 2 * H), jnp.float32).at[:NGAUSS].set(w1T[2 * H:])
        else:
            w1e = w1T[2 * H:]
        weights = (
            w1i, w1j, w1e, p['eu1_b'].reshape(1, -1),
            p['eu2_W'].T, p['eu2_b'].reshape(1, -1),
            p['f1_W'].T, p['f1_b'].reshape(1, -1),
            p['f2_W'].T, p['f2_b'].reshape(1, -1),
            p['cf_W'].T,
        )
        g = _gather_h(h, idx_sd)
        eaux = ppack if t == 0 else eattr
        eattr, msg_e = _edge_call(t == 0, g, eaux, weights)
        parts = _scatter_msg(msg_e, dst_sc, zeros_ns)
        h = _node_call(parts, h,
                       p['sm1_W'].T, p['sm1_b'].reshape(1, -1),
                       p['sm2_W'].T, p['sm2_b'].reshape(1, -1))

    out = _readout_call(h, batch.astype(jnp.int32).reshape(N, 1),
                        params['lin1_W'].T, params['lin1_b'].reshape(1, -1),
                        params['lin2_W'].T, params['lin2_b'].reshape(1, 1))
    return out

# --- scband reference (transcript-rebuilt; emitter-appended) ---
"""Pipeline reference for scband-nmpedge-30107720745103 (READ-ONLY COPY).

The authoritative reference and input builder live on the scoring server;
editing this copy changes nothing except your own understanding.
"""

import jax, jax.numpy as jnp
import numpy as np

N = 10000
E = 160000
H = 128
F = 128
NG = 150
NI = 3
NUM_EMB = 100
CUTOFF = 15.0
NG_GRAPHS = 512
LOG2 = float(np.log(2.0))


def _xavier(key, shape):
    fan_in, fan_out = shape[1], shape[0]
    std = float(np.sqrt(2.0 / (fan_in + fan_out)))
    return jax.random.normal(key, shape, dtype=jnp.float32) * std


def setup_inputs(seed: int = 0) -> dict:
    key = jax.random.key(seed)
    ks = jax.random.split(key, 8)
    z = jax.random.randint(ks[0], (N,), 0, NUM_EMB, dtype=jnp.int64)
    pos = jax.random.normal(ks[1], (N, 3), dtype=jnp.float32)
    edge_index = jax.random.randint(ks[2], (2, E), 0, N, dtype=jnp.int64)
    batch = jnp.sort(jax.random.randint(ks[3], (N,), 0, NG_GRAPHS, dtype=jnp.int64))

    pkey = ks[4]
    interactions = []
    for t in range(NI):
        edge_in_dim = NG if t == 0 else H
        pkey, *sk = jax.random.split(pkey, 10)
        p = {
            'eu1_W': _xavier(sk[0], (2 * H, 2 * H + edge_in_dim)),
            'eu1_b': jnp.zeros((2 * H,), dtype=jnp.float32),
            'eu2_W': _xavier(sk[1], (H, 2 * H)),
            'eu2_b': jnp.zeros((H,), dtype=jnp.float32),
            'f1_W': _xavier(sk[2], (F, H)),
            'f1_b': jnp.zeros((F,), dtype=jnp.float32),
            'f2_W': _xavier(sk[3], (F, F)),
            'f2_b': jnp.zeros((F,), dtype=jnp.float32),
            'cf_W': _xavier(sk[4], (F, H)),
            'sm1_W': _xavier(sk[5], (H, F)),
            'sm1_b': jnp.zeros((H,), dtype=jnp.float32),
            'sm2_W': _xavier(sk[6], (H, H)),
            'sm2_b': jnp.zeros((H,), dtype=jnp.float32),
        }
        interactions.append(p)
    pkey, k_emb, k_l1, k_l2 = jax.random.split(pkey, 4)
    params = {
        'embedding': jax.random.normal(k_emb, (NUM_EMB, H), dtype=jnp.float32) * 0.1,
        'interactions': interactions,
        'lin1_W': _xavier(k_l1, (H // 2, H)),
        'lin1_b': jnp.zeros((H // 2,), dtype=jnp.float32),
        'lin2_W': _xavier(k_l2, (1, H // 2)),
        'lin2_b': jnp.zeros((1,), dtype=jnp.float32),
    }
    return {'z': z, 'pos': pos, 'edge_index': edge_index, 'batch': batch, 'params': params}


def _ssp(x):
    # ShiftedSoftplus
    return jax.nn.softplus(x) - LOG2


def reference(z, pos, edge_index, batch, params):
    src = edge_index[0]
    dst = edge_index[1]

    # distances + GaussianSmearing(0, cutoff, num_gaussians)
    stop = CUTOFF - CUTOFF / NG
    offset = jnp.linspace(0.0, stop, NG)
    coeff = -0.5 / (offset[1] - offset[0]) ** 2
    dvec = pos[dst] - pos[src]
    dist = jnp.sqrt(jnp.sum(dvec * dvec, axis=1))
    edge_attr = jnp.exp(coeff * (dist[:, None] - offset[None, :]) ** 2)

    # initial node embedding
    h = params['embedding'][z]

    for p in params['interactions']:
        x_j = h[src]
        x_i = h[dst]
        # EdgeUpdate
        ea_in = jnp.concatenate([x_i, x_j, edge_attr], axis=1)
        ea = _ssp(ea_in @ p['eu1_W'].T + p['eu1_b'])
        edge_attr = ea @ p['eu2_W'].T + p['eu2_b']
        # MessageFunction: CFConv with filter_mlp(edge_attr)
        Wf = _ssp(edge_attr @ p['f1_W'].T + p['f1_b'])
        Wf = _ssp(Wf @ p['f2_W'].T + p['f2_b'])
        msg_e = (x_j @ p['cf_W'].T) * Wf
        msg = jax.ops.segment_sum(msg_e, dst, num_segments=N)
        # StateMLP residual update
        upd = _ssp(msg @ p['sm1_W'].T + p['sm1_b']) @ p['sm2_W'].T + p['sm2_b']
        h = h + upd

    # per-node output head + 'add' readout over graphs
    node_out = _ssp(h @ params['lin1_W'].T + params['lin1_b']) @ params['lin2_W'].T + params['lin2_b']
    out = jax.ops.segment_sum(node_out, batch, num_segments=NG_GRAPHS)
    return out

if __name__ == "__main__":
    import jax
    _d = setup_inputs()
    print(jax.jit(kernel)(*tuple(_d.values())))

</pallas_src>

<mosaic_0001>
#map = affine_map<(d0, d1) -> (0, 0)>
module attributes {stable_mosaic.version = 14 : i64} {
  func.func @gather_k(%arg0: i32, %arg1: i32, %arg2: memref<10000x128xf32, #tpu.memory_space<hbm>>, %arg3: memref<2560x128xi32, #tpu.memory_space<hbm>>, %arg4: memref<327680x128xf32, #tpu.memory_space<hbm>>, %arg5: memref<80x128xi32, #tpu.memory_space<vmem>>, %arg6: memref<128x128xf32, #tpu.memory_space<vmem>>, %arg7: memref<!tpu.dma_semaphore, #tpu.memory_space<semaphore_mem>>) attributes {dimension_semantics = [#tpu.dimension_semantics<core_parallel>, #tpu.dimension_semantics<subcore_parallel>], iteration_bounds = array<i64: 2, 16>, scalar_prefetch = 0 : i64, scratch_operands = 3 : i64, tpu.core_type = #tpu.core_type<sc_vector_subcore>, window_params = [{transform_indices = #map}, {transform_indices = #map}, {transform_indices = #map}]} {
    %mul3A = arith.constant 2 : i32
    %mul3A_0 = arith.muli %arg1, %mul3A : i32
    %add3A = arith.addi %mul3A_0, %arg0 : i32
    %mul3A_1 = arith.constant 10240 : i32
    %mul3A_2 = arith.muli %add3A, %mul3A_1 : i32
    %mul3A_3 = arith.constant 80 : i32
    %mul3A_4 = arith.muli %add3A, %mul3A_3 : i32
    "tpu.region"() ({
      %run_scoped3A = tpu.sem_alloc : memref<!tpu.dma_semaphore, #tpu.memory_space<semaphore_mem>>
      %dma_start3A = arith.constant 0 : i32
      %dma_start3A_10 = tpu.memref_slice %arg3[%mul3A_4, %dma_start3A] : memref<2560x128xi32, #tpu.memory_space<hbm>> -> memref<80x128xi32, #tpu.memory_space<hbm>>
      %dma_start3A_11 = arith.constant 0 : i32
      %dma_start3A_12 = tpu.memref_slice %arg3[%mul3A_4, %dma_start3A_11] : memref<2560x128xi32, #tpu.memory_space<hbm>> -> memref<80x128xi32, #tpu.memory_space<hbm>>
      tpu.enqueue_dma source(%dma_start3A_12 : memref<80x128xi32, #tpu.memory_space<hbm>>) target(%arg5 : memref<80x128xi32, #tpu.memory_space<vmem>>) target_semaphore(%run_scoped3A : memref<!tpu.dma_semaphore, #tpu.memory_space<semaphore_mem>>)
      %dma_wait3A = arith.constant 0 : i32
      %dma_wait3A_13 = tpu.memref_slice %arg3[%mul3A_4, %dma_wait3A] : memref<2560x128xi32, #tpu.memory_space<hbm>> -> memref<80x128xi32, #tpu.memory_space<hbm>>
      %dma_wait3A_14 = arith.constant 0 : i32
      %dma_wait3A_15 = tpu.memref_slice %arg3[%mul3A_4, %dma_wait3A_14] : memref<2560x128xi32, #tpu.memory_space<hbm>> -> memref<80x128xi32, #tpu.memory_space<hbm>>
      tpu.wait_dma2 semaphore(%run_scoped3A : memref<!tpu.dma_semaphore, #tpu.memory_space<semaphore_mem>>) src(%dma_wait3A_15 : memref<80x128xi32, #tpu.memory_space<hbm>>) dst(%arg5 : memref<80x128xi32, #tpu.memory_space<vmem>>)
      tpu.yield
    }) : () -> ()
    %scan3A = arith.constant 0 : i32
    %scan3A_5 = arith.constant 0 : i32
    %scan3A_6 = arith.constant 80 : i32
    %scan3A_7 = arith.addi %scan3A_5, %scan3A_6 : i32
    %scan3A_8 = arith.constant 1 : i32
    scf.for %scan3A_10 = %scan3A_5 to %scan3A_7 step %scan3A_8  : i32 {
      %dma_start3A = arith.constant 0 : i32
      %dma_start3A_11 = tpu.memref_slice %arg5[%scan3A_10, %dma_start3A] : memref<80x128xi32, #tpu.memory_space<vmem>> -> memref<1x128xi32, #tpu.memory_space<vmem>>
      %dma_start3A_12 = tpu.memref_squeeze %dma_start3A_11 : memref<1x128xi32, #tpu.memory_space<vmem>> -> memref<128xi32, #tpu.memory_space<vmem>>
      %dma_start3A_13 = arith.constant 0 : i32
      %dma_start3A_14 = arith.constant 0 : i32
      %dma_start3A_15 = tpu.memref_slice %arg2[%dma_start3A_13, %dma_start3A_14] : memref<10000x128xf32, #tpu.memory_space<hbm>> -> memref<10000x128xf32, #tpu.memory_space<hbm>>
      tpu.enqueue_indirect_dma source(%dma_start3A_15 : memref<10000x128xf32, #tpu.memory_space<hbm>>) target(%arg6 : memref<128x128xf32, #tpu.memory_space<vmem>>) offsets(%dma_start3A_12 : memref<128xi32, #tpu.memory_space<vmem>>) semaphore(%arg7 : memref<!tpu.dma_semaphore, #tpu.memory_space<semaphore_mem>>)
      %dma_wait3A = arith.constant 0 : i32
      %dma_wait3A_16 = tpu.memref_slice %arg5[%scan3A_10, %dma_wait3A] : memref<80x128xi32, #tpu.memory_space<vmem>> -> memref<1x128xi32, #tpu.memory_space<vmem>>
      %dma_wait3A_17 = tpu.memref_squeeze %dma_wait3A_16 : memref<1x128xi32, #tpu.memory_space<vmem>> -> memref<128xi32, #tpu.memory_space<vmem>>
      %dma_wait3A_18 = arith.constant 0 : i32
      %dma_wait3A_19 = arith.constant 0 : i32
      %dma_wait3A_20 = tpu.memref_slice %arg2[%dma_wait3A_18, %dma_wait3A_19] : memref<10000x128xf32, #tpu.memory_space<hbm>> -> memref<10000x128xf32, #tpu.memory_space<hbm>>
      tpu.wait_indirect_dma semaphore(%arg7 : memref<!tpu.dma_semaphore, #tpu.memory_space<semaphore_mem>>) src(%dma_wait3A_20 : memref<10000x128xf32, #tpu.memory_space<hbm>>) dst(%arg6 : memref<128x128xf32, #tpu.memory_space<vmem>>)
      %mul3A_21 = arith.constant 128 : i32
      %mul3A_22 = arith.muli %scan3A_10, %mul3A_21 : i32
      %add3A_23 = arith.addi %mul3A_2, %mul3A_22 : i32
      "tpu.region"() ({
        %run_scoped3A = tpu.sem_alloc : memref<!tpu.dma_semaphore, #tpu.memory_space<semaphore_mem>>
        %dma_start3A_24 = arith.constant 0 : i32
        %dma_start3A_25 = tpu.memref_slice %arg4[%add3A_23, %dma_start3A_24] : memref<327680x128xf32, #tpu.memory_space<hbm>> -> memref<128x128xf32, #tpu.memory_space<hbm>>
        %dma_start3A_26 = arith.constant 0 : i32
        %dma_start3A_27 = tpu.memref_slice %arg4[%add3A_23, %dma_start3A_26] : memref<327680x128xf32, #tpu.memory_space<hbm>> -> memref<128x128xf32, #tpu.memory_space<hbm>>
        tpu.enqueue_dma source(%arg6 : memref<128x128xf32, #tpu.memory_space<vmem>>) target(%dma_start3A_27 : memref<128x128xf32, #tpu.memory_space<hbm>>) target_semaphore(%run_scoped3A : memref<!tpu.dma_semaphore, #tpu.memory_space<semaphore_mem>>)
        %dma_wait3A_28 = arith.constant 0 : i32
        %dma_wait3A_29 = tpu.memref_slice %arg4[%add3A_23, %dma_wait3A_28] : memref<327680x128xf32, #tpu.memory_space<hbm>> -> memref<128x128xf32, #tpu.memory_space<hbm>>
        %dma_wait3A_30 = arith.constant 0 : i32
        %dma_wait3A_31 = tpu.memref_slice %arg4[%add3A_23, %dma_wait3A_30] : memref<327680x128xf32, #tpu.memory_space<hbm>> -> memref<128x128xf32, #tpu.memory_space<hbm>>
        tpu.wait_dma2 semaphore(%run_scoped3A : memref<!tpu.dma_semaphore, #tpu.memory_space<semaphore_mem>>) src(%arg6 : memref<128x128xf32, #tpu.memory_space<vmem>>) dst(%dma_wait3A_31 : memref<128x128xf32, #tpu.memory_space<hbm>>)
        tpu.yield
      }) : () -> ()
    }
    %scan3A_9 = arith.constant 80 : i32
    return
  }
}

#map = affine_map<(d0, d1) -> (0, 0)>
module attributes {stable_mosaic.version = 14 : i64} {
  func.func @gather_k(%arg0: i32, %arg1: i32, %arg2: memref<10000x16xf32, #tpu.memory_space<hbm>>, %arg3: memref<2560x128xi32, #tpu.memory_space<hbm>>, %arg4: memref<327680x16xf32, #tpu.memory_space<hbm>>, %arg5: memref<80x128xi32, #tpu.memory_space<vmem>>, %arg6: memref<128x16xf32, #tpu.memory_space<vmem>>, %arg7: memref<!tpu.dma_semaphore, #tpu.memory_space<semaphore_mem>>) attributes {dimension_semantics = [#tpu.dimension_semantics<core_parallel>, #tpu.dimension_semantics<subcore_parallel>], iteration_bounds = array<i64: 2, 16>, scalar_prefetch = 0 : i64, scratch_operands = 3 : i64, tpu.core_type = #tpu.core_type<sc_vector_subcore>, window_params = [{transform_indices = #map}, {transform_indices = #map}, {transform_indices = #map}]} {
    %mul3A = arith.constant 2 : i32
    %mul3A_0 = arith.muli %arg1, %mul3A : i32
    %add3A = arith.addi %mul3A_0, %arg0 : i32
    %mul3A_1 = arith.constant 10240 : i32
    %mul3A_2 = arith.muli %add3A, %mul3A_1 : i32
    %mul3A_3 = arith.constant 80 : i32
    %mul3A_4 = arith.muli %add3A, %mul3A_3 : i32
    "tpu.region"() ({
      %run_scoped3A = tpu.sem_alloc : memref<!tpu.dma_semaphore, #tpu.memory_space<semaphore_mem>>
      %dma_start3A = arith.constant 0 : i32
      %dma_start3A_10 = tpu.memref_slice %arg3[%mul3A_4, %dma_start3A] : memref<2560x128xi32, #tpu.memory_space<hbm>> -> memref<80x128xi32, #tpu.memory_space<hbm>>
      %dma_start3A_11 = arith.constant 0 : i32
      %dma_start3A_12 = tpu.memref_slice %arg3[%mul3A_4, %dma_start3A_11] : memref<2560x128xi32, #tpu.memory_space<hbm>> -> memref<80x128xi32, #tpu.memory_space<hbm>>
      tpu.enqueue_dma source(%dma_start3A_12 : memref<80x128xi32, #tpu.memory_space<hbm>>) target(%arg5 : memref<80x128xi32, #tpu.memory_space<vmem>>) target_semaphore(%run_scoped3A : memref<!tpu.dma_semaphore, #tpu.memory_space<semaphore_mem>>)
      %dma_wait3A = arith.constant 0 : i32
      %dma_wait3A_13 = tpu.memref_slice %arg3[%mul3A_4, %dma_wait3A] : memref<2560x128xi32, #tpu.memory_space<hbm>> -> memref<80x128xi32, #tpu.memory_space<hbm>>
      %dma_wait3A_14 = arith.constant 0 : i32
      %dma_wait3A_15 = tpu.memref_slice %arg3[%mul3A_4, %dma_wait3A_14] : memref<2560x128xi32, #tpu.memory_space<hbm>> -> memref<80x128xi32, #tpu.memory_space<hbm>>
      tpu.wait_dma2 semaphore(%run_scoped3A : memref<!tpu.dma_semaphore, #tpu.memory_space<semaphore_mem>>) src(%dma_wait3A_15 : memref<80x128xi32, #tpu.memory_space<hbm>>) dst(%arg5 : memref<80x128xi32, #tpu.memory_space<vmem>>)
      tpu.yield
    }) : () -> ()
    %scan3A = arith.constant 0 : i32
    %scan3A_5 = arith.constant 0 : i32
    %scan3A_6 = arith.constant 80 : i32
    %scan3A_7 = arith.addi %scan3A_5, %scan3A_6 : i32
    %scan3A_8 = arith.constant 1 : i32
    scf.for %scan3A_10 = %scan3A_5 to %scan3A_7 step %scan3A_8  : i32 {
      %dma_start3A = arith.constant 0 : i32
      %dma_start3A_11 = tpu.memref_slice %arg5[%scan3A_10, %dma_start3A] : memref<80x128xi32, #tpu.memory_space<vmem>> -> memref<1x128xi32, #tpu.memory_space<vmem>>
      %dma_start3A_12 = tpu.memref_squeeze %dma_start3A_11 : memref<1x128xi32, #tpu.memory_space<vmem>> -> memref<128xi32, #tpu.memory_space<vmem>>
      %dma_start3A_13 = arith.constant 0 : i32
      %dma_start3A_14 = arith.constant 0 : i32
      %dma_start3A_15 = tpu.memref_slice %arg2[%dma_start3A_13, %dma_start3A_14] : memref<10000x16xf32, #tpu.memory_space<hbm>> -> memref<10000x16xf32, #tpu.memory_space<hbm>>
      tpu.enqueue_indirect_dma source(%dma_start3A_15 : memref<10000x16xf32, #tpu.memory_space<hbm>>) target(%arg6 : memref<128x16xf32, #tpu.memory_space<vmem>>) offsets(%dma_start3A_12 : memref<128xi32, #tpu.memory_space<vmem>>) semaphore(%arg7 : memref<!tpu.dma_semaphore, #tpu.memory_space<semaphore_mem>>)
      %dma_wait3A = arith.constant 0 : i32
      %dma_wait3A_16 = tpu.memref_slice %arg5[%scan3A_10, %dma_wait3A] : memref<80x128xi32, #tpu.memory_space<vmem>> -> memref<1x128xi32, #tpu.memory_space<vmem>>
      %dma_wait3A_17 = tpu.memref_squeeze %dma_wait3A_16 : memref<1x128xi32, #tpu.memory_space<vmem>> -> memref<128xi32, #tpu.memory_space<vmem>>
      %dma_wait3A_18 = arith.constant 0 : i32
      %dma_wait3A_19 = arith.constant 0 : i32
      %dma_wait3A_20 = tpu.memref_slice %arg2[%dma_wait3A_18, %dma_wait3A_19] : memref<10000x16xf32, #tpu.memory_space<hbm>> -> memref<10000x16xf32, #tpu.memory_space<hbm>>
      tpu.wait_indirect_dma semaphore(%arg7 : memref<!tpu.dma_semaphore, #tpu.memory_space<semaphore_mem>>) src(%dma_wait3A_20 : memref<10000x16xf32, #tpu.memory_space<hbm>>) dst(%arg6 : memref<128x16xf32, #tpu.memory_space<vmem>>)
      %mul3A_21 = arith.constant 128 : i32
      %mul3A_22 = arith.muli %scan3A_10, %mul3A_21 : i32
      %add3A_23 = arith.addi %mul3A_2, %mul3A_22 : i32
      "tpu.region"() ({
        %run_scoped3A = tpu.sem_alloc : memref<!tpu.dma_semaphore, #tpu.memory_space<semaphore_mem>>
        %dma_start3A_24 = arith.constant 0 : i32
        %dma_start3A_25 = tpu.memref_slice %arg4[%add3A_23, %dma_start3A_24] : memref<327680x16xf32, #tpu.memory_space<hbm>> -> memref<128x16xf32, #tpu.memory_space<hbm>>
        %dma_start3A_26 = arith.constant 0 : i32
        %dma_start3A_27 = tpu.memref_slice %arg4[%add3A_23, %dma_start3A_26] : memref<327680x16xf32, #tpu.memory_space<hbm>> -> memref<128x16xf32, #tpu.memory_space<hbm>>
        tpu.enqueue_dma source(%arg6 : memref<128x16xf32, #tpu.memory_space<vmem>>) target(%dma_start3A_27 : memref<128x16xf32, #tpu.memory_space<hbm>>) target_semaphore(%run_scoped3A : memref<!tpu.dma_semaphore, #tpu.memory_space<semaphore_mem>>)
        %dma_wait3A_28 = arith.constant 0 : i32
        %dma_wait3A_29 = tpu.memref_slice %arg4[%add3A_23, %dma_wait3A_28] : memref<327680x16xf32, #tpu.memory_space<hbm>> -> memref<128x16xf32, #tpu.memory_space<hbm>>
        %dma_wait3A_30 = arith.constant 0 : i32
        %dma_wait3A_31 = tpu.memref_slice %arg4[%add3A_23, %dma_wait3A_30] : memref<327680x16xf32, #tpu.memory_space<hbm>> -> memref<128x16xf32, #tpu.memory_space<hbm>>
        tpu.wait_dma2 semaphore(%run_scoped3A : memref<!tpu.dma_semaphore, #tpu.memory_space<semaphore_mem>>) src(%arg6 : memref<128x16xf32, #tpu.memory_space<vmem>>) dst(%dma_wait3A_31 : memref<128x16xf32, #tpu.memory_space<hbm>>)
        tpu.yield
      }) : () -> ()
    }
    %scan3A_9 = arith.constant 80 : i32
    return
  }
}

#map = affine_map<(d0, d1) -> (0, 0)>
#map1 = affine_map<(d0, d1) -> (0, 0, 0)>
module attributes {stable_mosaic.version = 14 : i64} {
  func.func @scatter_k(%arg0: i32, %arg1: i32, %arg2: memref<163840x128xf32, #tpu.memory_space<hbm>>, %arg3: memref<1280x128xi32, #tpu.memory_space<hbm>>, %arg4: memref<10240x128xf32, #tpu.memory_space<hbm>>, %arg5: memref<2x10240x128xf32, #tpu.memory_space<hbm>>, %arg6: memref<40x128xi32, #tpu.memory_space<vmem>>, %arg7: memref<128x128xf32, #tpu.memory_space<vmem>>, %arg8: memref<10240x128xf32, #tpu.memory_space<vmem_shared>>, %arg9: memref<!tpu.dma_semaphore, #tpu.memory_space<semaphore_mem>>) attributes {dimension_semantics = [#tpu.dimension_semantics<core_parallel>, #tpu.dimension_semantics<subcore_parallel>], iteration_bounds = array<i64: 2, 16>, scalar_prefetch = 0 : i64, scratch_operands = 4 : i64, tpu.core_type = #tpu.core_type<sc_vector_subcore>, window_params = [{transform_indices = #map}, {transform_indices = #map}, {transform_indices = #map}, {transform_indices = #map1}]} {
    %eq3A = arith.constant 0 : i32
    %eq3A_0 = arith.cmpi eq, %arg1, %eq3A : i32
    %convert_element_type3A = arith.extui %eq3A_0 : i1 to i32
    %cond3A = arith.constant 0 : i32
    %cond3A_1 = arith.cmpi ne, %convert_element_type3A, %cond3A : i32
    scf.if %cond3A_1 {
      "tpu.region"() ({
        %run_scoped3A = tpu.sem_alloc : memref<!tpu.dma_semaphore, #tpu.memory_space<semaphore_mem>>
        tpu.enqueue_dma source(%arg4 : memref<10240x128xf32, #tpu.memory_space<hbm>>) target(%arg8 : memref<10240x128xf32, #tpu.memory_space<vmem_shared>>) target_semaphore(%run_scoped3A : memref<!tpu.dma_semaphore, #tpu.memory_space<semaphore_mem>>)
        tpu.wait_dma2 semaphore(%run_scoped3A : memref<!tpu.dma_semaphore, #tpu.memory_space<semaphore_mem>>) src(%arg4 : memref<10240x128xf32, #tpu.memory_space<hbm>>) dst(%arg8 : memref<10240x128xf32, #tpu.memory_space<vmem_shared>>)
        tpu.yield
      }) : () -> ()
    } else {
    }
    %barrier3A = arith.constant 0 : index
    tpu.barrier barrier_id(%barrier3A)
    %mul3A = arith.constant 640 : i32
    %mul3A_2 = arith.muli %arg0, %mul3A : i32
    %mul3A_3 = arith.constant 40 : i32
    %mul3A_4 = arith.muli %arg1, %mul3A_3 : i32
    %add3A = arith.addi %mul3A_2, %mul3A_4 : i32
    "tpu.region"() ({
      %run_scoped3A = tpu.sem_alloc : memref<!tpu.dma_semaphore, #tpu.memory_space<semaphore_mem>>
      %dma_start3A = arith.constant 0 : i32
      %dma_start3A_13 = tpu.memref_slice %arg3[%add3A, %dma_start3A] : memref<1280x128xi32, #tpu.memory_space<hbm>> -> memref<40x128xi32, #tpu.memory_space<hbm>>
      %dma_start3A_14 = arith.constant 0 : i32
      %dma_start3A_15 = tpu.memref_slice %arg3[%add3A, %dma_start3A_14] : memref<1280x128xi32, #tpu.memory_space<hbm>> -> memref<40x128xi32, #tpu.memory_space<hbm>>
      tpu.enqueue_dma source(%dma_start3A_15 : memref<40x128xi32, #tpu.memory_space<hbm>>) target(%arg6 : memref<40x128xi32, #tpu.memory_space<vmem>>) target_semaphore(%run_scoped3A : memref<!tpu.dma_semaphore, #tpu.memory_space<semaphore_mem>>)
      %dma_wait3A = arith.constant 0 : i32
      %dma_wait3A_16 = tpu.memref_slice %arg3[%add3A, %dma_wait3A] : memref<1280x128xi32, #tpu.memory_space<hbm>> -> memref<40x128xi32, #tpu.memory_space<hbm>>
      %dma_wait3A_17 = arith.constant 0 : i32
      %dma_wait3A_18 = tpu.memref_slice %arg3[%add3A, %dma_wait3A_17] : memref<1280x128xi32, #tpu.memory_space<hbm>> -> memref<40x128xi32, #tpu.memory_space<hbm>>
      tpu.wait_dma2 semaphore(%run_scoped3A : memref<!tpu.dma_semaphore, #tpu.memory_space<semaphore_mem>>) src(%dma_wait3A_18 : memref<40x128xi32, #tpu.memory_space<hbm>>) dst(%arg6 : memref<40x128xi32, #tpu.memory_space<vmem>>)
      tpu.yield
    }) : () -> ()
    %scan3A = arith.constant 0 : i32
    %scan3A_5 = arith.constant 0 : i32
    %scan3A_6 = arith.constant 40 : i32
    %scan3A_7 = arith.addi %scan3A_5, %scan3A_6 : i32
    %scan3A_8 = arith.constant 1 : i32
    scf.for %scan3A_13 = %scan3A_5 to %scan3A_7 step %scan3A_8  : i32 {
      %add3A_14 = arith.addi %add3A, %scan3A_13 : i32
      %mul3A_15 = arith.constant 128 : i32
      %mul3A_16 = arith.muli %add3A_14, %mul3A_15 : i32
      "tpu.region"() ({
        %run_scoped3A = tpu.sem_alloc : memref<!tpu.dma_semaphore, #tpu.memory_space<semaphore_mem>>
        %dma_start3A = arith.constant 0 : i32
        %dma_start3A_17 = tpu.memref_slice %arg2[%mul3A_16, %dma_start3A] : memref<163840x128xf32, #tpu.memory_space<hbm>> -> memref<128x128xf32, #tpu.memory_space<hbm>>
        %dma_start3A_18 = arith.constant 0 : i32
        %dma_start3A_19 = tpu.memref_slice %arg2[%mul3A_16, %dma_start3A_18] : memref<163840x128xf32, #tpu.memory_space<hbm>> -> memref<128x128xf32, #tpu.memory_space<hbm>>
        tpu.enqueue_dma source(%dma_start3A_19 : memref<128x128xf32, #tpu.memory_space<hbm>>) target(%arg7 : memref<128x128xf32, #tpu.memory_space<vmem>>) target_semaphore(%run_scoped3A : memref<!tpu.dma_semaphore, #tpu.memory_space<semaphore_mem>>)
        %dma_wait3A = arith.constant 0 : i32
        %dma_wait3A_20 = tpu.memref_slice %arg2[%mul3A_16, %dma_wait3A] : memref<163840x128xf32, #tpu.memory_space<hbm>> -> memref<128x128xf32, #tpu.memory_space<hbm>>
        %dma_wait3A_21 = arith.constant 0 : i32
        %dma_wait3A_22 = tpu.memref_slice %arg2[%mul3A_16, %dma_wait3A_21] : memref<163840x128xf32, #tpu.memory_space<hbm>> -> memref<128x128xf32, #tpu.memory_space<hbm>>
        tpu.wait_dma2 semaphore(%run_scoped3A : memref<!tpu.dma_semaphore, #tpu.memory_space<semaphore_mem>>) src(%dma_wait3A_22 : memref<128x128xf32, #tpu.memory_space<hbm>>) dst(%arg7 : memref<128x128xf32, #tpu.memory_space<vmem>>)
        tpu.yield
      }) : () -> ()
      "tpu.region"() ({
        %run_scoped3A = tpu.sem_alloc : memref<!tpu.dma_semaphore, #tpu.memory_space<semaphore_mem>>
        %dma_start3A = arith.constant 0 : i32
        %dma_start3A_17 = tpu.memref_slice %arg6[%scan3A_13, %dma_start3A] : memref<40x128xi32, #tpu.memory_space<vmem>> -> memref<1x128xi32, #tpu.memory_space<vmem>>
        %dma_start3A_18 = tpu.memref_squeeze %dma_start3A_17 : memref<1x128xi32, #tpu.memory_space<vmem>> -> memref<128xi32, #tpu.memory_space<vmem>>
        %dma_start3A_19 = arith.constant 0 : i32
        %dma_start3A_20 = arith.constant 0 : i32
        %dma_start3A_21 = tpu.memref_slice %arg8[%dma_start3A_19, %dma_start3A_20] : memref<10240x128xf32, #tpu.memory_space<vmem_shared>> -> memref<10240x128xf32, #tpu.memory_space<vmem_shared>>
        tpu.enqueue_indirect_dma source(%arg7 : memref<128x128xf32, #tpu.memory_space<vmem>>) target(%dma_start3A_21 : memref<10240x128xf32, #tpu.memory_space<vmem_shared>>) offsets(%dma_start3A_18 : memref<128xi32, #tpu.memory_space<vmem>>) semaphore(%run_scoped3A : memref<!tpu.dma_semaphore, #tpu.memory_space<semaphore_mem>>) {add = true}
        %dma_wait3A = arith.constant 0 : i32
        %dma_wait3A_22 = tpu.memref_slice %arg6[%scan3A_13, %dma_wait3A] : memref<40x128xi32, #tpu.memory_space<vmem>> -> memref<1x128xi32, #tpu.memory_space<vmem>>
        %dma_wait3A_23 = tpu.memref_squeeze %dma_wait3A_22 : memref<1x128xi32, #tpu.memory_space<vmem>> -> memref<128xi32, #tpu.memory_space<vmem>>
        %dma_wait3A_24 = arith.constant 0 : i32
        %dma_wait3A_25 = arith.constant 0 : i32
        %dma_wait3A_26 = tpu.memref_slice %arg8[%dma_wait3A_24, %dma_wait3A_25] : memref<10240x128xf32, #tpu.memory_space<vmem_shared>> -> memref<10240x128xf32, #tpu.memory_space<vmem_shared>>
        tpu.wait_indirect_dma semaphore(%run_scoped3A : memref<!tpu.dma_semaphore, #tpu.memory_space<semaphore_mem>>) src(%arg7 : memref<128x128xf32, #tpu.memory_space<vmem>>) dst(%dma_wait3A_26 : memref<10240x128xf32, #tpu.memory_space<vmem_shared>>)
        tpu.yield
      }) : () -> ()
    }
    %scan3A_9 = arith.constant 40 : i32
    %barrier3A_10 = arith.constant 0 : index
    tpu.barrier barrier_id(%barrier3A_10)
    %mul3A_11 = arith.constant 640 : i32
    %mul3A_12 = arith.muli %arg1, %mul3A_11 : i32
    "tpu.region"() ({
      %run_scoped3A = tpu.sem_alloc : memref<!tpu.dma_semaphore, #tpu.memory_space<semaphore_mem>>
      %dma_start3A = arith.constant 0 : i32
      %dma_start3A_13 = arith.constant 0 : i32
      %dma_start3A_14 = tpu.memref_slice %arg5[%arg0, %dma_start3A, %dma_start3A_13] : memref<2x10240x128xf32, #tpu.memory_space<hbm>> -> memref<1x10240x128xf32, #tpu.memory_space<hbm>>
      %dma_start3A_15 = tpu.memref_squeeze %dma_start3A_14 : memref<1x10240x128xf32, #tpu.memory_space<hbm>> -> memref<10240x128xf32, #tpu.memory_space<hbm>>
      %dma_start3A_16 = arith.constant 0 : i32
      %dma_start3A_17 = tpu.memref_slice %dma_start3A_15[%mul3A_12, %dma_start3A_16] : memref<10240x128xf32, #tpu.memory_space<hbm>> -> memref<640x128xf32, #tpu.memory_space<hbm>>
      %dma_start3A_18 = arith.constant 0 : i32
      %dma_start3A_19 = tpu.memref_slice %arg8[%mul3A_12, %dma_start3A_18] : memref<10240x128xf32, #tpu.memory_space<vmem_shared>> -> memref<640x128xf32, #tpu.memory_space<vmem_shared>>
      tpu.enqueue_dma source(%dma_start3A_19 : memref<640x128xf32, #tpu.memory_space<vmem_shared>>) target(%dma_start3A_17 : memref<640x128xf32, #tpu.memory_space<hbm>>) target_semaphore(%run_scoped3A : memref<!tpu.dma_semaphore, #tpu.memory_space<semaphore_mem>>)
      %dma_wait3A = arith.constant 0 : i32
      %dma_wait3A_20 = arith.constant 0 : i32
      %dma_wait3A_21 = tpu.memref_slice %arg5[%arg0, %dma_wait3A, %dma_wait3A_20] : memref<2x10240x128xf32, #tpu.memory_space<hbm>> -> memref<1x10240x128xf32, #tpu.memory_space<hbm>>
      %dma_wait3A_22 = tpu.memref_squeeze %dma_wait3A_21 : memref<1x10240x128xf32, #tpu.memory_space<hbm>> -> memref<10240x128xf32, #tpu.memory_space<hbm>>
      %dma_wait3A_23 = arith.constant 0 : i32
      %dma_wait3A_24 = tpu.memref_slice %dma_wait3A_22[%mul3A_12, %dma_wait3A_23] : memref<10240x128xf32, #tpu.memory_space<hbm>> -> memref<640x128xf32, #tpu.memory_space<hbm>>
      %dma_wait3A_25 = arith.constant 0 : i32
      %dma_wait3A_26 = tpu.memref_slice %arg8[%mul3A_12, %dma_wait3A_25] : memref<10240x128xf32, #tpu.memory_space<vmem_shared>> -> memref<640x128xf32, #tpu.memory_space<vmem_shared>>
      tpu.wait_dma2 semaphore(%run_scoped3A : memref<!tpu.dma_semaphore, #tpu.memory_space<semaphore_mem>>) src(%dma_wait3A_26 : memref<640x128xf32, #tpu.memory_space<vmem_shared>>) dst(%dma_wait3A_24 : memref<640x128xf32, #tpu.memory_space<hbm>>)
      tpu.yield
    }) : () -> ()
    return
  }
}

#map = affine_map<(d0, d1) -> (0, 0)>
module attributes {stable_mosaic.version = 14 : i64} {
  func.func @gather_k(%arg0: i32, %arg1: i32, %arg2: memref<10000x128xf32, #tpu.memory_space<hbm>>, %arg3: memref<2560x128xi32, #tpu.memory_space<hbm>>, %arg4: memref<327680x128xf32, #tpu.memory_space<hbm>>, %arg5: memref<80x128xi32, #tpu.memory_space<vmem>>, %arg6: memref<128x128xf32, #tpu.memory_space<vmem>>, %arg7: memref<!tpu.dma_semaphore, #tpu.memory_space<semaphore_mem>>) attributes {dimension_semantics = [#tpu.dimension_semantics<core_parallel>, #tpu.dimension_semantics<subcore_parallel>], iteration_bounds = array<i64: 2, 16>, scalar_prefetch = 0 : i64, scratch_operands = 3 : i64, tpu.core_type = #tpu.core_type<sc_vector_subcore>, window_params = [{transform_indices = #map}, {transform_indices = #map}, {transform_indices = #map}]} {
    %mul3A = arith.constant 2 : i32
    %mul3A_0 = arith.muli %arg1, %mul3A : i32
    %add3A = arith.addi %mul3A_0, %arg0 : i32
    %mul3A_1 = arith.constant 10240 : i32
    %mul3A_2 = arith.muli %add3A, %mul3A_1 : i32
    %mul3A_3 = arith.constant 80 : i32
    %mul3A_4 = arith.muli %add3A, %mul3A_3 : i32
    "tpu.region"() ({
      %run_scoped3A = tpu.sem_alloc : memref<!tpu.dma_semaphore, #tpu.memory_space<semaphore_mem>>
      %dma_start3A = arith.constant 0 : i32
      %dma_start3A_10 = tpu.memref_slice %arg3[%mul3A_4, %dma_start3A] : memref<2560x128xi32, #tpu.memory_space<hbm>> -> memref<80x128xi32, #tpu.memory_space<hbm>>
      %dma_start3A_11 = arith.constant 0 : i32
      %dma_start3A_12 = tpu.memref_slice %arg3[%mul3A_4, %dma_start3A_11] : memref<2560x128xi32, #tpu.memory_space<hbm>> -> memref<80x128xi32, #tpu.memory_space<hbm>>
      tpu.enqueue_dma source(%dma_start3A_12 : memref<80x128xi32, #tpu.memory_space<hbm>>) target(%arg5 : memref<80x128xi32, #tpu.memory_space<vmem>>) target_semaphore(%run_scoped3A : memref<!tpu.dma_semaphore, #tpu.memory_space<semaphore_mem>>)
      %dma_wait3A = arith.constant 0 : i32
      %dma_wait3A_13 = tpu.memref_slice %arg3[%mul3A_4, %dma_wait3A] : memref<2560x128xi32, #tpu.memory_space<hbm>> -> memref<80x128xi32, #tpu.memory_space<hbm>>
      %dma_wait3A_14 = arith.constant 0 : i32
      %dma_wait3A_15 = tpu.memref_slice %arg3[%mul3A_4, %dma_wait3A_14] : memref<2560x128xi32, #tpu.memory_space<hbm>> -> memref<80x128xi32, #tpu.memory_space<hbm>>
      tpu.wait_dma2 semaphore(%run_scoped3A : memref<!tpu.dma_semaphore, #tpu.memory_space<semaphore_mem>>) src(%dma_wait3A_15 : memref<80x128xi32, #tpu.memory_space<hbm>>) dst(%arg5 : memref<80x128xi32, #tpu.memory_space<vmem>>)
      tpu.yield
    }) : () -> ()
    %scan3A = arith.constant 0 : i32
    %scan3A_5 = arith.constant 0 : i32
    %scan3A_6 = arith.constant 80 : i32
    %scan3A_7 = arith.addi %scan3A_5, %scan3A_6 : i32
    %scan3A_8 = arith.constant 1 : i32
    scf.for %scan3A_10 = %scan3A_5 to %scan3A_7 step %scan3A_8  : i32 {
      %dma_start3A = arith.constant 0 : i32
      %dma_start3A_11 = tpu.memref_slice %arg5[%scan3A_10, %dma_start3A] : memref<80x128xi32, #tpu.memory_space<vmem>> -> memref<1x128xi32, #tpu.memory_space<vmem>>
      %dma_start3A_12 = tpu.memref_squeeze %dma_start3A_11 : memref<1x128xi32, #tpu.memory_space<vmem>> -> memref<128xi32, #tpu.memory_space<vmem>>
      %dma_start3A_13 = arith.constant 0 : i32
      %dma_start3A_14 = arith.constant 0 : i32
      %dma_start3A_15 = tpu.memref_slice %arg2[%dma_start3A_13, %dma_start3A_14] : memref<10000x128xf32, #tpu.memory_space<hbm>> -> memref<10000x128xf32, #tpu.memory_space<hbm>>
      tpu.enqueue_indirect_dma source(%dma_start3A_15 : memref<10000x128xf32, #tpu.memory_space<hbm>>) target(%arg6 : memref<128x128xf32, #tpu.memory_space<vmem>>) offsets(%dma_start3A_12 : memref<128xi32, #tpu.memory_space<vmem>>) semaphore(%arg7 : memref<!tpu.dma_semaphore, #tpu.memory_space<semaphore_mem>>)
      %dma_wait3A = arith.constant 0 : i32
      %dma_wait3A_16 = tpu.memref_slice %arg5[%scan3A_10, %dma_wait3A] : memref<80x128xi32, #tpu.memory_space<vmem>> -> memref<1x128xi32, #tpu.memory_space<vmem>>
      %dma_wait3A_17 = tpu.memref_squeeze %dma_wait3A_16 : memref<1x128xi32, #tpu.memory_space<vmem>> -> memref<128xi32, #tpu.memory_space<vmem>>
      %dma_wait3A_18 = arith.constant 0 : i32
      %dma_wait3A_19 = arith.constant 0 : i32
      %dma_wait3A_20 = tpu.memref_slice %arg2[%dma_wait3A_18, %dma_wait3A_19] : memref<10000x128xf32, #tpu.memory_space<hbm>> -> memref<10000x128xf32, #tpu.memory_space<hbm>>
      tpu.wait_indirect_dma semaphore(%arg7 : memref<!tpu.dma_semaphore, #tpu.memory_space<semaphore_mem>>) src(%dma_wait3A_20 : memref<10000x128xf32, #tpu.memory_space<hbm>>) dst(%arg6 : memref<128x128xf32, #tpu.memory_space<vmem>>)
      %mul3A_21 = arith.constant 128 : i32
      %mul3A_22 = arith.muli %scan3A_10, %mul3A_21 : i32
      %add3A_23 = arith.addi %mul3A_2, %mul3A_22 : i32
      "tpu.region"() ({
        %run_scoped3A = tpu.sem_alloc : memref<!tpu.dma_semaphore, #tpu.memory_space<semaphore_mem>>
        %dma_start3A_24 = arith.constant 0 : i32
        %dma_start3A_25 = tpu.memref_slice %arg4[%add3A_23, %dma_start3A_24] : memref<327680x128xf32, #tpu.memory_space<hbm>> -> memref<128x128xf32, #tpu.memory_space<hbm>>
        %dma_start3A_26 = arith.constant 0 : i32
        %dma_start3A_27 = tpu.memref_slice %arg4[%add3A_23, %dma_start3A_26] : memref<327680x128xf32, #tpu.memory_space<hbm>> -> memref<128x128xf32, #tpu.memory_space<hbm>>
        tpu.enqueue_dma source(%arg6 : memref<128x128xf32, #tpu.memory_space<vmem>>) target(%dma_start3A_27 : memref<128x128xf32, #tpu.memory_space<hbm>>) target_semaphore(%run_scoped3A : memref<!tpu.dma_semaphore, #tpu.memory_space<semaphore_mem>>)
        %dma_wait3A_28 = arith.constant 0 : i32
        %dma_wait3A_29 = tpu.memref_slice %arg4[%add3A_23, %dma_wait3A_28] : memref<327680x128xf32, #tpu.memory_space<hbm>> -> memref<128x128xf32, #tpu.memory_space<hbm>>
        %dma_wait3A_30 = arith.constant 0 : i32
        %dma_wait3A_31 = tpu.memref_slice %arg4[%add3A_23, %dma_wait3A_30] : memref<327680x128xf32, #tpu.memory_space<hbm>> -> memref<128x128xf32, #tpu.memory_space<hbm>>
        tpu.wait_dma2 semaphore(%run_scoped3A : memref<!tpu.dma_semaphore, #tpu.memory_space<semaphore_mem>>) src(%arg6 : memref<128x128xf32, #tpu.memory_space<vmem>>) dst(%dma_wait3A_31 : memref<128x128xf32, #tpu.memory_space<hbm>>)
        tpu.yield
      }) : () -> ()
    }
    %scan3A_9 = arith.constant 80 : i32
    return
  }
}

#map = affine_map<(d0, d1) -> (0, 0)>
#map1 = affine_map<(d0, d1) -> (0, 0, 0)>
module attributes {stable_mosaic.version = 14 : i64} {
  func.func @scatter_k(%arg0: i32, %arg1: i32, %arg2: memref<163840x128xf32, #tpu.memory_space<hbm>>, %arg3: memref<1280x128xi32, #tpu.memory_space<hbm>>, %arg4: memref<10240x128xf32, #tpu.memory_space<hbm>>, %arg5: memref<2x10240x128xf32, #tpu.memory_space<hbm>>, %arg6: memref<40x128xi32, #tpu.memory_space<vmem>>, %arg7: memref<128x128xf32, #tpu.memory_space<vmem>>, %arg8: memref<10240x128xf32, #tpu.memory_space<vmem_shared>>, %arg9: memref<!tpu.dma_semaphore, #tpu.memory_space<semaphore_mem>>) attributes {dimension_semantics = [#tpu.dimension_semantics<core_parallel>, #tpu.dimension_semantics<subcore_parallel>], iteration_bounds = array<i64: 2, 16>, scalar_prefetch = 0 : i64, scratch_operands = 4 : i64, tpu.core_type = #tpu.core_type<sc_vector_subcore>, window_params = [{transform_indices = #map}, {transform_indices = #map}, {transform_indices = #map}, {transform_indices = #map1}]} {
    %eq3A = arith.constant 0 : i32
    %eq3A_0 = arith.cmpi eq, %arg1, %eq3A : i32
    %convert_element_type3A = arith.extui %eq3A_0 : i1 to i32
    %cond3A = arith.constant 0 : i32
    %cond3A_1 = arith.cmpi ne, %convert_element_type3A, %cond3A : i32
    scf.if %cond3A_1 {
      "tpu.region"() ({
        %run_scoped3A = tpu.sem_alloc : memref<!tpu.dma_semaphore, #tpu.memory_space<semaphore_mem>>
        tpu.enqueue_dma source(%arg4 : memref<10240x128xf32, #tpu.memory_space<hbm>>) target(%arg8 : memref<10240x128xf32, #tpu.memory_space<vmem_shared>>) target_semaphore(%run_scoped3A : memref<!tpu.dma_semaphore, #tpu.memory_space<semaphore_mem>>)
        tpu.wait_dma2 semaphore(%run_scoped3A : memref<!tpu.dma_semaphore, #tpu.memory_space<semaphore_mem>>) src(%arg4 : memref<10240x128xf32, #tpu.memory_space<hbm>>) dst(%arg8 : memref<10240x128xf32, #tpu.memory_space<vmem_shared>>)
        tpu.yield
      }) : () -> ()
    } else {
    }
    %barrier3A = arith.constant 0 : index
    tpu.barrier barrier_id(%barrier3A)
    %mul3A = arith.constant 640 : i32
    %mul3A_2 = arith.muli %arg0, %mul3A : i32
    %mul3A_3 = arith.constant 40 : i32
    %mul3A_4 = arith.muli %arg1, %mul3A_3 : i32
    %add3A = arith.addi %mul3A_2, %mul3A_4 : i32
    "tpu.region"() ({
      %run_scoped3A = tpu.sem_alloc : memref<!tpu.dma_semaphore, #tpu.memory_space<semaphore_mem>>
      %dma_start3A = arith.constant 0 : i32
      %dma_start3A_13 = tpu.memref_slice %arg3[%add3A, %dma_start3A] : memref<1280x128xi32, #tpu.memory_space<hbm>> -> memref<40x128xi32, #tpu.memory_space<hbm>>
      %dma_start3A_14 = arith.constant 0 : i32
      %dma_start3A_15 = tpu.memref_slice %arg3[%add3A, %dma_start3A_14] : memref<1280x128xi32, #tpu.memory_space<hbm>> -> memref<40x128xi32, #tpu.memory_space<hbm>>
      tpu.enqueue_dma source(%dma_start3A_15 : memref<40x128xi32, #tpu.memory_space<hbm>>) target(%arg6 : memref<40x128xi32, #tpu.memory_space<vmem>>) target_semaphore(%run_scoped3A : memref<!tpu.dma_semaphore, #tpu.memory_space<semaphore_mem>>)
      %dma_wait3A = arith.constant 0 : i32
      %dma_wait3A_16 = tpu.memref_slice %arg3[%add3A, %dma_wait3A] : memref<1280x128xi32, #tpu.memory_space<hbm>> -> memref<40x128xi32, #tpu.memory_space<hbm>>
      %dma_wait3A_17 = arith.constant 0 : i32
      %dma_wait3A_18 = tpu.memref_slice %arg3[%add3A, %dma_wait3A_17] : memref<1280x128xi32, #tpu.memory_space<hbm>> -> memref<40x128xi32, #tpu.memory_space<hbm>>
      tpu.wait_dma2 semaphore(%run_scoped3A : memref<!tpu.dma_semaphore, #tpu.memory_space<semaphore_mem>>) src(%dma_wait3A_18 : memref<40x128xi32, #tpu.memory_space<hbm>>) dst(%arg6 : memref<40x128xi32, #tpu.memory_space<vmem>>)
      tpu.yield
    }) : () -> ()
    %scan3A = arith.constant 0 : i32
    %scan3A_5 = arith.constant 0 : i32
    %scan3A_6 = arith.constant 40 : i32
    %scan3A_7 = arith.addi %scan3A_5, %scan3A_6 : i32
    %scan3A_8 = arith.constant 1 : i32
    scf.for %scan3A_13 = %scan3A_5 to %scan3A_7 step %scan3A_8  : i32 {
      %add3A_14 = arith.addi %add3A, %scan3A_13 : i32
      %mul3A_15 = arith.constant 128 : i32
      %mul3A_16 = arith.muli %add3A_14, %mul3A_15 : i32
      "tpu.region"() ({
        %run_scoped3A = tpu.sem_alloc : memref<!tpu.dma_semaphore, #tpu.memory_space<semaphore_mem>>
        %dma_start3A = arith.constant 0 : i32
        %dma_start3A_17 = tpu.memref_slice %arg2[%mul3A_16, %dma_start3A] : memref<163840x128xf32, #tpu.memory_space<hbm>> -> memref<128x128xf32, #tpu.memory_space<hbm>>
        %dma_start3A_18 = arith.constant 0 : i32
        %dma_start3A_19 = tpu.memref_slice %arg2[%mul3A_16, %dma_start3A_18] : memref<163840x128xf32, #tpu.memory_space<hbm>> -> memref<128x128xf32, #tpu.memory_space<hbm>>
        tpu.enqueue_dma source(%dma_start3A_19 : memref<128x128xf32, #tpu.memory_space<hbm>>) target(%arg7 : memref<128x128xf32, #tpu.memory_space<vmem>>) target_semaphore(%run_scoped3A : memref<!tpu.dma_semaphore, #tpu.memory_space<semaphore_mem>>)
        %dma_wait3A = arith.constant 0 : i32
        %dma_wait3A_20 = tpu.memref_slice %arg2[%mul3A_16, %dma_wait3A] : memref<163840x128xf32, #tpu.memory_space<hbm>> -> memref<128x128xf32, #tpu.memory_space<hbm>>
        %dma_wait3A_21 = arith.constant 0 : i32
        %dma_wait3A_22 = tpu.memref_slice %arg2[%mul3A_16, %dma_wait3A_21] : memref<163840x128xf32, #tpu.memory_space<hbm>> -> memref<128x128xf32, #tpu.memory_space<hbm>>
        tpu.wait_dma2 semaphore(%run_scoped3A : memref<!tpu.dma_semaphore, #tpu.memory_space<semaphore_mem>>) src(%dma_wait3A_22 : memref<128x128xf32, #tpu.memory_space<hbm>>) dst(%arg7 : memref<128x128xf32, #tpu.memory_space<vmem>>)
        tpu.yield
      }) : () -> ()
      "tpu.region"() ({
        %run_scoped3A = tpu.sem_alloc : memref<!tpu.dma_semaphore, #tpu.memory_space<semaphore_mem>>
        %dma_start3A = arith.constant 0 : i32
        %dma_start3A_17 = tpu.memref_slice %arg6[%scan3A_13, %dma_start3A] : memref<40x128xi32, #tpu.memory_space<vmem>> -> memref<1x128xi32, #tpu.memory_space<vmem>>
        %dma_start3A_18 = tpu.memref_squeeze %dma_start3A_17 : memref<1x128xi32, #tpu.memory_space<vmem>> -> memref<128xi32, #tpu.memory_space<vmem>>
        %dma_start3A_19 = arith.constant 0 : i32
        %dma_start3A_20 = arith.constant 0 : i32
        %dma_start3A_21 = tpu.memref_slice %arg8[%dma_start3A_19, %dma_start3A_20] : memref<10240x128xf32, #tpu.memory_space<vmem_shared>> -> memref<10240x128xf32, #tpu.memory_space<vmem_shared>>
        tpu.enqueue_indirect_dma source(%arg7 : memref<128x128xf32, #tpu.memory_space<vmem>>) target(%dma_start3A_21 : memref<10240x128xf32, #tpu.memory_space<vmem_shared>>) offsets(%dma_start3A_18 : memref<128xi32, #tpu.memory_space<vmem>>) semaphore(%run_scoped3A : memref<!tpu.dma_semaphore, #tpu.memory_space<semaphore_mem>>) {add = true}
        %dma_wait3A = arith.constant 0 : i32
        %dma_wait3A_22 = tpu.memref_slice %arg6[%scan3A_13, %dma_wait3A] : memref<40x128xi32, #tpu.memory_space<vmem>> -> memref<1x128xi32, #tpu.memory_space<vmem>>
        %dma_wait3A_23 = tpu.memref_squeeze %dma_wait3A_22 : memref<1x128xi32, #tpu.memory_space<vmem>> -> memref<128xi32, #tpu.memory_space<vmem>>
        %dma_wait3A_24 = arith.constant 0 : i32
        %dma_wait3A_25 = arith.constant 0 : i32
        %dma_wait3A_26 = tpu.memref_slice %arg8[%dma_wait3A_24, %dma_wait3A_25] : memref<10240x128xf32, #tpu.memory_space<vmem_shared>> -> memref<10240x128xf32, #tpu.memory_space<vmem_shared>>
        tpu.wait_indirect_dma semaphore(%run_scoped3A : memref<!tpu.dma_semaphore, #tpu.memory_space<semaphore_mem>>) src(%arg7 : memref<128x128xf32, #tpu.memory_space<vmem>>) dst(%dma_wait3A_26 : memref<10240x128xf32, #tpu.memory_space<vmem_shared>>)
        tpu.yield
      }) : () -> ()
    }
    %scan3A_9 = arith.constant 40 : i32
    %barrier3A_10 = arith.constant 0 : index
    tpu.barrier barrier_id(%barrier3A_10)
    %mul3A_11 = arith.constant 640 : i32
    %mul3A_12 = arith.muli %arg1, %mul3A_11 : i32
    "tpu.region"() ({
      %run_scoped3A = tpu.sem_alloc : memref<!tpu.dma_semaphore, #tpu.memory_space<semaphore_mem>>
      %dma_start3A = arith.constant 0 : i32
      %dma_start3A_13 = arith.constant 0 : i32
      %dma_start3A_14 = tpu.memref_slice %arg5[%arg0, %dma_start3A, %dma_start3A_13] : memref<2x10240x128xf32, #tpu.memory_space<hbm>> -> memref<1x10240x128xf32, #tpu.memory_space<hbm>>
      %dma_start3A_15 = tpu.memref_squeeze %dma_start3A_14 : memref<1x10240x128xf32, #tpu.memory_space<hbm>> -> memref<10240x128xf32, #tpu.memory_space<hbm>>
      %dma_start3A_16 = arith.constant 0 : i32
      %dma_start3A_17 = tpu.memref_slice %dma_start3A_15[%mul3A_12, %dma_start3A_16] : memref<10240x128xf32, #tpu.memory_space<hbm>> -> memref<640x128xf32, #tpu.memory_space<hbm>>
      %dma_start3A_18 = arith.constant 0 : i32
      %dma_start3A_19 = tpu.memref_slice %arg8[%mul3A_12, %dma_start3A_18] : memref<10240x128xf32, #tpu.memory_space<vmem_shared>> -> memref<640x128xf32, #tpu.memory_space<vmem_shared>>
      tpu.enqueue_dma source(%dma_start3A_19 : memref<640x128xf32, #tpu.memory_space<vmem_shared>>) target(%dma_start3A_17 : memref<640x128xf32, #tpu.memory_space<hbm>>) target_semaphore(%run_scoped3A : memref<!tpu.dma_semaphore, #tpu.memory_space<semaphore_mem>>)
      %dma_wait3A = arith.constant 0 : i32
      %dma_wait3A_20 = arith.constant 0 : i32
      %dma_wait3A_21 = tpu.memref_slice %arg5[%arg0, %dma_wait3A, %dma_wait3A_20] : memref<2x10240x128xf32, #tpu.memory_space<hbm>> -> memref<1x10240x128xf32, #tpu.memory_space<hbm>>
      %dma_wait3A_22 = tpu.memref_squeeze %dma_wait3A_21 : memref<1x10240x128xf32, #tpu.memory_space<hbm>> -> memref<10240x128xf32, #tpu.memory_space<hbm>>
      %dma_wait3A_23 = arith.constant 0 : i32
      %dma_wait3A_24 = tpu.memref_slice %dma_wait3A_22[%mul3A_12, %dma_wait3A_23] : memref<10240x128xf32, #tpu.memory_space<hbm>> -> memref<640x128xf32, #tpu.memory_space<hbm>>
      %dma_wait3A_25 = arith.constant 0 : i32
      %dma_wait3A_26 = tpu.memref_slice %arg8[%mul3A_12, %dma_wait3A_25] : memref<10240x128xf32, #tpu.memory_space<vmem_shared>> -> memref<640x128xf32, #tpu.memory_space<vmem_shared>>
      tpu.wait_dma2 semaphore(%run_scoped3A : memref<!tpu.dma_semaphore, #tpu.memory_space<semaphore_mem>>) src(%dma_wait3A_26 : memref<640x128xf32, #tpu.memory_space<vmem_shared>>) dst(%dma_wait3A_24 : memref<640x128xf32, #tpu.memory_space<hbm>>)
      tpu.yield
    }) : () -> ()
    return
  }
}

#map = affine_map<(d0, d1) -> (0, 0)>
module attributes {stable_mosaic.version = 14 : i64} {
  func.func @gather_k(%arg0: i32, %arg1: i32, %arg2: memref<10000x128xf32, #tpu.memory_space<hbm>>, %arg3: memref<2560x128xi32, #tpu.memory_space<hbm>>, %arg4: memref<327680x128xf32, #tpu.memory_space<hbm>>, %arg5: memref<80x128xi32, #tpu.memory_space<vmem>>, %arg6: memref<128x128xf32, #tpu.memory_space<vmem>>, %arg7: memref<!tpu.dma_semaphore, #tpu.memory_space<semaphore_mem>>) attributes {dimension_semantics = [#tpu.dimension_semantics<core_parallel>, #tpu.dimension_semantics<subcore_parallel>], iteration_bounds = array<i64: 2, 16>, scalar_prefetch = 0 : i64, scratch_operands = 3 : i64, tpu.core_type = #tpu.core_type<sc_vector_subcore>, window_params = [{transform_indices = #map}, {transform_indices = #map}, {transform_indices = #map}]} {
    %mul3A = arith.constant 2 : i32
    %mul3A_0 = arith.muli %arg1, %mul3A : i32
    %add3A = arith.addi %mul3A_0, %arg0 : i32
    %mul3A_1 = arith.constant 10240 : i32
    %mul3A_2 = arith.muli %add3A, %mul3A_1 : i32
    %mul3A_3 = arith.constant 80 : i32
    %mul3A_4 = arith.muli %add3A, %mul3A_3 : i32
    "tpu.region"() ({
      %run_scoped3A = tpu.sem_alloc : memref<!tpu.dma_semaphore, #tpu.memory_space<semaphore_mem>>
      %dma_start3A = arith.constant 0 : i32
      %dma_start3A_10 = tpu.memref_slice %arg3[%mul3A_4, %dma_start3A] : memref<2560x128xi32, #tpu.memory_space<hbm>> -> memref<80x128xi32, #tpu.memory_space<hbm>>
      %dma_start3A_11 = arith.constant 0 : i32
      %dma_start3A_12 = tpu.memref_slice %arg3[%mul3A_4, %dma_start3A_11] : memref<2560x128xi32, #tpu.memory_space<hbm>> -> memref<80x128xi32, #tpu.memory_space<hbm>>
      tpu.enqueue_dma source(%dma_start3A_12 : memref<80x128xi32, #tpu.memory_space<hbm>>) target(%arg5 : memref<80x128xi32, #tpu.memory_space<vmem>>) target_semaphore(%run_scoped3A : memref<!tpu.dma_semaphore, #tpu.memory_space<semaphore_mem>>)
      %dma_wait3A = arith.constant 0 : i32
      %dma_wait3A_13 = tpu.memref_slice %arg3[%mul3A_4, %dma_wait3A] : memref<2560x128xi32, #tpu.memory_space<hbm>> -> memref<80x128xi32, #tpu.memory_space<hbm>>
      %dma_wait3A_14 = arith.constant 0 : i32
      %dma_wait3A_15 = tpu.memref_slice %arg3[%mul3A_4, %dma_wait3A_14] : memref<2560x128xi32, #tpu.memory_space<hbm>> -> memref<80x128xi32, #tpu.memory_space<hbm>>
      tpu.wait_dma2 semaphore(%run_scoped3A : memref<!tpu.dma_semaphore, #tpu.memory_space<semaphore_mem>>) src(%dma_wait3A_15 : memref<80x128xi32, #tpu.memory_space<hbm>>) dst(%arg5 : memref<80x128xi32, #tpu.memory_space<vmem>>)
      tpu.yield
    }) : () -> ()
    %scan3A = arith.constant 0 : i32
    %scan3A_5 = arith.constant 0 : i32
    %scan3A_6 = arith.constant 80 : i32
    %scan3A_7 = arith.addi %scan3A_5, %scan3A_6 : i32
    %scan3A_8 = arith.constant 1 : i32
    scf.for %scan3A_10 = %scan3A_5 to %scan3A_7 step %scan3A_8  : i32 {
      %dma_start3A = arith.constant 0 : i32
      %dma_start3A_11 = tpu.memref_slice %arg5[%scan3A_10, %dma_start3A] : memref<80x128xi32, #tpu.memory_space<vmem>> -> memref<1x128xi32, #tpu.memory_space<vmem>>
      %dma_start3A_12 = tpu.memref_squeeze %dma_start3A_11 : memref<1x128xi32, #tpu.memory_space<vmem>> -> memref<128xi32, #tpu.memory_space<vmem>>
      %dma_start3A_13 = arith.constant 0 : i32
      %dma_start3A_14 = arith.constant 0 : i32
      %dma_start3A_15 = tpu.memref_slice %arg2[%dma_start3A_13, %dma_start3A_14] : memref<10000x128xf32, #tpu.memory_space<hbm>> -> memref<10000x128xf32, #tpu.memory_space<hbm>>
      tpu.enqueue_indirect_dma source(%dma_start3A_15 : memref<10000x128xf32, #tpu.memory_space<hbm>>) target(%arg6 : memref<128x128xf32, #tpu.memory_space<vmem>>) offsets(%dma_start3A_12 : memref<128xi32, #tpu.memory_space<vmem>>) semaphore(%arg7 : memref<!tpu.dma_semaphore, #tpu.memory_space<semaphore_mem>>)
      %dma_wait3A = arith.constant 0 : i32
      %dma_wait3A_16 = tpu.memref_slice %arg5[%scan3A_10, %dma_wait3A] : memref<80x128xi32, #tpu.memory_space<vmem>> -> memref<1x128xi32, #tpu.memory_space<vmem>>
      %dma_wait3A_17 = tpu.memref_squeeze %dma_wait3A_16 : memref<1x128xi32, #tpu.memory_space<vmem>> -> memref<128xi32, #tpu.memory_space<vmem>>
      %dma_wait3A_18 = arith.constant 0 : i32
      %dma_wait3A_19 = arith.constant 0 : i32
      %dma_wait3A_20 = tpu.memref_slice %arg2[%dma_wait3A_18, %dma_wait3A_19] : memref<10000x128xf32, #tpu.memory_space<hbm>> -> memref<10000x128xf32, #tpu.memory_space<hbm>>
      tpu.wait_indirect_dma semaphore(%arg7 : memref<!tpu.dma_semaphore, #tpu.memory_space<semaphore_mem>>) src(%dma_wait3A_20 : memref<10000x128xf32, #tpu.memory_space<hbm>>) dst(%arg6 : memref<128x128xf32, #tpu.memory_space<vmem>>)
      %mul3A_21 = arith.constant 128 : i32
      %mul3A_22 = arith.muli %scan3A_10, %mul3A_21 : i32
      %add3A_23 = arith.addi %mul3A_2, %mul3A_22 : i32
      "tpu.region"() ({
        %run_scoped3A = tpu.sem_alloc : memref<!tpu.dma_semaphore, #tpu.memory_space<semaphore_mem>>
        %dma_start3A_24 = arith.constant 0 : i32
        %dma_start3A_25 = tpu.memref_slice %arg4[%add3A_23, %dma_start3A_24] : memref<327680x128xf32, #tpu.memory_space<hbm>> -> memref<128x128xf32, #tpu.memory_space<hbm>>
        %dma_start3A_26 = arith.constant 0 : i32
        %dma_start3A_27 = tpu.memref_slice %arg4[%add3A_23, %dma_start3A_26] : memref<327680x128xf32, #tpu.memory_space<hbm>> -> memref<128x128xf32, #tpu.memory_space<hbm>>
        tpu.enqueue_dma source(%arg6 : memref<128x128xf32, #tpu.memory_space<vmem>>) target(%dma_start3A_27 : memref<128x128xf32, #tpu.memory_space<hbm>>) target_semaphore(%run_scoped3A : memref<!tpu.dma_semaphore, #tpu.memory_space<semaphore_mem>>)
        %dma_wait3A_28 = arith.constant 0 : i32
        %dma_wait3A_29 = tpu.memref_slice %arg4[%add3A_23, %dma_wait3A_28] : memref<327680x128xf32, #tpu.memory_space<hbm>> -> memref<128x128xf32, #tpu.memory_space<hbm>>
        %dma_wait3A_30 = arith.constant 0 : i32
        %dma_wait3A_31 = tpu.memref_slice %arg4[%add3A_23, %dma_wait3A_30] : memref<327680x128xf32, #tpu.memory_space<hbm>> -> memref<128x128xf32, #tpu.memory_space<hbm>>
        tpu.wait_dma2 semaphore(%run_scoped3A : memref<!tpu.dma_semaphore, #tpu.memory_space<semaphore_mem>>) src(%arg6 : memref<128x128xf32, #tpu.memory_space<vmem>>) dst(%dma_wait3A_31 : memref<128x128xf32, #tpu.memory_space<hbm>>)
        tpu.yield
      }) : () -> ()
    }
    %scan3A_9 = arith.constant 80 : i32
    return
  }
}

#map = affine_map<(d0, d1) -> (0, 0)>
#map1 = affine_map<(d0, d1) -> (0, 0, 0)>
module attributes {stable_mosaic.version = 14 : i64} {
  func.func @scatter_k(%arg0: i32, %arg1: i32, %arg2: memref<163840x128xf32, #tpu.memory_space<hbm>>, %arg3: memref<1280x128xi32, #tpu.memory_space<hbm>>, %arg4: memref<10240x128xf32, #tpu.memory_space<hbm>>, %arg5: memref<2x10240x128xf32, #tpu.memory_space<hbm>>, %arg6: memref<40x128xi32, #tpu.memory_space<vmem>>, %arg7: memref<128x128xf32, #tpu.memory_space<vmem>>, %arg8: memref<10240x128xf32, #tpu.memory_space<vmem_shared>>, %arg9: memref<!tpu.dma_semaphore, #tpu.memory_space<semaphore_mem>>) attributes {dimension_semantics = [#tpu.dimension_semantics<core_parallel>, #tpu.dimension_semantics<subcore_parallel>], iteration_bounds = array<i64: 2, 16>, scalar_prefetch = 0 : i64, scratch_operands = 4 : i64, tpu.core_type = #tpu.core_type<sc_vector_subcore>, window_params = [{transform_indices = #map}, {transform_indices = #map}, {transform_indices = #map}, {transform_indices = #map1}]} {
    %eq3A = arith.constant 0 : i32
    %eq3A_0 = arith.cmpi eq, %arg1, %eq3A : i32
    %convert_element_type3A = arith.extui %eq3A_0 : i1 to i32
    %cond3A = arith.constant 0 : i32
    %cond3A_1 = arith.cmpi ne, %convert_element_type3A, %cond3A : i32
    scf.if %cond3A_1 {
      "tpu.region"() ({
        %run_scoped3A = tpu.sem_alloc : memref<!tpu.dma_semaphore, #tpu.memory_space<semaphore_mem>>
        tpu.enqueue_dma source(%arg4 : memref<10240x128xf32, #tpu.memory_space<hbm>>) target(%arg8 : memref<10240x128xf32, #tpu.memory_space<vmem_shared>>) target_semaphore(%run_scoped3A : memref<!tpu.dma_semaphore, #tpu.memory_space<semaphore_mem>>)
        tpu.wait_dma2 semaphore(%run_scoped3A : memref<!tpu.dma_semaphore, #tpu.memory_space<semaphore_mem>>) src(%arg4 : memref<10240x128xf32, #tpu.memory_space<hbm>>) dst(%arg8 : memref<10240x128xf32, #tpu.memory_space<vmem_shared>>)
        tpu.yield
      }) : () -> ()
    } else {
    }
    %barrier3A = arith.constant 0 : index
    tpu.barrier barrier_id(%barrier3A)
    %mul3A = arith.constant 640 : i32
    %mul3A_2 = arith.muli %arg0, %mul3A : i32
    %mul3A_3 = arith.constant 40 : i32
    %mul3A_4 = arith.muli %arg1, %mul3A_3 : i32
    %add3A = arith.addi %mul3A_2, %mul3A_4 : i32
    "tpu.region"() ({
      %run_scoped3A = tpu.sem_alloc : memref<!tpu.dma_semaphore, #tpu.memory_space<semaphore_mem>>
      %dma_start3A = arith.constant 0 : i32
      %dma_start3A_13 = tpu.memref_slice %arg3[%add3A, %dma_start3A] : memref<1280x128xi32, #tpu.memory_space<hbm>> -> memref<40x128xi32, #tpu.memory_space<hbm>>
      %dma_start3A_14 = arith.constant 0 : i32
      %dma_start3A_15 = tpu.memref_slice %arg3[%add3A, %dma_start3A_14] : memref<1280x128xi32, #tpu.memory_space<hbm>> -> memref<40x128xi32, #tpu.memory_space<hbm>>
      tpu.enqueue_dma source(%dma_start3A_15 : memref<40x128xi32, #tpu.memory_space<hbm>>) target(%arg6 : memref<40x128xi32, #tpu.memory_space<vmem>>) target_semaphore(%run_scoped3A : memref<!tpu.dma_semaphore, #tpu.memory_space<semaphore_mem>>)
      %dma_wait3A = arith.constant 0 : i32
      %dma_wait3A_16 = tpu.memref_slice %arg3[%add3A, %dma_wait3A] : memref<1280x128xi32, #tpu.memory_space<hbm>> -> memref<40x128xi32, #tpu.memory_space<hbm>>
      %dma_wait3A_17 = arith.constant 0 : i32
      %dma_wait3A_18 = tpu.memref_slice %arg3[%add3A, %dma_wait3A_17] : memref<1280x128xi32, #tpu.memory_space<hbm>> -> memref<40x128xi32, #tpu.memory_space<hbm>>
      tpu.wait_dma2 semaphore(%run_scoped3A : memref<!tpu.dma_semaphore, #tpu.memory_space<semaphore_mem>>) src(%dma_wait3A_18 : memref<40x128xi32, #tpu.memory_space<hbm>>) dst(%arg6 : memref<40x128xi32, #tpu.memory_space<vmem>>)
      tpu.yield
    }) : () -> ()
    %scan3A = arith.constant 0 : i32
    %scan3A_5 = arith.constant 0 : i32
    %scan3A_6 = arith.constant 40 : i32
    %scan3A_7 = arith.addi %scan3A_5, %scan3A_6 : i32
    %scan3A_8 = arith.constant 1 : i32
    scf.for %scan3A_13 = %scan3A_5 to %scan3A_7 step %scan3A_8  : i32 {
      %add3A_14 = arith.addi %add3A, %scan3A_13 : i32
      %mul3A_15 = arith.constant 128 : i32
      %mul3A_16 = arith.muli %add3A_14, %mul3A_15 : i32
      "tpu.region"() ({
        %run_scoped3A = tpu.sem_alloc : memref<!tpu.dma_semaphore, #tpu.memory_space<semaphore_mem>>
        %dma_start3A = arith.constant 0 : i32
        %dma_start3A_17 = tpu.memref_slice %arg2[%mul3A_16, %dma_start3A] : memref<163840x128xf32, #tpu.memory_space<hbm>> -> memref<128x128xf32, #tpu.memory_space<hbm>>
        %dma_start3A_18 = arith.constant 0 : i32
        %dma_start3A_19 = tpu.memref_slice %arg2[%mul3A_16, %dma_start3A_18] : memref<163840x128xf32, #tpu.memory_space<hbm>> -> memref<128x128xf32, #tpu.memory_space<hbm>>
        tpu.enqueue_dma source(%dma_start3A_19 : memref<128x128xf32, #tpu.memory_space<hbm>>) target(%arg7 : memref<128x128xf32, #tpu.memory_space<vmem>>) target_semaphore(%run_scoped3A : memref<!tpu.dma_semaphore, #tpu.memory_space<semaphore_mem>>)
        %dma_wait3A = arith.constant 0 : i32
        %dma_wait3A_20 = tpu.memref_slice %arg2[%mul3A_16, %dma_wait3A] : memref<163840x128xf32, #tpu.memory_space<hbm>> -> memref<128x128xf32, #tpu.memory_space<hbm>>
        %dma_wait3A_21 = arith.constant 0 : i32
        %dma_wait3A_22 = tpu.memref_slice %arg2[%mul3A_16, %dma_wait3A_21] : memref<163840x128xf32, #tpu.memory_space<hbm>> -> memref<128x128xf32, #tpu.memory_space<hbm>>
        tpu.wait_dma2 semaphore(%run_scoped3A : memref<!tpu.dma_semaphore, #tpu.memory_space<semaphore_mem>>) src(%dma_wait3A_22 : memref<128x128xf32, #tpu.memory_space<hbm>>) dst(%arg7 : memref<128x128xf32, #tpu.memory_space<vmem>>)
        tpu.yield
      }) : () -> ()
      "tpu.region"() ({
        %run_scoped3A = tpu.sem_alloc : memref<!tpu.dma_semaphore, #tpu.memory_space<semaphore_mem>>
        %dma_start3A = arith.constant 0 : i32
        %dma_start3A_17 = tpu.memref_slice %arg6[%scan3A_13, %dma_start3A] : memref<40x128xi32, #tpu.memory_space<vmem>> -> memref<1x128xi32, #tpu.memory_space<vmem>>
        %dma_start3A_18 = tpu.memref_squeeze %dma_start3A_17 : memref<1x128xi32, #tpu.memory_space<vmem>> -> memref<128xi32, #tpu.memory_space<vmem>>
        %dma_start3A_19 = arith.constant 0 : i32
        %dma_start3A_20 = arith.constant 0 : i32
        %dma_start3A_21 = tpu.memref_slice %arg8[%dma_start3A_19, %dma_start3A_20] : memref<10240x128xf32, #tpu.memory_space<vmem_shared>> -> memref<10240x128xf32, #tpu.memory_space<vmem_shared>>
        tpu.enqueue_indirect_dma source(%arg7 : memref<128x128xf32, #tpu.memory_space<vmem>>) target(%dma_start3A_21 : memref<10240x128xf32, #tpu.memory_space<vmem_shared>>) offsets(%dma_start3A_18 : memref<128xi32, #tpu.memory_space<vmem>>) semaphore(%run_scoped3A : memref<!tpu.dma_semaphore, #tpu.memory_space<semaphore_mem>>) {add = true}
        %dma_wait3A = arith.constant 0 : i32
        %dma_wait3A_22 = tpu.memref_slice %arg6[%scan3A_13, %dma_wait3A] : memref<40x128xi32, #tpu.memory_space<vmem>> -> memref<1x128xi32, #tpu.memory_space<vmem>>
        %dma_wait3A_23 = tpu.memref_squeeze %dma_wait3A_22 : memref<1x128xi32, #tpu.memory_space<vmem>> -> memref<128xi32, #tpu.memory_space<vmem>>
        %dma_wait3A_24 = arith.constant 0 : i32
        %dma_wait3A_25 = arith.constant 0 : i32
        %dma_wait3A_26 = tpu.memref_slice %arg8[%dma_wait3A_24, %dma_wait3A_25] : memref<10240x128xf32, #tpu.memory_space<vmem_shared>> -> memref<10240x128xf32, #tpu.memory_space<vmem_shared>>
        tpu.wait_indirect_dma semaphore(%run_scoped3A : memref<!tpu.dma_semaphore, #tpu.memory_space<semaphore_mem>>) src(%arg7 : memref<128x128xf32, #tpu.memory_space<vmem>>) dst(%dma_wait3A_26 : memref<10240x128xf32, #tpu.memory_space<vmem_shared>>)
        tpu.yield
      }) : () -> ()
    }
    %scan3A_9 = arith.constant 40 : i32
    %barrier3A_10 = arith.constant 0 : index
    tpu.barrier barrier_id(%barrier3A_10)
    %mul3A_11 = arith.constant 640 : i32
    %mul3A_12 = arith.muli %arg1, %mul3A_11 : i32
    "tpu.region"() ({
      %run_scoped3A = tpu.sem_alloc : memref<!tpu.dma_semaphore, #tpu.memory_space<semaphore_mem>>
      %dma_start3A = arith.constant 0 : i32
      %dma_start3A_13 = arith.constant 0 : i32
      %dma_start3A_14 = tpu.memref_slice %arg5[%arg0, %dma_start3A, %dma_start3A_13] : memref<2x10240x128xf32, #tpu.memory_space<hbm>> -> memref<1x10240x128xf32, #tpu.memory_space<hbm>>
      %dma_start3A_15 = tpu.memref_squeeze %dma_start3A_14 : memref<1x10240x128xf32, #tpu.memory_space<hbm>> -> memref<10240x128xf32, #tpu.memory_space<hbm>>
      %dma_start3A_16 = arith.constant 0 : i32
      %dma_start3A_17 = tpu.memref_slice %dma_start3A_15[%mul3A_12, %dma_start3A_16] : memref<10240x128xf32, #tpu.memory_space<hbm>> -> memref<640x128xf32, #tpu.memory_space<hbm>>
      %dma_start3A_18 = arith.constant 0 : i32
      %dma_start3A_19 = tpu.memref_slice %arg8[%mul3A_12, %dma_start3A_18] : memref<10240x128xf32, #tpu.memory_space<vmem_shared>> -> memref<640x128xf32, #tpu.memory_space<vmem_shared>>
      tpu.enqueue_dma source(%dma_start3A_19 : memref<640x128xf32, #tpu.memory_space<vmem_shared>>) target(%dma_start3A_17 : memref<640x128xf32, #tpu.memory_space<hbm>>) target_semaphore(%run_scoped3A : memref<!tpu.dma_semaphore, #tpu.memory_space<semaphore_mem>>)
      %dma_wait3A = arith.constant 0 : i32
      %dma_wait3A_20 = arith.constant 0 : i32
      %dma_wait3A_21 = tpu.memref_slice %arg5[%arg0, %dma_wait3A, %dma_wait3A_20] : memref<2x10240x128xf32, #tpu.memory_space<hbm>> -> memref<1x10240x128xf32, #tpu.memory_space<hbm>>
      %dma_wait3A_22 = tpu.memref_squeeze %dma_wait3A_21 : memref<1x10240x128xf32, #tpu.memory_space<hbm>> -> memref<10240x128xf32, #tpu.memory_space<hbm>>
      %dma_wait3A_23 = arith.constant 0 : i32
      %dma_wait3A_24 = tpu.memref_slice %dma_wait3A_22[%mul3A_12, %dma_wait3A_23] : memref<10240x128xf32, #tpu.memory_space<hbm>> -> memref<640x128xf32, #tpu.memory_space<hbm>>
      %dma_wait3A_25 = arith.constant 0 : i32
      %dma_wait3A_26 = tpu.memref_slice %arg8[%mul3A_12, %dma_wait3A_25] : memref<10240x128xf32, #tpu.memory_space<vmem_shared>> -> memref<640x128xf32, #tpu.memory_space<vmem_shared>>
      tpu.wait_dma2 semaphore(%run_scoped3A : memref<!tpu.dma_semaphore, #tpu.memory_space<semaphore_mem>>) src(%dma_wait3A_26 : memref<640x128xf32, #tpu.memory_space<vmem_shared>>) dst(%dma_wait3A_24 : memref<640x128xf32, #tpu.memory_space<hbm>>)
      tpu.yield
    }) : () -> ()
    return
  }
}

module attributes {stable_mosaic.version = 14 : i64} {
  func.func @_embed_body(%arg0: i32, %arg1: memref<1000x1xi32, #tpu.memory_space<vmem>>, %arg2: memref<128x128xf32, #tpu.memory_space<vmem>>, %arg3: memref<1000x128xf32, #tpu.memory_space<vmem>>) attributes {dimension_semantics = [#tpu.dimension_semantics<arbitrary>], iteration_bounds = array<i64: 10>, scalar_prefetch = 0 : i64, scratch_operands = 0 : i64, tpu.core_type = #tpu.core_type<tc>, window_params = [{transform_indices = @transform_0, window_bounds = array<i64: 1000, 1>}, {pipeline_mode = #tpu.pipeline_mode<synchronous>, transform_indices = @transform_1, window_bounds = array<i64: 128, 128>}, {transform_indices = @transform_2, window_bounds = array<i64: 1000, 128>}]} {
    %iota3A = tpu.iota {dimensions = array<i32: 1>} : vector<1x128xi32>
    %get3A = arith.constant 0 : index
    %get3A_0 = arith.constant 0 : index
    %get3A_1 = vector.load %arg1[%get3A, %get3A_0] : memref<1000x1xi32, #tpu.memory_space<vmem>>, vector<1000x1xi32>
    %eq3A = vector.broadcast %get3A_1 : vector<1000x1xi32> to vector<1000x128xi32>
    %eq3A_2 = vector.broadcast %iota3A : vector<1x128xi32> to vector<1000x128xi32>
    %eq3A_3 = arith.cmpi eq, %eq3A, %eq3A_2 : vector<1000x128xi32>
    %convert_element_type3A = arith.extui %eq3A_3 : vector<1000x128xi1> to vector<1000x128xi32>
    %convert_element_type3A_4 = arith.sitofp %convert_element_type3A : vector<1000x128xi32> to vector<1000x128xf32>
    %get3A_5 = arith.constant 0 : index
    %get3A_6 = arith.constant 0 : index
    %get3A_7 = vector.load %arg2[%get3A_5, %get3A_6] : memref<128x128xf32, #tpu.memory_space<vmem>>, vector<128x128xf32>
    %dot_general3A = arith.constant dense<0.000000e+00> : vector<1000x128xf32>
    %dot_general3A_8 = tpu.matmul %convert_element_type3A_4, %get3A_7, %dot_general3A {dimension_numbers = #tpu.dot_dimension_numbers<[1], [0], [0], [1], [0, 0, 1, 1], [], []>, transpose_lhs_hint = false} : vector<1000x128xf32>, vector<128x128xf32>, vector<1000x128xf32> -> vector<1000x128xf32>
    %swap3A = arith.constant 0 : index
    %swap3A_9 = arith.constant 0 : index
    %swap3A_10 = vector.load %arg3[%swap3A, %swap3A_9] : memref<1000x128xf32, #tpu.memory_space<vmem>>, vector<1000x128xf32>
    tpu.vector_store %arg3[%swap3A, %swap3A_9], %dot_general3A_8 {strides = array<i32>} : memref<1000x128xf32, #tpu.memory_space<vmem>>, vector<1000x128xf32>,
    return
  }
  func.func @transform_0(%arg0: i32) -> (i32, i32) {
    %c0_i32 = arith.constant 0 : i32
    %c0_i32_0 = arith.constant 0 : i32
    return %arg0, %c0_i32 : i32, i32
  }
  func.func @transform_1(%arg0: i32) -> (i32, i32) {
    %c0_i32 = arith.constant 0 : i32
    %c0_i32_0 = arith.constant 0 : i32
    %c0_i32_1 = arith.constant 0 : i32
    return %c0_i32, %c0_i32_0 : i32, i32
  }
  func.func @transform_2(%arg0: i32) -> (i32, i32) {
    %c0_i32 = arith.constant 0 : i32
    %c0_i32_0 = arith.constant 0 : i32
    return %arg0, %c0_i32 : i32, i32
  }
}

module attributes {stable_mosaic.version = 14 : i64} {
  func.func @_lambda_(%arg0: i32, %arg1: memref<1024x128xf32, #tpu.memory_space<vmem>>, %arg2: memref<1024x128xf32, #tpu.memory_space<vmem>>, %arg3: memref<1024x16xf32, #tpu.memory_space<vmem>>, %arg4: memref<1024x16xf32, #tpu.memory_space<vmem>>, %arg5: memref<128x256xf32, #tpu.memory_space<vmem>>, %arg6: memref<128x256xf32, #tpu.memory_space<vmem>>, %arg7: memref<160x256xf32, #tpu.memory_space<vmem>>, %arg8: memref<1x256xf32, #tpu.memory_space<vmem>>, %arg9: memref<256x128xf32, #tpu.memory_space<vmem>>, %arg10: memref<1x128xf32, #tpu.memory_space<vmem>>, %arg11: memref<128x128xf32, #tpu.memory_space<vmem>>, %arg12: memref<1x128xf32, #tpu.memory_space<vmem>>, %arg13: memref<128x128xf32, #tpu.memory_space<vmem>>, %arg14: memref<1x128xf32, #tpu.memory_space<vmem>>, %arg15: memref<128x128xf32, #tpu.memory_space<vmem>>, %arg16: memref<1024x128xf32, #tpu.memory_space<vmem>>, %arg17: memref<1024x128xf32, #tpu.memory_space<vmem>>) attributes {dimension_semantics = [#tpu.dimension_semantics<arbitrary>], iteration_bounds = array<i64: 160>, scalar_prefetch = 0 : i64, scratch_operands = 0 : i64, tpu.core_type = #tpu.core_type<tc>, window_params = [{transform_indices = @transform_0, window_bounds = array<i64: 1024, 128>}, {transform_indices = @transform_1, window_bounds = array<i64: 1024, 128>}, {transform_indices = @transform_2, window_bounds = array<i64: 1024, 16>}, {transform_indices = @transform_3, window_bounds = array<i64: 1024, 16>}, {pipeline_mode = #tpu.pipeline_mode<synchronous>, transform_indices = @transform_4, window_bounds = array<i64: 128, 256>}, {pipeline_mode = #tpu.pipeline_mode<synchronous>, transform_indices = @transform_5, window_bounds = array<i64: 128, 256>}, {pipeline_mode = #tpu.pipeline_mode<synchronous>, transform_indices = @transform_6, window_bounds = array<i64: 160, 256>}, {pipeline_mode = #tpu.pipeline_mode<synchronous>, transform_indices = @transform_7, window_bounds = array<i64: 1, 256>}, {pipeline_mode = #tpu.pipeline_mode<synchronous>, transform_indices = @transform_8, window_bounds = array<i64: 256, 128>}, {pipeline_mode = #tpu.pipeline_mode<synchronous>, transform_indices = @transform_9, window_bounds = array<i64: 1, 128>}, {pipeline_mode = #tpu.pipeline_mode<synchronous>, transform_indices = @transform_10, window_bounds = array<i64: 128, 128>}, {pipeline_mode = #tpu.pipeline_mode<synchronous>, transform_indices = @transform_11, window_bounds = array<i64: 1, 128>}, {pipeline_mode = #tpu.pipeline_mode<synchronous>, transform_indices = @transform_12, window_bounds = array<i64: 128, 128>}, {pipeline_mode = #tpu.pipeline_mode<synchronous>, transform_indices = @transform_13, window_bounds = array<i64: 1, 128>}, {pipeline_mode = #tpu.pipeline_mode<synchronous>, transform_indices = @transform_14, window_bounds = array<i64: 128, 128>}, {transform_indices = @transform_15, window_bounds = array<i64: 1024, 128>}, {transform_indices = @transform_16, window_bounds = array<i64: 1024, 128>}]} {
    %get3A = arith.constant 0 : index
    %get3A_0 = arith.constant 0 : index
    %get3A_1 = vector.load %arg4[%get3A, %get3A_0] : memref<1024x16xf32, #tpu.memory_space<vmem>>, vector<1024x16xf32>
    %get3A_2 = arith.constant 0 : index
    %get3A_3 = arith.constant 0 : index
    %get3A_4 = vector.load %arg3[%get3A_2, %get3A_3] : memref<1024x16xf32, #tpu.memory_space<vmem>>, vector<1024x16xf32>
    %sub3A = arith.subf %get3A_1, %get3A_4 : vector<1024x16xf32>
    %mul3A = arith.mulf %sub3A, %sub3A : vector<1024x16xf32>
    %reduce_sum3A = arith.constant dense<0.000000e+00> : vector<1024xf32>
    %reduce_sum3A_5 = vector.multi_reduction <add>, %mul3A, %reduce_sum3A [1] : vector<1024x16xf32> to vector<1024xf32>
    %broadcast_in_dim3A = vector.shape_cast %reduce_sum3A_5 : vector<1024xf32> to vector<1024x1xf32>
    %sqrt3A = math.sqrt %broadcast_in_dim3A : vector<1024x1xf32>
    %iota3A = tpu.iota {dimensions = array<i32: 1>} : vector<1x160xi32>
    %convert_element_type3A = arith.sitofp %iota3A : vector<1x160xi32> to vector<1x160xf32>
    %mul3A_6 = arith.constant 1.000000e-01 : f32
    %mul3A_7 = vector.broadcast %mul3A_6 : f32 to vector<1x160xf32>
    %mul3A_8 = arith.mulf %convert_element_type3A, %mul3A_7 : vector<1x160xf32>
    %sub3A_9 = vector.broadcast %sqrt3A : vector<1024x1xf32> to vector<1024x160xf32>
    %sub3A_10 = vector.broadcast %mul3A_8 : vector<1x160xf32> to vector<1024x160xf32>
    %sub3A_11 = arith.subf %sub3A_9, %sub3A_10 : vector<1024x160xf32>
    %integer_pow3A = arith.mulf %sub3A_11, %sub3A_11 : vector<1024x160xf32>
    %mul3A_12 = arith.constant -5.000000e+01 : f32
    %mul3A_13 = vector.broadcast %mul3A_12 : f32 to vector<1024x160xf32>
    %mul3A_14 = arith.mulf %mul3A_13, %integer_pow3A : vector<1024x160xf32>
    %exp3A = math.exp %mul3A_14 : vector<1024x160xf32>
    %get3A_15 = arith.constant 0 : index
    %get3A_16 = arith.constant 0 : index
    %get3A_17 = vector.load %arg1[%get3A_15, %get3A_16] : memref<1024x128xf32, #tpu.memory_space<vmem>>, vector<1024x128xf32>
    %get3A_18 = arith.constant 0 : index
    %get3A_19 = arith.constant 0 : index
    %get3A_20 = vector.load %arg2[%get3A_18, %get3A_19] : memref<1024x128xf32, #tpu.memory_space<vmem>>, vector<1024x128xf32>
    %get3A_21 = arith.constant 0 : index
    %get3A_22 = arith.constant 0 : index
    %get3A_23 = vector.load %arg5[%get3A_21, %get3A_22] : memref<128x256xf32, #tpu.memory_space<vmem>>, vector<128x256xf32>
    %dot_general3A = arith.constant dense<0.000000e+00> : vector<1024x256xf32>
    %dot_general3A_24 = tpu.matmul %get3A_20, %get3A_23, %dot_general3A {dimension_numbers = #tpu.dot_dimension_numbers<[1], [0], [0], [1], [0, 0, 1, 1], [], []>, transpose_lhs_hint = false} : vector<1024x128xf32>, vector<128x256xf32>, vector<1024x256xf32> -> vector<1024x256xf32>
    %get3A_25 = arith.constant 0 : index
    %get3A_26 = arith.constant 0 : index
    %get3A_27 = vector.load %arg6[%get3A_25, %get3A_26] : memref<128x256xf32, #tpu.memory_space<vmem>>, vector<128x256xf32>
    %dot_general3A_28 = arith.constant dense<0.000000e+00> : vector<1024x256xf32>
    %dot_general3A_29 = tpu.matmul %get3A_17, %get3A_27, %dot_general3A_28 {dimension_numbers = #tpu.dot_dimension_numbers<[1], [0], [0], [1], [0, 0, 1, 1], [], []>, transpose_lhs_hint = false} : vector<1024x128xf32>, vector<128x256xf32>, vector<1024x256xf32> -> vector<1024x256xf32>
    %add3A = arith.addf %dot_general3A_24, %dot_general3A_29 : vector<1024x256xf32>
    %get3A_30 = arith.constant 0 : index
    %get3A_31 = arith.constant 0 : index
    %get3A_32 = vector.load %arg7[%get3A_30, %get3A_31] : memref<160x256xf32, #tpu.memory_space<vmem>>, vector<160x256xf32>
    %dot_general3A_33 = arith.constant dense<0.000000e+00> : vector<1024x256xf32>
    %dot_general3A_34 = tpu.matmul %exp3A, %get3A_32, %dot_general3A_33 {dimension_numbers = #tpu.dot_dimension_numbers<[1], [0], [0], [1], [0, 0, 1, 1], [], []>, transpose_lhs_hint = false} : vector<1024x160xf32>, vector<160x256xf32>, vector<1024x256xf32> -> vector<1024x256xf32>
    %add3A_35 = arith.addf %add3A, %dot_general3A_34 : vector<1024x256xf32>
    %get3A_36 = arith.constant 0 : index
    %get3A_37 = arith.constant 0 : index
    %get3A_38 = vector.load %arg8[%get3A_36, %get3A_37] : memref<1x256xf32, #tpu.memory_space<vmem>>, vector<1x256xf32>
    %add3A_39 = vector.broadcast %get3A_38 : vector<1x256xf32> to vector<1024x256xf32>
    %add3A_40 = arith.addf %add3A_35, %add3A_39 : vector<1024x256xf32>
    %custom_jvp_call3A = arith.constant 0.000000e+00 : f32
    %max3A = vector.broadcast %custom_jvp_call3A : f32 to vector<1024x256xf32>
    %max3A_41 = arith.maximumf %add3A_40, %max3A : vector<1024x256xf32>
    %sub3A_42 = vector.broadcast %custom_jvp_call3A : f32 to vector<1024x256xf32>
    %sub3A_43 = arith.subf %add3A_40, %sub3A_42 : vector<1024x256xf32>
    %ne3A = arith.cmpf one, %sub3A_43, %sub3A_43 : vector<1024x256xf32>
    %add3A_44 = vector.broadcast %custom_jvp_call3A : f32 to vector<1024x256xf32>
    %add3A_45 = arith.addf %add3A_40, %add3A_44 : vector<1024x256xf32>
    %abs3A = math.absf %sub3A_43 : vector<1024x256xf32>
    %neg3A = arith.constant 0.000000e+00 : f32
    %neg3A_46 = vector.broadcast %neg3A : f32 to vector<1024x256xf32>
    %neg3A_47 = arith.subf %neg3A_46, %abs3A : vector<1024x256xf32>
    %exp3A_48 = math.exp %neg3A_47 : vector<1024x256xf32>
    %log1p3A = math.log1p %exp3A_48 : vector<1024x256xf32>
    %add3A_49 = arith.addf %max3A_41, %log1p3A : vector<1024x256xf32>
    %select_n3A = arith.select %ne3A, %add3A_45, %add3A_49 : vector<1024x256xi1>, vector<1024x256xf32>
    %sub3A_50 = arith.constant 0.693147182 : f32
    %sub3A_51 = vector.broadcast %sub3A_50 : f32 to vector<1024x256xf32>
    %sub3A_52 = arith.subf %select_n3A, %sub3A_51 : vector<1024x256xf32>
    %get3A_53 = arith.constant 0 : index
    %get3A_54 = arith.constant 0 : index
    %get3A_55 = vector.load %arg9[%get3A_53, %get3A_54] : memref<256x128xf32, #tpu.memory_space<vmem>>, vector<256x128xf32>
    %dot_general3A_56 = arith.constant dense<0.000000e+00> : vector<1024x128xf32>
    %dot_general3A_57 = tpu.matmul %sub3A_52, %get3A_55, %dot_general3A_56 {dimension_numbers = #tpu.dot_dimension_numbers<[1], [0], [0], [1], [0, 0, 1, 1], [], []>, transpose_lhs_hint = false} : vector<1024x256xf32>, vector<256x128xf32>, vector<1024x128xf32> -> vector<1024x128xf32>
    %get3A_58 = arith.constant 0 : index
    %get3A_59 = arith.constant 0 : index
    %get3A_60 = vector.load %arg10[%get3A_58, %get3A_59] : memref<1x128xf32, #tpu.memory_space<vmem>>, vector<1x128xf32>
    %add3A_61 = vector.broadcast %get3A_60 : vector<1x128xf32> to vector<1024x128xf32>
    %add3A_62 = arith.addf %dot_general3A_57, %add3A_61 : vector<1024x128xf32>
    %swap3A = arith.constant 0 : index
    %swap3A_63 = arith.constant 0 : index
    %swap3A_64 = vector.load %arg16[%swap3A, %swap3A_63] : memref<1024x128xf32, #tpu.memory_space<vmem>>, vector<1024x128xf32>
    tpu.vector_store %arg16[%swap3A, %swap3A_63], %add3A_62 {strides = array<i32>} : memref<1024x128xf32, #tpu.memory_space<vmem>>, vector<1024x128xf32>,
    %get3A_65 = arith.constant 0 : index
    %get3A_66 = arith.constant 0 : index
    %get3A_67 = vector.load %arg11[%get3A_65, %get3A_66] : memref<128x128xf32, #tpu.memory_space<vmem>>, vector<128x128xf32>
    %dot_general3A_68 = arith.constant dense<0.000000e+00> : vector<1024x128xf32>
    %dot_general3A_69 = tpu.matmul %add3A_62, %get3A_67, %dot_general3A_68 {dimension_numbers = #tpu.dot_dimension_numbers<[1], [0], [0], [1], [0, 0, 1, 1], [], []>, transpose_lhs_hint = false} : vector<1024x128xf32>, vector<128x128xf32>, vector<1024x128xf32> -> vector<1024x128xf32>
    %get3A_70 = arith.constant 0 : index
    %get3A_71 = arith.constant 0 : index
    %get3A_72 = vector.load %arg12[%get3A_70, %get3A_71] : memref<1x128xf32, #tpu.memory_space<vmem>>, vector<1x128xf32>
    %add3A_73 = vector.broadcast %get3A_72 : vector<1x128xf32> to vector<1024x128xf32>
    %add3A_74 = arith.addf %dot_general3A_69, %add3A_73 : vector<1024x128xf32>
    %custom_jvp_call3A_75 = arith.constant 0.000000e+00 : f32
    %max3A_76 = vector.broadcast %custom_jvp_call3A_75 : f32 to vector<1024x128xf32>
    %max3A_77 = arith.maximumf %add3A_74, %max3A_76 : vector<1024x128xf32>
    %sub3A_78 = vector.broadcast %custom_jvp_call3A_75 : f32 to vector<1024x128xf32>
    %sub3A_79 = arith.subf %add3A_74, %sub3A_78 : vector<1024x128xf32>
    %ne3A_80 = arith.cmpf one, %sub3A_79, %sub3A_79 : vector<1024x128xf32>
    %add3A_81 = vector.broadcast %custom_jvp_call3A_75 : f32 to vector<1024x128xf32>
    %add3A_82 = arith.addf %add3A_74, %add3A_81 : vector<1024x128xf32>
    %abs3A_83 = math.absf %sub3A_79 : vector<1024x128xf32>
    %neg3A_84 = arith.constant 0.000000e+00 : f32
    %neg3A_85 = vector.broadcast %neg3A_84 : f32 to vector<1024x128xf32>
    %neg3A_86 = arith.subf %neg3A_85, %abs3A_83 : vector<1024x128xf32>
    %exp3A_87 = math.exp %neg3A_86 : vector<1024x128xf32>
    %log1p3A_88 = math.log1p %exp3A_87 : vector<1024x128xf32>
    %add3A_89 = arith.addf %max3A_77, %log1p3A_88 : vector<1024x128xf32>
    %select_n3A_90 = arith.select %ne3A_80, %add3A_82, %add3A_89 : vector<1024x128xi1>, vector<1024x128xf32>
    %sub3A_91 = arith.constant 0.693147182 : f32
    %sub3A_92 = vector.broadcast %sub3A_91 : f32 to vector<1024x128xf32>
    %sub3A_93 = arith.subf %select_n3A_90, %sub3A_92 : vector<1024x128xf32>
    %get3A_94 = arith.constant 0 : index
    %get3A_95 = arith.constant 0 : index
    %get3A_96 = vector.load %arg13[%get3A_94, %get3A_95] : memref<128x128xf32, #tpu.memory_space<vmem>>, vector<128x128xf32>
    %dot_general3A_97 = arith.constant dense<0.000000e+00> : vector<1024x128xf32>
    %dot_general3A_98 = tpu.matmul %sub3A_93, %get3A_96, %dot_general3A_97 {dimension_numbers = #tpu.dot_dimension_numbers<[1], [0], [0], [1], [0, 0, 1, 1], [], []>, transpose_lhs_hint = false} : vector<1024x128xf32>, vector<128x128xf32>, vector<1024x128xf32> -> vector<1024x128xf32>
    %get3A_99 = arith.constant 0 : index
    %get3A_100 = arith.constant 0 : index
    %get3A_101 = vector.load %arg14[%get3A_99, %get3A_100] : memref<1x128xf32, #tpu.memory_space<vmem>>, vector<1x128xf32>
    %add3A_102 = vector.broadcast %get3A_101 : vector<1x128xf32> to vector<1024x128xf32>
    %add3A_103 = arith.addf %dot_general3A_98, %add3A_102 : vector<1024x128xf32>
    %custom_jvp_call3A_104 = arith.constant 0.000000e+00 : f32
    %max3A_105 = vector.broadcast %custom_jvp_call3A_104 : f32 to vector<1024x128xf32>
    %max3A_106 = arith.maximumf %add3A_103, %max3A_105 : vector<1024x128xf32>
    %sub3A_107 = vector.broadcast %custom_jvp_call3A_104 : f32 to vector<1024x128xf32>
    %sub3A_108 = arith.subf %add3A_103, %sub3A_107 : vector<1024x128xf32>
    %ne3A_109 = arith.cmpf one, %sub3A_108, %sub3A_108 : vector<1024x128xf32>
    %add3A_110 = vector.broadcast %custom_jvp_call3A_104 : f32 to vector<1024x128xf32>
    %add3A_111 = arith.addf %add3A_103, %add3A_110 : vector<1024x128xf32>
    %abs3A_112 = math.absf %sub3A_108 : vector<1024x128xf32>
    %neg3A_113 = arith.constant 0.000000e+00 : f32
    %neg3A_114 = vector.broadcast %neg3A_113 : f32 to vector<1024x128xf32>
    %neg3A_115 = arith.subf %neg3A_114, %abs3A_112 : vector<1024x128xf32>
    %exp3A_116 = math.exp %neg3A_115 : vector<1024x128xf32>
    %log1p3A_117 = math.log1p %exp3A_116 : vector<1024x128xf32>
    %add3A_118 = arith.addf %max3A_106, %log1p3A_117 : vector<1024x128xf32>
    %select_n3A_119 = arith.select %ne3A_109, %add3A_111, %add3A_118 : vector<1024x128xi1>, vector<1024x128xf32>
    %sub3A_120 = arith.constant 0.693147182 : f32
    %sub3A_121 = vector.broadcast %sub3A_120 : f32 to vector<1024x128xf32>
    %sub3A_122 = arith.subf %select_n3A_119, %sub3A_121 : vector<1024x128xf32>
    %get3A_123 = arith.constant 0 : index
    %get3A_124 = arith.constant 0 : index
    %get3A_125 = vector.load %arg15[%get3A_123, %get3A_124] : memref<128x128xf32, #tpu.memory_space<vmem>>, vector<128x128xf32>
    %dot_general3A_126 = arith.constant dense<0.000000e+00> : vector<1024x128xf32>
    %dot_general3A_127 = tpu.matmul %get3A_17, %get3A_125, %dot_general3A_126 {dimension_numbers = #tpu.dot_dimension_numbers<[1], [0], [0], [1], [0, 0, 1, 1], [], []>, transpose_lhs_hint = false} : vector<1024x128xf32>, vector<128x128xf32>, vector<1024x128xf32> -> vector<1024x128xf32>
    %mul3A_128 = arith.mulf %dot_general3A_127, %sub3A_122 : vector<1024x128xf32>
    %swap3A_129 = arith.constant 0 : index
    %swap3A_130 = arith.constant 0 : index
    %swap3A_131 = vector.load %arg17[%swap3A_129, %swap3A_130] : memref<1024x128xf32, #tpu.memory_space<vmem>>, vector<1024x128xf32>
    tpu.vector_store %arg17[%swap3A_129, %swap3A_130], %mul3A_128 {strides = array<i32>} : memref<1024x128xf32, #tpu.memory_space<vmem>>, vector<1024x128xf32>,
    return
  }
  func.func @transform_0(%arg0: i32) -> (i32, i32) {
    %c0_i32 = arith.constant 0 : i32
    %c0_i32_0 = arith.constant 0 : i32
    return %arg0, %c0_i32 : i32, i32
  }
  func.func @transform_1(%arg0: i32) -> (i32, i32) {
    %add3A = arith.constant 160 : i32
    %add3A_0 = arith.addi %arg0, %add3A : i32
    %c0_i32 = arith.constant 0 : i32
    %c0_i32_1 = arith.constant 0 : i32
    return %add3A_0, %c0_i32 : i32, i32
  }
  func.func @transform_2(%arg0: i32) -> (i32, i32) {
    %c0_i32 = arith.constant 0 : i32
    %c0_i32_0 = arith.constant 0 : i32
    return %arg0, %c0_i32 : i32, i32
  }
  func.func @transform_3(%arg0: i32) -> (i32, i32) {
    %add3A = arith.constant 160 : i32
    %add3A_0 = arith.addi %arg0, %add3A : i32
    %c0_i32 = arith.constant 0 : i32
    %c0_i32_1 = arith.constant 0 : i32
    return %add3A_0, %c0_i32 : i32, i32
  }
  func.func @transform_4(%arg0: i32) -> (i32, i32) {
    %c0_i32 = arith.constant 0 : i32
    %c0_i32_0 = arith.constant 0 : i32
    %c0_i32_1 = arith.constant 0 : i32
    return %c0_i32, %c0_i32_0 : i32, i32
  }
  func.func @transform_5(%arg0: i32) -> (i32, i32) {
    %c0_i32 = arith.constant 0 : i32
    %c0_i32_0 = arith.constant 0 : i32
    %c0_i32_1 = arith.constant 0 : i32
    return %c0_i32, %c0_i32_0 : i32, i32
  }
  func.func @transform_6(%arg0: i32) -> (i32, i32) {
    %c0_i32 = arith.constant 0 : i32
    %c0_i32_0 = arith.constant 0 : i32
    %c0_i32_1 = arith.constant 0 : i32
    return %c0_i32, %c0_i32_0 : i32, i32
  }
  func.func @transform_7(%arg0: i32) -> (i32, i32) {
    %c0_i32 = arith.constant 0 : i32
    %c0_i32_0 = arith.constant 0 : i32
    %c0_i32_1 = arith.constant 0 : i32
    return %c0_i32, %c0_i32_0 : i32, i32
  }
  func.func @transform_8(%arg0: i32) -> (i32, i32) {
    %c0_i32 = arith.constant 0 : i32
    %c0_i32_0 = arith.constant 0 : i32
    %c0_i32_1 = arith.constant 0 : i32
    return %c0_i32, %c0_i32_0 : i32, i32
  }
  func.func @transform_9(%arg0: i32) -> (i32, i32) {
    %c0_i32 = arith.constant 0 : i32
    %c0_i32_0 = arith.constant 0 : i32
    %c0_i32_1 = arith.constant 0 : i32
    return %c0_i32, %c0_i32_0 : i32, i32
  }
  func.func @transform_10(%arg0: i32) -> (i32, i32) {
    %c0_i32 = arith.constant 0 : i32
    %c0_i32_0 = arith.constant 0 : i32
    %c0_i32_1 = arith.constant 0 : i32
    return %c0_i32, %c0_i32_0 : i32, i32
  }
  func.func @transform_11(%arg0: i32) -> (i32, i32) {
    %c0_i32 = arith.constant 0 : i32
    %c0_i32_0 = arith.constant 0 : i32
    %c0_i32_1 = arith.constant 0 : i32
    return %c0_i32, %c0_i32_0 : i32, i32
  }
  func.func @transform_12(%arg0: i32) -> (i32, i32) {
    %c0_i32 = arith.constant 0 : i32
    %c0_i32_0 = arith.constant 0 : i32
    %c0_i32_1 = arith.constant 0 : i32
    return %c0_i32, %c0_i32_0 : i32, i32
  }
  func.func @transform_13(%arg0: i32) -> (i32, i32) {
    %c0_i32 = arith.constant 0 : i32
    %c0_i32_0 = arith.constant 0 : i32
    %c0_i32_1 = arith.constant 0 : i32
    return %c0_i32, %c0_i32_0 : i32, i32
  }
  func.func @transform_14(%arg0: i32) -> (i32, i32) {
    %c0_i32 = arith.constant 0 : i32
    %c0_i32_0 = arith.constant 0 : i32
    %c0_i32_1 = arith.constant 0 : i32
    return %c0_i32, %c0_i32_0 : i32, i32
  }
  func.func @transform_15(%arg0: i32) -> (i32, i32) {
    %c0_i32 = arith.constant 0 : i32
    %c0_i32_0 = arith.constant 0 : i32
    return %arg0, %c0_i32 : i32, i32
  }
  func.func @transform_16(%arg0: i32) -> (i32, i32) {
    %c0_i32 = arith.constant 0 : i32
    %c0_i32_0 = arith.constant 0 : i32
    return %arg0, %c0_i32 : i32, i32
  }
}

module attributes {stable_mosaic.version = 14 : i64} {
  func.func @_node_body(%arg0: i32, %arg1: memref<2x1000x128xf32, #tpu.memory_space<vmem>>, %arg2: memref<1000x128xf32, #tpu.memory_space<vmem>>, %arg3: memref<128x128xf32, #tpu.memory_space<vmem>>, %arg4: memref<1x128xf32, #tpu.memory_space<vmem>>, %arg5: memref<128x128xf32, #tpu.memory_space<vmem>>, %arg6: memref<1x128xf32, #tpu.memory_space<vmem>>, %arg7: memref<1000x128xf32, #tpu.memory_space<vmem>>) attributes {dimension_semantics = [#tpu.dimension_semantics<arbitrary>], iteration_bounds = array<i64: 10>, scalar_prefetch = 0 : i64, scratch_operands = 0 : i64, tpu.core_type = #tpu.core_type<tc>, window_params = [{transform_indices = @transform_0, window_bounds = array<i64: 2, 1000, 128>}, {transform_indices = @transform_1, window_bounds = array<i64: 1000, 128>}, {pipeline_mode = #tpu.pipeline_mode<synchronous>, transform_indices = @transform_2, window_bounds = array<i64: 128, 128>}, {pipeline_mode = #tpu.pipeline_mode<synchronous>, transform_indices = @transform_3, window_bounds = array<i64: 1, 128>}, {pipeline_mode = #tpu.pipeline_mode<synchronous>, transform_indices = @transform_4, window_bounds = array<i64: 128, 128>}, {pipeline_mode = #tpu.pipeline_mode<synchronous>, transform_indices = @transform_5, window_bounds = array<i64: 1, 128>}, {transform_indices = @transform_6, window_bounds = array<i64: 1000, 128>}]} {
    %get3A = arith.constant 0 : index
    %get3A_0 = arith.constant 0 : index
    %get3A_1 = arith.constant 0 : index
    %get3A_2 = vector.load %arg1[%get3A, %get3A_0, %get3A_1] : memref<2x1000x128xf32, #tpu.memory_space<vmem>>, vector<1x1000x128xf32>
    %get3A_3 = vector.shape_cast %get3A_2 : vector<1x1000x128xf32> to vector<1000x128xf32>
    %get3A_4 = arith.constant 1 : index
    %get3A_5 = arith.constant 0 : index
    %get3A_6 = arith.constant 0 : index
    %get3A_7 = vector.load %arg1[%get3A_4, %get3A_5, %get3A_6] : memref<2x1000x128xf32, #tpu.memory_space<vmem>>, vector<1x1000x128xf32>
    %get3A_8 = vector.shape_cast %get3A_7 : vector<1x1000x128xf32> to vector<1000x128xf32>
    %add3A = arith.addf %get3A_3, %get3A_8 : vector<1000x128xf32>
    %get3A_9 = arith.constant 0 : index
    %get3A_10 = arith.constant 0 : index
    %get3A_11 = vector.load %arg3[%get3A_9, %get3A_10] : memref<128x128xf32, #tpu.memory_space<vmem>>, vector<128x128xf32>
    %dot_general3A = arith.constant dense<0.000000e+00> : vector<1000x128xf32>
    %dot_general3A_12 = tpu.matmul %add3A, %get3A_11, %dot_general3A {dimension_numbers = #tpu.dot_dimension_numbers<[1], [0], [0], [1], [0, 0, 1, 1], [], []>, transpose_lhs_hint = false} : vector<1000x128xf32>, vector<128x128xf32>, vector<1000x128xf32> -> vector<1000x128xf32>
    %get3A_13 = arith.constant 0 : index
    %get3A_14 = arith.constant 0 : index
    %get3A_15 = vector.load %arg4[%get3A_13, %get3A_14] : memref<1x128xf32, #tpu.memory_space<vmem>>, vector<1x128xf32>
    %add3A_16 = vector.broadcast %get3A_15 : vector<1x128xf32> to vector<1000x128xf32>
    %add3A_17 = arith.addf %dot_general3A_12, %add3A_16 : vector<1000x128xf32>
    %custom_jvp_call3A = arith.constant 0.000000e+00 : f32
    %max3A = vector.broadcast %custom_jvp_call3A : f32 to vector<1000x128xf32>
    %max3A_18 = arith.maximumf %add3A_17, %max3A : vector<1000x128xf32>
    %sub3A = vector.broadcast %custom_jvp_call3A : f32 to vector<1000x128xf32>
    %sub3A_19 = arith.subf %add3A_17, %sub3A : vector<1000x128xf32>
    %ne3A = arith.cmpf one, %sub3A_19, %sub3A_19 : vector<1000x128xf32>
    %add3A_20 = vector.broadcast %custom_jvp_call3A : f32 to vector<1000x128xf32>
    %add3A_21 = arith.addf %add3A_17, %add3A_20 : vector<1000x128xf32>
    %abs3A = math.absf %sub3A_19 : vector<1000x128xf32>
    %neg3A = arith.constant 0.000000e+00 : f32
    %neg3A_22 = vector.broadcast %neg3A : f32 to vector<1000x128xf32>
    %neg3A_23 = arith.subf %neg3A_22, %abs3A : vector<1000x128xf32>
    %exp3A = math.exp %neg3A_23 : vector<1000x128xf32>
    %log1p3A = math.log1p %exp3A : vector<1000x128xf32>
    %add3A_24 = arith.addf %max3A_18, %log1p3A : vector<1000x128xf32>
    %select_n3A = arith.select %ne3A, %add3A_21, %add3A_24 : vector<1000x128xi1>, vector<1000x128xf32>
    %sub3A_25 = arith.constant 0.693147182 : f32
    %sub3A_26 = vector.broadcast %sub3A_25 : f32 to vector<1000x128xf32>
    %sub3A_27 = arith.subf %select_n3A, %sub3A_26 : vector<1000x128xf32>
    %get3A_28 = arith.constant 0 : index
    %get3A_29 = arith.constant 0 : index
    %get3A_30 = vector.load %arg2[%get3A_28, %get3A_29] : memref<1000x128xf32, #tpu.memory_space<vmem>>, vector<1000x128xf32>
    %get3A_31 = arith.constant 0 : index
    %get3A_32 = arith.constant 0 : index
    %get3A_33 = vector.load %arg5[%get3A_31, %get3A_32] : memref<128x128xf32, #tpu.memory_space<vmem>>, vector<128x128xf32>
    %dot_general3A_34 = arith.constant dense<0.000000e+00> : vector<1000x128xf32>
    %dot_general3A_35 = tpu.matmul %sub3A_27, %get3A_33, %dot_general3A_34 {dimension_numbers = #tpu.dot_dimension_numbers<[1], [0], [0], [1], [0, 0, 1, 1], [], []>, transpose_lhs_hint = false} : vector<1000x128xf32>, vector<128x128xf32>, vector<1000x128xf32> -> vector<1000x128xf32>
    %add3A_36 = arith.addf %get3A_30, %dot_general3A_35 : vector<1000x128xf32>
    %get3A_37 = arith.constant 0 : index
    %get3A_38 = arith.constant 0 : index
    %get3A_39 = vector.load %arg6[%get3A_37, %get3A_38] : memref<1x128xf32, #tpu.memory_space<vmem>>, vector<1x128xf32>
    %add3A_40 = vector.broadcast %get3A_39 : vector<1x128xf32> to vector<1000x128xf32>
    %add3A_41 = arith.addf %add3A_36, %add3A_40 : vector<1000x128xf32>
    %swap3A = arith.constant 0 : index
    %swap3A_42 = arith.constant 0 : index
    %swap3A_43 = vector.load %arg7[%swap3A, %swap3A_42] : memref<1000x128xf32, #tpu.memory_space<vmem>>, vector<1000x128xf32>
    tpu.vector_store %arg7[%swap3A, %swap3A_42], %add3A_41 {strides = array<i32>} : memref<1000x128xf32, #tpu.memory_space<vmem>>, vector<1000x128xf32>,
    return
  }
  func.func @transform_0(%arg0: i32) -> (i32, i32, i32) {
    %c0_i32 = arith.constant 0 : i32
    %c0_i32_0 = arith.constant 0 : i32
    %c0_i32_1 = arith.constant 0 : i32
    return %c0_i32, %arg0, %c0_i32_0 : i32, i32, i32
  }
  func.func @transform_1(%arg0: i32) -> (i32, i32) {
    %c0_i32 = arith.constant 0 : i32
    %c0_i32_0 = arith.constant 0 : i32
    return %arg0, %c0_i32 : i32, i32
  }
  func.func @transform_2(%arg0: i32) -> (i32, i32) {
    %c0_i32 = arith.constant 0 : i32
    %c0_i32_0 = arith.constant 0 : i32
    %c0_i32_1 = arith.constant 0 : i32
    return %c0_i32, %c0_i32_0 : i32, i32
  }
  func.func @transform_3(%arg0: i32) -> (i32, i32) {
    %c0_i32 = arith.constant 0 : i32
    %c0_i32_0 = arith.constant 0 : i32
    %c0_i32_1 = arith.constant 0 : i32
    return %c0_i32, %c0_i32_0 : i32, i32
  }
  func.func @transform_4(%arg0: i32) -> (i32, i32) {
    %c0_i32 = arith.constant 0 : i32
    %c0_i32_0 = arith.constant 0 : i32
    %c0_i32_1 = arith.constant 0 : i32
    return %c0_i32, %c0_i32_0 : i32, i32
  }
  func.func @transform_5(%arg0: i32) -> (i32, i32) {
    %c0_i32 = arith.constant 0 : i32
    %c0_i32_0 = arith.constant 0 : i32
    %c0_i32_1 = arith.constant 0 : i32
    return %c0_i32, %c0_i32_0 : i32, i32
  }
  func.func @transform_6(%arg0: i32) -> (i32, i32) {
    %c0_i32 = arith.constant 0 : i32
    %c0_i32_0 = arith.constant 0 : i32
    return %arg0, %c0_i32 : i32, i32
  }
}

module attributes {stable_mosaic.version = 14 : i64} {
  func.func @_lambda_(%arg0: i32, %arg1: memref<1024x128xf32, #tpu.memory_space<vmem>>, %arg2: memref<1024x128xf32, #tpu.memory_space<vmem>>, %arg3: memref<1024x128xf32, #tpu.memory_space<vmem>>, %arg4: memref<128x256xf32, #tpu.memory_space<vmem>>, %arg5: memref<128x256xf32, #tpu.memory_space<vmem>>, %arg6: memref<128x256xf32, #tpu.memory_space<vmem>>, %arg7: memref<1x256xf32, #tpu.memory_space<vmem>>, %arg8: memref<256x128xf32, #tpu.memory_space<vmem>>, %arg9: memref<1x128xf32, #tpu.memory_space<vmem>>, %arg10: memref<128x128xf32, #tpu.memory_space<vmem>>, %arg11: memref<1x128xf32, #tpu.memory_space<vmem>>, %arg12: memref<128x128xf32, #tpu.memory_space<vmem>>, %arg13: memref<1x128xf32, #tpu.memory_space<vmem>>, %arg14: memref<128x128xf32, #tpu.memory_space<vmem>>, %arg15: memref<1024x128xf32, #tpu.memory_space<vmem>>, %arg16: memref<1024x128xf32, #tpu.memory_space<vmem>>) attributes {dimension_semantics = [#tpu.dimension_semantics<arbitrary>], iteration_bounds = array<i64: 160>, scalar_prefetch = 0 : i64, scratch_operands = 0 : i64, tpu.core_type = #tpu.core_type<tc>, window_params = [{transform_indices = @transform_0, window_bounds = array<i64: 1024, 128>}, {transform_indices = @transform_1, window_bounds = array<i64: 1024, 128>}, {transform_indices = @transform_2, window_bounds = array<i64: 1024, 128>}, {pipeline_mode = #tpu.pipeline_mode<synchronous>, transform_indices = @transform_3, window_bounds = array<i64: 128, 256>}, {pipeline_mode = #tpu.pipeline_mode<synchronous>, transform_indices = @transform_4, window_bounds = array<i64: 128, 256>}, {pipeline_mode = #tpu.pipeline_mode<synchronous>, transform_indices = @transform_5, window_bounds = array<i64: 128, 256>}, {pipeline_mode = #tpu.pipeline_mode<synchronous>, transform_indices = @transform_6, window_bounds = array<i64: 1, 256>}, {pipeline_mode = #tpu.pipeline_mode<synchronous>, transform_indices = @transform_7, window_bounds = array<i64: 256, 128>}, {pipeline_mode = #tpu.pipeline_mode<synchronous>, transform_indices = @transform_8, window_bounds = array<i64: 1, 128>}, {pipeline_mode = #tpu.pipeline_mode<synchronous>, transform_indices = @transform_9, window_bounds = array<i64: 128, 128>}, {pipeline_mode = #tpu.pipeline_mode<synchronous>, transform_indices = @transform_10, window_bounds = array<i64: 1, 128>}, {pipeline_mode = #tpu.pipeline_mode<synchronous>, transform_indices = @transform_11, window_bounds = array<i64: 128, 128>}, {pipeline_mode = #tpu.pipeline_mode<synchronous>, transform_indices = @transform_12, window_bounds = array<i64: 1, 128>}, {pipeline_mode = #tpu.pipeline_mode<synchronous>, transform_indices = @transform_13, window_bounds = array<i64: 128, 128>}, {transform_indices = @transform_14, window_bounds = array<i64: 1024, 128>}, {transform_indices = @transform_15, window_bounds = array<i64: 1024, 128>}]} {
    %get3A = arith.constant 0 : index
    %get3A_0 = arith.constant 0 : index
    %get3A_1 = vector.load %arg3[%get3A, %get3A_0] : memref<1024x128xf32, #tpu.memory_space<vmem>>, vector<1024x128xf32>
    %get3A_2 = arith.constant 0 : index
    %get3A_3 = arith.constant 0 : index
    %get3A_4 = vector.load %arg1[%get3A_2, %get3A_3] : memref<1024x128xf32, #tpu.memory_space<vmem>>, vector<1024x128xf32>
    %get3A_5 = arith.constant 0 : index
    %get3A_6 = arith.constant 0 : index
    %get3A_7 = vector.load %arg2[%get3A_5, %get3A_6] : memref<1024x128xf32, #tpu.memory_space<vmem>>, vector<1024x128xf32>
    %get3A_8 = arith.constant 0 : index
    %get3A_9 = arith.constant 0 : index
    %get3A_10 = vector.load %arg4[%get3A_8, %get3A_9] : memref<128x256xf32, #tpu.memory_space<vmem>>, vector<128x256xf32>
    %dot_general3A = arith.constant dense<0.000000e+00> : vector<1024x256xf32>
    %dot_general3A_11 = tpu.matmul %get3A_7, %get3A_10, %dot_general3A {dimension_numbers = #tpu.dot_dimension_numbers<[1], [0], [0], [1], [0, 0, 1, 1], [], []>, transpose_lhs_hint = false} : vector<1024x128xf32>, vector<128x256xf32>, vector<1024x256xf32> -> vector<1024x256xf32>
    %get3A_12 = arith.constant 0 : index
    %get3A_13 = arith.constant 0 : index
    %get3A_14 = vector.load %arg5[%get3A_12, %get3A_13] : memref<128x256xf32, #tpu.memory_space<vmem>>, vector<128x256xf32>
    %dot_general3A_15 = arith.constant dense<0.000000e+00> : vector<1024x256xf32>
    %dot_general3A_16 = tpu.matmul %get3A_4, %get3A_14, %dot_general3A_15 {dimension_numbers = #tpu.dot_dimension_numbers<[1], [0], [0], [1], [0, 0, 1, 1], [], []>, transpose_lhs_hint = false} : vector<1024x128xf32>, vector<128x256xf32>, vector<1024x256xf32> -> vector<1024x256xf32>
    %add3A = arith.addf %dot_general3A_11, %dot_general3A_16 : vector<1024x256xf32>
    %get3A_17 = arith.constant 0 : index
    %get3A_18 = arith.constant 0 : index
    %get3A_19 = vector.load %arg6[%get3A_17, %get3A_18] : memref<128x256xf32, #tpu.memory_space<vmem>>, vector<128x256xf32>
    %dot_general3A_20 = arith.constant dense<0.000000e+00> : vector<1024x256xf32>
    %dot_general3A_21 = tpu.matmul %get3A_1, %get3A_19, %dot_general3A_20 {dimension_numbers = #tpu.dot_dimension_numbers<[1], [0], [0], [1], [0, 0, 1, 1], [], []>, transpose_lhs_hint = false} : vector<1024x128xf32>, vector<128x256xf32>, vector<1024x256xf32> -> vector<1024x256xf32>
    %add3A_22 = arith.addf %add3A, %dot_general3A_21 : vector<1024x256xf32>
    %get3A_23 = arith.constant 0 : index
    %get3A_24 = arith.constant 0 : index
    %get3A_25 = vector.load %arg7[%get3A_23, %get3A_24] : memref<1x256xf32, #tpu.memory_space<vmem>>, vector<1x256xf32>
    %add3A_26 = vector.broadcast %get3A_25 : vector<1x256xf32> to vector<1024x256xf32>
    %add3A_27 = arith.addf %add3A_22, %add3A_26 : vector<1024x256xf32>
    %custom_jvp_call3A = arith.constant 0.000000e+00 : f32
    %max3A = vector.broadcast %custom_jvp_call3A : f32 to vector<1024x256xf32>
    %max3A_28 = arith.maximumf %add3A_27, %max3A : vector<1024x256xf32>
    %sub3A = vector.broadcast %custom_jvp_call3A : f32 to vector<1024x256xf32>
    %sub3A_29 = arith.subf %add3A_27, %sub3A : vector<1024x256xf32>
    %ne3A = arith.cmpf one, %sub3A_29, %sub3A_29 : vector<1024x256xf32>
    %add3A_30 = vector.broadcast %custom_jvp_call3A : f32 to vector<1024x256xf32>
    %add3A_31 = arith.addf %add3A_27, %add3A_30 : vector<1024x256xf32>
    %abs3A = math.absf %sub3A_29 : vector<1024x256xf32>
    %neg3A = arith.constant 0.000000e+00 : f32
    %neg3A_32 = vector.broadcast %neg3A : f32 to vector<1024x256xf32>
    %neg3A_33 = arith.subf %neg3A_32, %abs3A : vector<1024x256xf32>
    %exp3A = math.exp %neg3A_33 : vector<1024x256xf32>
    %log1p3A = math.log1p %exp3A : vector<1024x256xf32>
    %add3A_34 = arith.addf %max3A_28, %log1p3A : vector<1024x256xf32>
    %select_n3A = arith.select %ne3A, %add3A_31, %add3A_34 : vector<1024x256xi1>, vector<1024x256xf32>
    %sub3A_35 = arith.constant 0.693147182 : f32
    %sub3A_36 = vector.broadcast %sub3A_35 : f32 to vector<1024x256xf32>
    %sub3A_37 = arith.subf %select_n3A, %sub3A_36 : vector<1024x256xf32>
    %get3A_38 = arith.constant 0 : index
    %get3A_39 = arith.constant 0 : index
    %get3A_40 = vector.load %arg8[%get3A_38, %get3A_39] : memref<256x128xf32, #tpu.memory_space<vmem>>, vector<256x128xf32>
    %dot_general3A_41 = arith.constant dense<0.000000e+00> : vector<1024x128xf32>
    %dot_general3A_42 = tpu.matmul %sub3A_37, %get3A_40, %dot_general3A_41 {dimension_numbers = #tpu.dot_dimension_numbers<[1], [0], [0], [1], [0, 0, 1, 1], [], []>, transpose_lhs_hint = false} : vector<1024x256xf32>, vector<256x128xf32>, vector<1024x128xf32> -> vector<1024x128xf32>
    %get3A_43 = arith.constant 0 : index
    %get3A_44 = arith.constant 0 : index
    %get3A_45 = vector.load %arg9[%get3A_43, %get3A_44] : memref<1x128xf32, #tpu.memory_space<vmem>>, vector<1x128xf32>
    %add3A_46 = vector.broadcast %get3A_45 : vector<1x128xf32> to vector<1024x128xf32>
    %add3A_47 = arith.addf %dot_general3A_42, %add3A_46 : vector<1024x128xf32>
    %swap3A = arith.constant 0 : index
    %swap3A_48 = arith.constant 0 : index
    %swap3A_49 = vector.load %arg15[%swap3A, %swap3A_48] : memref<1024x128xf32, #tpu.memory_space<vmem>>, vector<1024x128xf32>
    tpu.vector_store %arg15[%swap3A, %swap3A_48], %add3A_47 {strides = array<i32>} : memref<1024x128xf32, #tpu.memory_space<vmem>>, vector<1024x128xf32>,
    %get3A_50 = arith.constant 0 : index
    %get3A_51 = arith.constant 0 : index
    %get3A_52 = vector.load %arg10[%get3A_50, %get3A_51] : memref<128x128xf32, #tpu.memory_space<vmem>>, vector<128x128xf32>
    %dot_general3A_53 = arith.constant dense<0.000000e+00> : vector<1024x128xf32>
    %dot_general3A_54 = tpu.matmul %add3A_47, %get3A_52, %dot_general3A_53 {dimension_numbers = #tpu.dot_dimension_numbers<[1], [0], [0], [1], [0, 0, 1, 1], [], []>, transpose_lhs_hint = false} : vector<1024x128xf32>, vector<128x128xf32>, vector<1024x128xf32> -> vector<1024x128xf32>
    %get3A_55 = arith.constant 0 : index
    %get3A_56 = arith.constant 0 : index
    %get3A_57 = vector.load %arg11[%get3A_55, %get3A_56] : memref<1x128xf32, #tpu.memory_space<vmem>>, vector<1x128xf32>
    %add3A_58 = vector.broadcast %get3A_57 : vector<1x128xf32> to vector<1024x128xf32>
    %add3A_59 = arith.addf %dot_general3A_54, %add3A_58 : vector<1024x128xf32>
    %custom_jvp_call3A_60 = arith.constant 0.000000e+00 : f32
    %max3A_61 = vector.broadcast %custom_jvp_call3A_60 : f32 to vector<1024x128xf32>
    %max3A_62 = arith.maximumf %add3A_59, %max3A_61 : vector<1024x128xf32>
    %sub3A_63 = vector.broadcast %custom_jvp_call3A_60 : f32 to vector<1024x128xf32>
    %sub3A_64 = arith.subf %add3A_59, %sub3A_63 : vector<1024x128xf32>
    %ne3A_65 = arith.cmpf one, %sub3A_64, %sub3A_64 : vector<1024x128xf32>
    %add3A_66 = vector.broadcast %custom_jvp_call3A_60 : f32 to vector<1024x128xf32>
    %add3A_67 = arith.addf %add3A_59, %add3A_66 : vector<1024x128xf32>
    %abs3A_68 = math.absf %sub3A_64 : vector<1024x128xf32>
    %neg3A_69 = arith.constant 0.000000e+00 : f32
    %neg3A_70 = vector.broadcast %neg3A_69 : f32 to vector<1024x128xf32>
    %neg3A_71 = arith.subf %neg3A_70, %abs3A_68 : vector<1024x128xf32>
    %exp3A_72 = math.exp %neg3A_71 : vector<1024x128xf32>
    %log1p3A_73 = math.log1p %exp3A_72 : vector<1024x128xf32>
    %add3A_74 = arith.addf %max3A_62, %log1p3A_73 : vector<1024x128xf32>
    %select_n3A_75 = arith.select %ne3A_65, %add3A_67, %add3A_74 : vector<1024x128xi1>, vector<1024x128xf32>
    %sub3A_76 = arith.constant 0.693147182 : f32
    %sub3A_77 = vector.broadcast %sub3A_76 : f32 to vector<1024x128xf32>
    %sub3A_78 = arith.subf %select_n3A_75, %sub3A_77 : vector<1024x128xf32>
    %get3A_79 = arith.constant 0 : index
    %get3A_80 = arith.constant 0 : index
    %get3A_81 = vector.load %arg12[%get3A_79, %get3A_80] : memref<128x128xf32, #tpu.memory_space<vmem>>, vector<128x128xf32>
    %dot_general3A_82 = arith.constant dense<0.000000e+00> : vector<1024x128xf32>
    %dot_general3A_83 = tpu.matmul %sub3A_78, %get3A_81, %dot_general3A_82 {dimension_numbers = #tpu.dot_dimension_numbers<[1], [0], [0], [1], [0, 0, 1, 1], [], []>, transpose_lhs_hint = false} : vector<1024x128xf32>, vector<128x128xf32>, vector<1024x128xf32> -> vector<1024x128xf32>
    %get3A_84 = arith.constant 0 : index
    %get3A_85 = arith.constant 0 : index
    %get3A_86 = vector.load %arg13[%get3A_84, %get3A_85] : memref<1x128xf32, #tpu.memory_space<vmem>>, vector<1x128xf32>
    %add3A_87 = vector.broadcast %get3A_86 : vector<1x128xf32> to vector<1024x128xf32>
    %add3A_88 = arith.addf %dot_general3A_83, %add3A_87 : vector<1024x128xf32>
    %custom_jvp_call3A_89 = arith.constant 0.000000e+00 : f32
    %max3A_90 = vector.broadcast %custom_jvp_call3A_89 : f32 to vector<1024x128xf32>
    %max3A_91 = arith.maximumf %add3A_88, %max3A_90 : vector<1024x128xf32>
    %sub3A_92 = vector.broadcast %custom_jvp_call3A_89 : f32 to vector<1024x128xf32>
    %sub3A_93 = arith.subf %add3A_88, %sub3A_92 : vector<1024x128xf32>
    %ne3A_94 = arith.cmpf one, %sub3A_93, %sub3A_93 : vector<1024x128xf32>
    %add3A_95 = vector.broadcast %custom_jvp_call3A_89 : f32 to vector<1024x128xf32>
    %add3A_96 = arith.addf %add3A_88, %add3A_95 : vector<1024x128xf32>
    %abs3A_97 = math.absf %sub3A_93 : vector<1024x128xf32>
    %neg3A_98 = arith.constant 0.000000e+00 : f32
    %neg3A_99 = vector.broadcast %neg3A_98 : f32 to vector<1024x128xf32>
    %neg3A_100 = arith.subf %neg3A_99, %abs3A_97 : vector<1024x128xf32>
    %exp3A_101 = math.exp %neg3A_100 : vector<1024x128xf32>
    %log1p3A_102 = math.log1p %exp3A_101 : vector<1024x128xf32>
    %add3A_103 = arith.addf %max3A_91, %log1p3A_102 : vector<1024x128xf32>
    %select_n3A_104 = arith.select %ne3A_94, %add3A_96, %add3A_103 : vector<1024x128xi1>, vector<1024x128xf32>
    %sub3A_105 = arith.constant 0.693147182 : f32
    %sub3A_106 = vector.broadcast %sub3A_105 : f32 to vector<1024x128xf32>
    %sub3A_107 = arith.subf %select_n3A_104, %sub3A_106 : vector<1024x128xf32>
    %get3A_108 = arith.constant 0 : index
    %get3A_109 = arith.constant 0 : index
    %get3A_110 = vector.load %arg14[%get3A_108, %get3A_109] : memref<128x128xf32, #tpu.memory_space<vmem>>, vector<128x128xf32>
    %dot_general3A_111 = arith.constant dense<0.000000e+00> : vector<1024x128xf32>
    %dot_general3A_112 = tpu.matmul %get3A_4, %get3A_110, %dot_general3A_111 {dimension_numbers = #tpu.dot_dimension_numbers<[1], [0], [0], [1], [0, 0, 1, 1], [], []>, transpose_lhs_hint = false} : vector<1024x128xf32>, vector<128x128xf32>, vector<1024x128xf32> -> vector<1024x128xf32>
    %mul3A = arith.mulf %dot_general3A_112, %sub3A_107 : vector<1024x128xf32>
    %swap3A_113 = arith.constant 0 : index
    %swap3A_114 = arith.constant 0 : index
    %swap3A_115 = vector.load %arg16[%swap3A_113, %swap3A_114] : memref<1024x128xf32, #tpu.memory_space<vmem>>, vector<1024x128xf32>
    tpu.vector_store %arg16[%swap3A_113, %swap3A_114], %mul3A {strides = array<i32>} : memref<1024x128xf32, #tpu.memory_space<vmem>>, vector<1024x128xf32>,
    return
  }
  func.func @transform_0(%arg0: i32) -> (i32, i32) {
    %c0_i32 = arith.constant 0 : i32
    %c0_i32_0 = arith.constant 0 : i32
    return %arg0, %c0_i32 : i32, i32
  }
  func.func @transform_1(%arg0: i32) -> (i32, i32) {
    %add3A = arith.constant 160 : i32
    %add3A_0 = arith.addi %arg0, %add3A : i32
    %c0_i32 = arith.constant 0 : i32
    %c0_i32_1 = arith.constant 0 : i32
    return %add3A_0, %c0_i32 : i32, i32
  }
  func.func @transform_2(%arg0: i32) -> (i32, i32) {
    %c0_i32 = arith.constant 0 : i32
    %c0_i32_0 = arith.constant 0 : i32
    return %arg0, %c0_i32 : i32, i32
  }
  func.func @transform_3(%arg0: i32) -> (i32, i32) {
    %c0_i32 = arith.constant 0 : i32
    %c0_i32_0 = arith.constant 0 : i32
    %c0_i32_1 = arith.constant 0 : i32
    return %c0_i32, %c0_i32_0 : i32, i32
  }
  func.func @transform_4(%arg0: i32) -> (i32, i32) {
    %c0_i32 = arith.constant 0 : i32
    %c0_i32_0 = arith.constant 0 : i32
    %c0_i32_1 = arith.constant 0 : i32
    return %c0_i32, %c0_i32_0 : i32, i32
  }
  func.func @transform_5(%arg0: i32) -> (i32, i32) {
    %c0_i32 = arith.constant 0 : i32
    %c0_i32_0 = arith.constant 0 : i32
    %c0_i32_1 = arith.constant 0 : i32
    return %c0_i32, %c0_i32_0 : i32, i32
  }
  func.func @transform_6(%arg0: i32) -> (i32, i32) {
    %c0_i32 = arith.constant 0 : i32
    %c0_i32_0 = arith.constant 0 : i32
    %c0_i32_1 = arith.constant 0 : i32
    return %c0_i32, %c0_i32_0 : i32, i32
  }
  func.func @transform_7(%arg0: i32) -> (i32, i32) {
    %c0_i32 = arith.constant 0 : i32
    %c0_i32_0 = arith.constant 0 : i32
    %c0_i32_1 = arith.constant 0 : i32
    return %c0_i32, %c0_i32_0 : i32, i32
  }
  func.func @transform_8(%arg0: i32) -> (i32, i32) {
    %c0_i32 = arith.constant 0 : i32
    %c0_i32_0 = arith.constant 0 : i32
    %c0_i32_1 = arith.constant 0 : i32
    return %c0_i32, %c0_i32_0 : i32, i32
  }
  func.func @transform_9(%arg0: i32) -> (i32, i32) {
    %c0_i32 = arith.constant 0 : i32
    %c0_i32_0 = arith.constant 0 : i32
    %c0_i32_1 = arith.constant 0 : i32
    return %c0_i32, %c0_i32_0 : i32, i32
  }
  func.func @transform_10(%arg0: i32) -> (i32, i32) {
    %c0_i32 = arith.constant 0 : i32
    %c0_i32_0 = arith.constant 0 : i32
    %c0_i32_1 = arith.constant 0 : i32
    return %c0_i32, %c0_i32_0 : i32, i32
  }
  func.func @transform_11(%arg0: i32) -> (i32, i32) {
    %c0_i32 = arith.constant 0 : i32
    %c0_i32_0 = arith.constant 0 : i32
    %c0_i32_1 = arith.constant 0 : i32
    return %c0_i32, %c0_i32_0 : i32, i32
  }
  func.func @transform_12(%arg0: i32) -> (i32, i32) {
    %c0_i32 = arith.constant 0 : i32
    %c0_i32_0 = arith.constant 0 : i32
    %c0_i32_1 = arith.constant 0 : i32
    return %c0_i32, %c0_i32_0 : i32, i32
  }
  func.func @transform_13(%arg0: i32) -> (i32, i32) {
    %c0_i32 = arith.constant 0 : i32
    %c0_i32_0 = arith.constant 0 : i32
    %c0_i32_1 = arith.constant 0 : i32
    return %c0_i32, %c0_i32_0 : i32, i32
  }
  func.func @transform_14(%arg0: i32) -> (i32, i32) {
    %c0_i32 = arith.constant 0 : i32
    %c0_i32_0 = arith.constant 0 : i32
    return %arg0, %c0_i32 : i32, i32
  }
  func.func @transform_15(%arg0: i32) -> (i32, i32) {
    %c0_i32 = arith.constant 0 : i32
    %c0_i32_0 = arith.constant 0 : i32
    return %arg0, %c0_i32 : i32, i32
  }
}

module attributes {stable_mosaic.version = 14 : i64} {
  func.func @_readout_body(%arg0: i32, %arg1: memref<2000x128xf32, #tpu.memory_space<vmem>>, %arg2: memref<2000x1xi32, #tpu.memory_space<vmem>>, %arg3: memref<128x64xf32, #tpu.memory_space<vmem>>, %arg4: memref<1x64xf32, #tpu.memory_space<vmem>>, %arg5: memref<64x1xf32, #tpu.memory_space<vmem>>, %arg6: memref<1x1xf32, #tpu.memory_space<vmem>>, %arg7: memref<512x1xf32, #tpu.memory_space<vmem>>) attributes {dimension_semantics = [#tpu.dimension_semantics<arbitrary>], iteration_bounds = array<i64: 5>, scalar_prefetch = 0 : i64, scratch_operands = 0 : i64, tpu.core_type = #tpu.core_type<tc>, window_params = [{transform_indices = @transform_0, window_bounds = array<i64: 2000, 128>}, {transform_indices = @transform_1, window_bounds = array<i64: 2000, 1>}, {pipeline_mode = #tpu.pipeline_mode<synchronous>, transform_indices = @transform_2, window_bounds = array<i64: 128, 64>}, {pipeline_mode = #tpu.pipeline_mode<synchronous>, transform_indices = @transform_3, window_bounds = array<i64: 1, 64>}, {pipeline_mode = #tpu.pipeline_mode<synchronous>, transform_indices = @transform_4, window_bounds = array<i64: 64, 1>}, {pipeline_mode = #tpu.pipeline_mode<synchronous>, transform_indices = @transform_5, window_bounds = array<i64: 1, 1>}, {pipeline_mode = #tpu.pipeline_mode<synchronous>, transform_indices = @transform_6, window_bounds = array<i64: 512, 1>}]} {
    %get3A = arith.constant 0 : index
    %get3A_0 = arith.constant 0 : index
    %get3A_1 = vector.load %arg1[%get3A, %get3A_0] : memref<2000x128xf32, #tpu.memory_space<vmem>>, vector<2000x128xf32>
    %get3A_2 = arith.constant 0 : index
    %get3A_3 = arith.constant 0 : index
    %get3A_4 = vector.load %arg3[%get3A_2, %get3A_3] : memref<128x64xf32, #tpu.memory_space<vmem>>, vector<128x64xf32>
    %dot_general3A = arith.constant dense<0.000000e+00> : vector<2000x64xf32>
    %dot_general3A_5 = tpu.matmul %get3A_1, %get3A_4, %dot_general3A {dimension_numbers = #tpu.dot_dimension_numbers<[1], [0], [0], [1], [0, 0, 1, 1], [], []>, transpose_lhs_hint = false} : vector<2000x128xf32>, vector<128x64xf32>, vector<2000x64xf32> -> vector<2000x64xf32>
    %get3A_6 = arith.constant 0 : index
    %get3A_7 = arith.constant 0 : index
    %get3A_8 = vector.load %arg4[%get3A_6, %get3A_7] : memref<1x64xf32, #tpu.memory_space<vmem>>, vector<1x64xf32>
    %add3A = vector.broadcast %get3A_8 : vector<1x64xf32> to vector<2000x64xf32>
    %add3A_9 = arith.addf %dot_general3A_5, %add3A : vector<2000x64xf32>
    %custom_jvp_call3A = arith.constant 0.000000e+00 : f32
    %max3A = vector.broadcast %custom_jvp_call3A : f32 to vector<2000x64xf32>
    %max3A_10 = arith.maximumf %add3A_9, %max3A : vector<2000x64xf32>
    %sub3A = vector.broadcast %custom_jvp_call3A : f32 to vector<2000x64xf32>
    %sub3A_11 = arith.subf %add3A_9, %sub3A : vector<2000x64xf32>
    %ne3A = arith.cmpf one, %sub3A_11, %sub3A_11 : vector<2000x64xf32>
    %add3A_12 = vector.broadcast %custom_jvp_call3A : f32 to vector<2000x64xf32>
    %add3A_13 = arith.addf %add3A_9, %add3A_12 : vector<2000x64xf32>
    %abs3A = math.absf %sub3A_11 : vector<2000x64xf32>
    %neg3A = arith.constant 0.000000e+00 : f32
    %neg3A_14 = vector.broadcast %neg3A : f32 to vector<2000x64xf32>
    %neg3A_15 = arith.subf %neg3A_14, %abs3A : vector<2000x64xf32>
    %exp3A = math.exp %neg3A_15 : vector<2000x64xf32>
    %log1p3A = math.log1p %exp3A : vector<2000x64xf32>
    %add3A_16 = arith.addf %max3A_10, %log1p3A : vector<2000x64xf32>
    %select_n3A = arith.select %ne3A, %add3A_13, %add3A_16 : vector<2000x64xi1>, vector<2000x64xf32>
    %sub3A_17 = arith.constant 0.693147182 : f32
    %sub3A_18 = vector.broadcast %sub3A_17 : f32 to vector<2000x64xf32>
    %sub3A_19 = arith.subf %select_n3A, %sub3A_18 : vector<2000x64xf32>
    %get3A_20 = arith.constant 0 : index
    %get3A_21 = arith.constant 0 : index
    %get3A_22 = vector.load %arg5[%get3A_20, %get3A_21] : memref<64x1xf32, #tpu.memory_space<vmem>>, vector<64x1xf32>
    %dot_general3A_23 = arith.constant dense<0.000000e+00> : vector<2000x1xf32>
    %dot_general3A_24 = tpu.matmul %sub3A_19, %get3A_22, %dot_general3A_23 {dimension_numbers = #tpu.dot_dimension_numbers<[1], [0], [0], [1], [0, 0, 1, 1], [], []>, transpose_lhs_hint = false} : vector<2000x64xf32>, vector<64x1xf32>, vector<2000x1xf32> -> vector<2000x1xf32>
    %get3A_25 = arith.constant 0 : index
    %get3A_26 = arith.constant 0 : index
    %get3A_27 = vector.load %arg6[%get3A_25, %get3A_26] : memref<1x1xf32, #tpu.memory_space<vmem>>, vector<1x1xf32>
    %add3A_28 = vector.broadcast %get3A_27 : vector<1x1xf32> to vector<2000x1xf32>
    %add3A_29 = arith.addf %dot_general3A_24, %add3A_28 : vector<2000x1xf32>
    %iota3A = tpu.iota {dimensions = array<i32: 1>} : vector<1x512xi32>
    %get3A_30 = arith.constant 0 : index
    %get3A_31 = arith.constant 0 : index
    %get3A_32 = vector.load %arg2[%get3A_30, %get3A_31] : memref<2000x1xi32, #tpu.memory_space<vmem>>, vector<2000x1xi32>
    %eq3A = vector.broadcast %get3A_32 : vector<2000x1xi32> to vector<2000x512xi32>
    %eq3A_33 = vector.broadcast %iota3A : vector<1x512xi32> to vector<2000x512xi32>
    %eq3A_34 = arith.cmpi eq, %eq3A, %eq3A_33 : vector<2000x512xi32>
    %convert_element_type3A = arith.extui %eq3A_34 : vector<2000x512xi1> to vector<2000x512xi32>
    %convert_element_type3A_35 = arith.sitofp %convert_element_type3A : vector<2000x512xi32> to vector<2000x512xf32>
    %dot_general3A_36 = arith.constant dense<0.000000e+00> : vector<512x1xf32>
    %dot_general3A_37 = tpu.matmul %convert_element_type3A_35, %add3A_29, %dot_general3A_36 {dimension_numbers = #tpu.dot_dimension_numbers<[0], [0], [1], [1], [0, 1, 1, 1], [], []>, transpose_lhs_hint = false} : vector<2000x512xf32>, vector<2000x1xf32>, vector<512x1xf32> -> vector<512x1xf32>
    %eq3A_38 = arith.constant 0 : i32
    %eq3A_39 = arith.cmpi eq, %arg0, %eq3A_38 : i32
    %convert_element_type3A_40 = arith.extui %eq3A_39 : i1 to i32
    %cond3A = arith.constant 0 : i32
    %cond3A_41 = arith.cmpi ne, %convert_element_type3A_40, %cond3A : i32
    scf.if %cond3A_41 {
      %swap3A = arith.constant 0 : index
      %swap3A_46 = arith.constant 0 : index
      %swap3A_47 = vector.load %arg7[%swap3A, %swap3A_46] : memref<512x1xf32, #tpu.memory_space<vmem>>, vector<512x1xf32>
      tpu.vector_store %arg7[%swap3A, %swap3A_46], %dot_general3A_37 {strides = array<i32>} : memref<512x1xf32, #tpu.memory_space<vmem>>, vector<512x1xf32>,
    } else {
    }
    %gt3A = arith.constant 0 : i32
    %gt3A_42 = arith.cmpi sgt, %arg0, %gt3A : i32
    %convert_element_type3A_43 = arith.extui %gt3A_42 : i1 to i32
    %cond3A_44 = arith.constant 0 : i32
    %cond3A_45 = arith.cmpi ne, %convert_element_type3A_43, %cond3A_44 : i32
    scf.if %cond3A_45 {
      %get3A_46 = arith.constant 0 : index
      %get3A_47 = arith.constant 0 : index
      %get3A_48 = vector.load %arg7[%get3A_46, %get3A_47] : memref<512x1xf32, #tpu.memory_space<vmem>>, vector<512x1xf32>
      %add3A_49 = arith.addf %get3A_48, %dot_general3A_37 : vector<512x1xf32>
      %swap3A = arith.constant 0 : index
      %swap3A_50 = arith.constant 0 : index
      %swap3A_51 = vector.load %arg7[%swap3A, %swap3A_50] : memref<512x1xf32, #tpu.memory_space<vmem>>, vector<512x1xf32>
      tpu.vector_store %arg7[%swap3A, %swap3A_50], %add3A_49 {strides = array<i32>} : memref<512x1xf32, #tpu.memory_space<vmem>>, vector<512x1xf32>,
    } else {
    }
    return
  }
  func.func @transform_0(%arg0: i32) -> (i32, i32) {
    %c0_i32 = arith.constant 0 : i32
    %c0_i32_0 = arith.constant 0 : i32
    return %arg0, %c0_i32 : i32, i32
  }
  func.func @transform_1(%arg0: i32) -> (i32, i32) {
    %c0_i32 = arith.constant 0 : i32
    %c0_i32_0 = arith.constant 0 : i32
    return %arg0, %c0_i32 : i32, i32
  }
  func.func @transform_2(%arg0: i32) -> (i32, i32) {
    %c0_i32 = arith.constant 0 : i32
    %c0_i32_0 = arith.constant 0 : i32
    %c0_i32_1 = arith.constant 0 : i32
    return %c0_i32, %c0_i32_0 : i32, i32
  }
  func.func @transform_3(%arg0: i32) -> (i32, i32) {
    %c0_i32 = arith.constant 0 : i32
    %c0_i32_0 = arith.constant 0 : i32
    %c0_i32_1 = arith.constant 0 : i32
    return %c0_i32, %c0_i32_0 : i32, i32
  }
  func.func @transform_4(%arg0: i32) -> (i32, i32) {
    %c0_i32 = arith.constant 0 : i32
    %c0_i32_0 = arith.constant 0 : i32
    %c0_i32_1 = arith.constant 0 : i32
    return %c0_i32, %c0_i32_0 : i32, i32
  }
  func.func @transform_5(%arg0: i32) -> (i32, i32) {
    %c0_i32 = arith.constant 0 : i32
    %c0_i32_0 = arith.constant 0 : i32
    %c0_i32_1 = arith.constant 0 : i32
    return %c0_i32, %c0_i32_0 : i32, i32
  }
  func.func @transform_6(%arg0: i32) -> (i32, i32) {
    %c0_i32 = arith.constant 0 : i32
    %c0_i32_0 = arith.constant 0 : i32
    %c0_i32_1 = arith.constant 0 : i32
    return %c0_i32, %c0_i32_0 : i32, i32
  }
}

</mosaic_0001>

<sc_bundles>
// kernel: kernel.17.cloned.1.call-start
scs
__scs_entry_jumppad:
0x0: {  	(pc) =	sbr.rel $0x88, $3  }
0x1: {  	(tag) =	ssettag $0x0;
	lr =	simm.s32 $0x1  }
0x2: {  	[smem:$0x3F71] =	sst lr;
	_ =	strace $0xD0000000  }
0x3: {  	_ = 	snop  }
0x4: {  	_ = 	snop  }
0x5: {  	_ = 	snop  }
0x6: {  	_ = 	snop  }
0x7: {  	_ = 	snop  }
__scs_overlays_trampoline_lowered:
0x8: {  	[smem:$0x3F80] =	sst s0  }
0x9: {  	[smem:$0x3F81] =	sst s1  }
0xa: {  	[smem:$0x3F82] =	sst s2  }
0xb: {  	[smem:$0x3F83] =	sst s3  }
0xc: {  	[smem:$0x3F84] =	sst s4  }
0xd: {  	[smem:$0x3F85] =	sst s5  }
0xe: {  	[smem:$0x3F86] =	sst s6  }
0xf: {  	[smem:$0x3F87] =	sst s7  }
0x10: {  	[smem:$0x3F88] =	sst s8  }
0x11: {  	[smem:$0x3F89] =	sst s9;
	s0 =	simm.s32 @!p0 $0x0  }
0x12: {  	s1 =	sld [smem:$0x3F6F];
	s0 =	simm.s32 @p0 $0x1  }
0x13: {  	[smem:$0x3F8A] =	sst s0;
	s0 =	simm.s32 @!p1 $0x0  }
0x14: {  	s2 =	sld [smem:$0x3F6E];
	s0 =	simm.s32 @p1 $0x1  }
0x15: {  	[smem:$0x3F8B] =	sst s0;
	s0 =	simm.s32 @!p2 $0x0  }
0x16: {  	s3 =	sld [smem:$0x3FDB];
	s0 =	simm.s32 @p2 $0x1  }
0x17: {  	s4 =	simm.s32 $0x1BF5;
	[smem:$0x3F8D] =	sst s0  }
0x18: {  	s0 =	sld [smem:$0x3F70];
	_ =	swait.ge [sflag:s4], $0x0  }
0x19: {  	s7 =	sld [smem:$0x3F71]  }
0x1a: {  	s8 =	sadd.s32 $0xFFFFE003, lr  }
0x1b: {  	s9 =	sadd.s32 $0xFFFFFEF7, lr;
	s5 =	simm.s32 $0xFFFFFFFF;
	p2 =	slt.u32 s8, $0xFFFFF086  }
0x1c: {  	p1 =	slt.u32 s9, $0xF7A;
	s5 =	simm.s32 @!p2 $0x0  }
0x1d: {  	s5 =	simm.s32 @p1 $0x1;
	p0 =	seq.s32 s7, s2  }
0x1e: {  	s7 =	smul.u32 @!p0 $0xF7A, s2;
	p2 =	seq.s32 @!p0 s5, $0x0  }
0x1f: {  	s9 =	smul.u32 $0xF7A, s1;
	s8 =	simm.s32 @!p0 $0x1BF5;
	p2 =	por !p2, p0  }
0x20: {  	[sflag:s8] =	ssyncset.s32 @!p0 $0xFFFFF086;
	s6 =	sadd.s32 @!p0 s3, s7;
	s7 =	simm.s32 @!p0 $0x108  }
0x21: {  	s3 =	sadd.s32 s3, s9;
	s6 =	sadd.s32 @!p0 $0x88, s6;
	s7 =	simm.s32 @p2 $0x1082  }
0x22: {  	[simem:s7], [sflag:s8] =	dma.local @!p0 [hbm:s6], $0xF7A  }
0x23: {  	s9 =	sor.u32 $0xD0000000, s2;
	s6 =	simm.s32 $0x108;
	_ =	swait.ge @!p0 [sflag:s8], $0x0  }
0x24: {  	s3 =	sadd.s32 $0x88, s3;
	s6 =	simm.s32 @!p1 $0x1082;
	[sflag:s4] =	ssyncset.s32 $0xFFFFF086  }
0x25: {  	[simem:s6], [sflag:s4] =	dma.local [hbm:s3], $0xF7A  }
0x26: {  	[smem:$0x3F71] =	sst s1;
	(tag) =	ssettag s2;
	_ =	strace s9  }
0x27: {  	s1 =	sld [smem:$0x3F81]  }
0x28: {  	s2 =	sld [smem:$0x3F82]  }
0x29: {  	s4 =	sld [smem:$0x3F84]  }
0x2a: {  	p0 =	seq.s32 s5, $0x0;
	s5 =	sld [smem:$0x3F85]  }
0x2b: {  	s6 =	sld [smem:$0x3F86]  }
0x2c: {  	s7 =	sld [smem:$0x3F87]  }
0x2d: {  	s3 =	simm.s32 $0x108;
	s8 =	sld [smem:$0x3F88]  }
0x2e: {  	s3 =	simm.s32 @!p0 $0x1082;
	s9 =	sld [smem:$0x3F89]  }
0x2f: {  	lr =	sadd.s32 s0, s3;
	s0 =	sld [smem:$0x3F80]  }
0x30: {  	s3 =	sld [smem:$0x3F83]  }
0x31: {  	[smem:$0x3F8C] =	sst s10  }
0x32: {  	s10 =	sld [smem:$0x3F8A];
	_ =	sdelay $0x3  }
0x33: {  	p0 =	seq.s32 s10, $0x1;
	s10 =	sld [smem:$0x3F8C];
	_ =	sdelay $0x3  }
0x34: {  	[smem:$0x3F8C] =	sst s10  }
0x35: {  	s10 =	sld [smem:$0x3F8B];
	_ =	sdelay $0x3  }
0x36: {  	p1 =	seq.s32 s10, $0x1;
	s10 =	sld [smem:$0x3F8C];
	_ =	sdelay $0x3  }
0x37: {  	[smem:$0x3F8C] =	sst s10  }
0x38: {  	s10 =	sld [smem:$0x3F8D]  }
0x39: {  	_ = 	snop;
	(pc) =	sbr.ind lr, $3  }
0x3a: {  	_ = 	snop  }
0x3b: {  	_ = 	snop  }
0x3c: {  	p2 =	seq.s32 s10, $0x1;
	s10 =	sld [smem:$0x3F8C]  }
0x3d: {  	_ =	shalt  }
0x3e: {  	_ =	shalt  }
0x3f: {  	_ =	shalt  }
0x40: {  	_ =	shalt  }
0x41: {  	_ =	shalt  }
0x42: {  	_ =	shalt  }
0x43: {  	_ =	shalt  }
0x44: {  	_ =	shalt  }
0x45: {  	_ =	shalt  }
0x46: {  	_ =	shalt  }
0x47: {  	_ =	shalt  }
0x48: {  	_ =	shalt  }
0x49: {  	_ =	shalt  }
0x4a: {  	_ =	shalt  }
0x4b: {  	_ =	shalt  }
0x4c: {  	_ =	shalt  }
0x4d: {  	_ =	shalt  }
0x4e: {  	_ =	shalt  }
0x4f: {  	_ =	shalt  }
0x50: {  	_ =	shalt  }
0x51: {  	_ =	shalt  }
0x52: {  	_ =	shalt  }
0x53: {  	_ =	shalt  }
0x54: {  	_ =	shalt  }
0x55: {  	_ =	shalt  }
0x56: {  	_ =	shalt  }
0x57: {  	_ =	shalt  }
0x58: {  	_ =	shalt  }
0x59: {  	_ =	shalt  }
0x5a: {  	_ =	shalt  }
0x5b: {  	_ =	shalt  }
0x5c: {  	_ =	shalt  }
0x5d: {  	_ =	shalt  }
0x5e: {  	_ =	shalt  }
0x5f: {  	_ =	shalt  }
0x60: {  	_ =	shalt  }
0x61: {  	_ =	shalt  }
0x62: {  	_ =	shalt  }
0x63: {  	_ =	shalt  }
0x64: {  	_ =	shalt  }
0x65: {  	_ =	shalt  }
0x66: {  	_ =	shalt  }
0x67: {  	_ =	shalt  }
0x68: {  	_ =	shalt  }
0x69: {  	_ =	shalt  }
0x6a: {  	_ =	shalt  }
0x6b: {  	_ =	shalt  }
0x6c: {  	_ =	shalt  }
0x6d: {  	_ =	shalt  }
0x6e: {  	_ =	shalt  }
0x6f: {  	_ =	shalt  }
0x70: {  	_ =	shalt  }
0x71: {  	_ =	shalt  }
0x72: {  	_ =	shalt  }
0x73: {  	_ =	shalt  }
0x74: {  	_ =	shalt  }
0x75: {  	_ =	shalt  }
0x76: {  	_ =	shalt  }
0x77: {  	_ =	shalt  }
0x78: {  	_ =	shalt  }
0x79: {  	_ =	shalt  }
0x7a: {  	_ =	shalt  }
0x7b: {  	_ =	shalt  }
0x7c: {  	_ =	shalt  }
0x7d: {  	_ =	shalt  }
0x7e: {  	_ =	shalt  }
0x7f: {  	_ =	shalt  }
0x80: {  	_ =	shalt  }
0x81: {  	_ =	shalt  }
0x82: {  	_ =	shalt  }
0x83: {  	_ =	shalt  }
0x84: {  	_ =	shalt  }
0x85: {  	_ =	shalt  }
0x86: {  	_ =	shalt  }
0x87: {  	_ =	shalt  }
.Lfunc_end0:
.L_simem_size_0:
called_computation_lowered:
.L_overlay_start_0:
0x88: {  	s2 =	sld [smem:$0x3FD9]  }
0x89: {  	s3 =	sld [smem:$0x3FFE];
	_ =	sdelay $0x1  }
0x8a: {  	s1 =	srdreg.scid  }
0x8b: {  	s0 =	sand.u32 $0x1, s1  }
0x8c: {  	s16 =	sshll.u32 s0, $0xA;
	s2 =	sadd.s32 s3, s2  }
0x8d: {  	s2 =	sadd.s32 s2, s16  }
0x8e: {  	[smem:$0x3F98] =	sst s2  }
0x8f: {  	_ = 	snop  }
0x90: {  	(tm) =	ssettm $0x1  }
0x91: {  	s17 =	sld [smem:$0x3FFB];
	_ =	sdelay $0x3  }
0x92: {  	_ =	strace s17  }
0x93: {  	s2 =	sld [smem:$0x3FFC];
	_ =	sdelay $0x3  }
0x94: {  	_ =	strace s2  }
0x95: {  	s2 =	sld [smem:$0x3FFD];
	_ =	sdelay $0x3  }
0x96: {  	_ =	strace s2  }
0x97: {  	_ =	strace $0x8FFFFFFF  }
0x98: {  	s18 =	sld [smem:$0x3FDB];
	_ =	sdelay $0x1  }
0x99: {  	s19 =	simm.s32 $_scs_section_size  }
0x9a: {  	s4 =	simm.s32 $_size__tile_overlayer_lowered;
	s5 =	simm.s32 $_tile_overlayer_lowered  }
0x9b: {  	s22 =	simm.s32 $0x1BFF;
	s21 =	sshll.u32 s5, $0x1;
	s2 =	sadd.s32 s19, s18  }
0x9c: {  	s6 =	simm.s32 $0x0;
	s20 =	sshll.u32 s4, $0x1;
	s4 =	sadd.s32 s21, s2  }
0x9d: {  	[timem:s6], [sflag:s22] =	dma.local [hbm:s4], s20  }
0x9e: {  	_ =	swait.ge [sflag:s22], s20  }
0x9f: {  	s3 =	ssub.s32 $0x0, s20;
	[sflag:s22] =	ssyncset.done $0x0  }
0xa0: {  	[sflag:s22] =	ssyncadd.s32 s3;
	_ =	sdelay $0x1  }
0xa1: {  	s23 =	simm.s32 $0x1B8B  }
0xa2: {  	_ =	swait.ge [sflag:s23], $0x1  }
0xa3: {  	[sflag:s23] =	ssyncset.done $0x0  }
0xa4: {  	s25 =	simm.s32 $0x1B8E;
	s24 =	sld [smem:$0x3FFE];
	[sflag:s23] =	ssyncadd.s32 $0xFFFFFFFF  }
0xa5: {  	s26 =	simm.s32 $execute0_lowered;
	[smem:$0x3FD2] =	sst s25  }
0xa6: {  	s4 =	sshll.u32 s26, $0x1;
	_ =	strace $0x80000046;
	[dreg:$0x1] =	wrdreg $0xFFFFFFFF  }
0xa7: {  	s28 =	simm.s32 $_size_execute0_lowered;
	s2 =	sadd.s32 s2, s4;
	[dreg:$0x0] =	wrdreg $0x0  }
0xa8: {  	s4 =	sshll.u32 s28, $0x1;
	[dreg:$0x2] =	wrdreg s2  }
0xa9: {  	[dreg:$0x3] =	wrdreg s4  }
0xaa: {  	[dreg:$0x4] =	wrdreg $0xC0  }
0xab: {  	_ =	task [dreg:s6], $0x5FFFF  }
0xac: {  	[dreg:$0x1] =	wrdreg $0xFFFFFFFF  }
0xad: {  	[dreg:$0x0] =	wrdreg $0x60  }
0xae: {  	[dreg:$0x2] =	wrdreg s24  }
0xaf: {  	[dreg:$0x3] =	wrdreg $0x9  }
0xb0: {  	_ =	task.clear_ibuf [dreg:s6], $0x4FFFF;
	_ =	strace $0x90000046  }
0xb1: {  	s29 =	simm.s32 $0x9;
	_ =	strace $0x80000048  }
0xb2: {  	_ =	swait.ge [sflag:s29], $0x1  }
0xb3: {  	[sflag:s29] =	ssyncadd.s32 $0xFFFFFFFF  }
0xb4: {  	_ =	strace $0x90000048  }
0xb5: {  	_ =	sfence  }
0xb6: {  	s30 =	sld [smem:$0x0];
	_ =	sdelay $0x2  }
0xb7: {  	s31 =	sshll.u32 s1, $0xD;
	s1 =	sshrl.u32 s1, $0x2  }
0xb8: {  	s3 =	sand.u32 $0x4000, s31;
	s1 =	sadd.s32 s1, s30  }
0xb9: {  	s0 =	sor.u32 s3, s0;
	s1 =	sshll.u32 s1, $0x11  }
0xba: {  	s0 =	sor.u32 s1, s0  }
0xbb: {  	s0 =	sadd.s32 $0x8F2B, s0  }
0xbc: {  	[sflag:s0] =	ssyncadd.remote.s32 $0x1  }
0xbd: {  	_ =	sfence.sel $0xFFFF  }
0xbe: {  	[dreg:$0x0] =	wrdreg $0xFFFFFFFF;
	(pc) =	sbr.abs _section_cstart, $3  }
0xbf: {  	[dreg:$0x1] =	wrdreg $0xFFFFFFFF  }
0xc0: {  	_ =	task.clear_ibuf [dreg:s6], $0x2FFFF;
	_ =	strace $0x9FFFFFFF  }
0xc1: {  	(tm) =	ssettm $0x7FFFFFFF  }
tec
execute0_lowered:
.L_overlay_start_1:
0x0: {  	(tag) =	ssettag $0x1  }
0x1: {  	s1 =	srdreg.scid  }
0x2: {  	s0 =	stileid.u32;
	s4 =	rddreg [dreg:$0x0];
	s2 =	simm.s32 $0x0  }
0x3: {  	s11 =	simm.s32 $0x0;
	s5 =	sand.u32 $0x1, s1;
	s1 =	rddreg [dreg:$0x1]  }
0x4: {  	s3 =	sshll.u32 s0, $0x1;
	[smem:$0x7FF] =	sst s2;
	s7 =	smul.u32 $0xA000, s0  }
0x5: {  	s3 =	sor.u32 s5, s3;
	_ =	strace $0x80000047;
	s10 =	smul.u32 $0x5000, s5  }
0x6: {  	s8 =	ssub.s32 $0x2, s5;
	s6 =	smul.u32 $0x500, s3;
	s3 =	sadd.s32 $0xE800, s4  }
0x7: {  	s9 =	sshrl.u32 s8, $0x1;
	s30 =	sadd.s32 s7, s4;
	s7 =	simm.s32 $0x2  }
0x8: {  	s31 =	ssub.s32 s8, s9;
	s8 =	simm.s32 $0x80;
	s9 =	simm.s32 $0x2800  }
0x9: {  	s29 =	sadd.s32 s6, s4;
	s5 =	smax.u32 s31, $0x1;
	s6 =	sadd.s32 s10, s30  }
0xa: {  	s10 =	simm.s32 $0x1;
	s4 =	sadd.s32 $0x13800, s29;
	s6 =	sadd.s32 $0x27800, s6  }
.LBB2_1:
0xb: {  	[tilespmem:s2], [sflag:$0x2] =	stream.linear.gather [hbm4b:s4+s2], $0x2800, $0x38;
	[tilespmem:$0x3000] =	vst v63  }
0xc: {  	_ =	swait.ge [sflag:s7], $0x2800  }
0xd: {  	[sflag:s7] =	ssyncset.done $0x0  }
0xe: {  	[sflag:s7] =	ssyncadd.s32 $0xFFFFD800  }
0xf: {  	[tilespmem:s9], [sflag:$0x1] =	stream.indirect.gather [hbm4b:s3+s8], $0x10, s2, s8, $0xb8;
	[tilespmem:$0x3000] =	vst v63  }
0x10: {  	_ =	swait.ge [sflag:s10], $0x800  }
0x11: {  	[sflag:s10] =	ssyncset.done $0x0  }
0x12: {  	s12 =	sadd.s32 $0x0, s6;
	[sflag:s10] =	ssyncadd.s32 $0xFFFFF800  }
0x13: {  	[hbm4b:s12+s2] =	stream.linear.scatter [tilespmem:s9], [sflag:$0x2], $0x800, $0x38;
	[tilespmem:$0x3000] =	vst v63  }
0x14: {  	_ =	swait.ge [sflag:s7], $0x800  }
0x15: {  	s13 =	simm.s32 $0x0;
	s12 =	simm.s32 $0x100;
	[sflag:s7] =	ssyncset.done $0x0  }
.LBB2_2:
0x16: {  	p0 =	sne.s32 s12, $0x4F00;
	[sflag:s7] =	ssyncadd.s32 $0xFFFFF800;
	s13 =	sadd.s32 $0x80, s13  }
0x17: {  	[tilespmem:s9], [sflag:$0x1] =	stream.indirect.gather [hbm4b:s3+s8], $0x10, s13, s8, $0xb8;
	[tilespmem:$0x3000] =	vst v63  }
0x18: {  	s14 =	smov.u32 s12;
	s12 =	sadd.s32 $0x100, s12;
	_ =	swait.ge [sflag:s10], $0x800  }
.Ltmp0:
0x19: {  	[sflag:s10] =	ssyncset.done $0x0;
	(pc) =	sbr.rel @p0 .LBB2_2-.Ltmp0, $4  }
0x1a: {  	s14 =	sadd.s32 s14, s6;
	[sflag:s10] =	ssyncadd.s32 $0xFFFFF800  }
0x1b: {  	[hbm4b:s14+s2] =	stream.linear.scatter [tilespmem:s9], [sflag:$0x2], $0x800, $0x38;
	[tilespmem:$0x3000] =	vst v63  }
0x1c: {  	_ =	swait.ge [sflag:s7], $0x800  }
0x1d: {  	[sflag:s7] =	ssyncset.done $0x0  }
0x1e: {  	s11 =	sadd.s32 $0x1, s11  }
0x1f: {  	p0 =	sne.s32 s11, s5  }
.Ltmp1:
0x20: {  	_ = 	snop;
	(pc) =	sbr.rel @p0 .LBB2_1-.Ltmp1, $2  }
0x21: {  	_ =	sdelay $0x2  }
0x22: {  	[sflag:s7] =	ssyncadd.s32 $0xFFFFF800  }
0x23: {  	_ =	sfence.sel $0x180000  }
0x24: {  	[bflag:$0x0] =	sbarrier.arrive $0xFFFF  }
0x25: {  	p0 =	sne.s32 s0, $0x0;
	_ =	strace $0x90000047  }
0x26: {  	s0 =	sadd.s32 @!p0 $0x100000, s1;
	[bflag:$0x2] =	sbarrier.arrive $0xFFFF  }
0x27: {  	[sflag:s0] =	ssyncadd.tile.s32 @!p0 $0x1;
	_ =	shalt  }
.Lfunc_end2:
_tile_overlayer_lowered:
.L_overlay_start_2:
0x28: {  	(tag) =	ssettag $0x2  }
0x29: {  	s0 =	rddreg [dreg:$0x0];
	s2 =	stileid.u32  }
0x2a: {  	s1 =	rddreg [dreg:$0x1];
	p0 =	sne.s32 s2, $0x0  }
0x2b: {  	s3 =	rddreg [dreg:$0x2];
	[bflag:$0x3] =	sbarrier.arrive $0xFFFF;
	s2 =	simm.s32 @!p0 $0x1C02  }
0x2c: {  	[timem:s3], [sflag:s2] =	dma.local @!p0 [hbm:s0], s1  }
0x2d: {  	s0 =	simm.s32 @!p0 $0x2  }
0x2e: {  	_ =	swait.ge @!p0 [sflag:s0], s1  }
0x2f: {  	s1 =	ssub.s32 @!p0 $0x0, s1;
	[sflag:s0] =	ssyncset.done @!p0 $0x0  }
0x30: {  	[sflag:s0] =	ssyncadd.s32 @!p0 s1  }
0x31: {  	[bflag:$0x3] =	sbarrier.arrive $0xFFFF  }
0x32: {  	_ =	shalt  }

// kernel: kernel.20.cloned.1.call-start
scs
__scs_entry_jumppad:
0x0: {  	(pc) =	sbr.rel $0x88, $3  }
0x1: {  	(tag) =	ssettag $0x0;
	lr =	simm.s32 $0x1  }
0x2: {  	[smem:$0x3F71] =	sst lr;
	_ =	strace $0xD0000000  }
0x3: {  	_ = 	snop  }
0x4: {  	_ = 	snop  }
0x5: {  	_ = 	snop  }
0x6: {  	_ = 	snop  }
0x7: {  	_ = 	snop  }
__scs_overlays_trampoline_lowered:
0x8: {  	[smem:$0x3F80] =	sst s0  }
0x9: {  	[smem:$0x3F81] =	sst s1  }
0xa: {  	[smem:$0x3F82] =	sst s2  }
0xb: {  	[smem:$0x3F83] =	sst s3  }
0xc: {  	[smem:$0x3F84] =	sst s4  }
0xd: {  	[smem:$0x3F85] =	sst s5  }
0xe: {  	[smem:$0x3F86] =	sst s6  }
0xf: {  	[smem:$0x3F87] =	sst s7  }
0x10: {  	[smem:$0x3F88] =	sst s8  }
0x11: {  	[smem:$0x3F89] =	sst s9;
	s0 =	simm.s32 @!p0 $0x0  }
0x12: {  	s1 =	sld [smem:$0x3F6F];
	s0 =	simm.s32 @p0 $0x1  }
0x13: {  	[smem:$0x3F8A] =	sst s0;
	s0 =	simm.s32 @!p1 $0x0  }
0x14: {  	s2 =	sld [smem:$0x3F6E];
	s0 =	simm.s32 @p1 $0x1  }
0x15: {  	[smem:$0x3F8B] =	sst s0;
	s0 =	simm.s32 @!p2 $0x0  }
0x16: {  	s3 =	sld [smem:$0x3FDB];
	s0 =	simm.s32 @p2 $0x1  }
0x17: {  	s4 =	simm.s32 $0x1BF5;
	[smem:$0x3F8D] =	sst s0  }
0x18: {  	s0 =	sld [smem:$0x3F70];
	_ =	swait.ge [sflag:s4], $0x0  }
0x19: {  	s7 =	sld [smem:$0x3F71]  }
0x1a: {  	s8 =	sadd.s32 $0xFFFFE003, lr  }
0x1b: {  	s9 =	sadd.s32 $0xFFFFFEF7, lr;
	s5 =	simm.s32 $0xFFFFFFFF;
	p2 =	slt.u32 s8, $0xFFFFF086  }
0x1c: {  	p1 =	slt.u32 s9, $0xF7A;
	s5 =	simm.s32 @!p2 $0x0  }
0x1d: {  	s5 =	simm.s32 @p1 $0x1;
	p0 =	seq.s32 s7, s2  }
0x1e: {  	s7 =	smul.u32 @!p0 $0xF7A, s2;
	p2 =	seq.s32 @!p0 s5, $0x0  }
0x1f: {  	s9 =	smul.u32 $0xF7A, s1;
	s8 =	simm.s32 @!p0 $0x1BF5;
	p2 =	por !p2, p0  }
0x20: {  	[sflag:s8] =	ssyncset.s32 @!p0 $0xFFFFF086;
	s6 =	sadd.s32 @!p0 s3, s7;
	s7 =	simm.s32 @!p0 $0x108  }
0x21: {  	s3 =	sadd.s32 s3, s9;
	s6 =	sadd.s32 @!p0 $0x88, s6;
	s7 =	simm.s32 @p2 $0x1082  }
0x22: {  	[simem:s7], [sflag:s8] =	dma.local @!p0 [hbm:s6], $0xF7A  }
0x23: {  	s9 =	sor.u32 $0xD0000000, s2;
	s6 =	simm.s32 $0x108;
	_ =	swait.ge @!p0 [sflag:s8], $0x0  }
0x24: {  	s3 =	sadd.s32 $0x88, s3;
	s6 =	simm.s32 @!p1 $0x1082;
	[sflag:s4] =	ssyncset.s32 $0xFFFFF086  }
0x25: {  	[simem:s6], [sflag:s4] =	dma.local [hbm:s3], $0xF7A  }
0x26: {  	[smem:$0x3F71] =	sst s1;
	(tag) =	ssettag s2;
	_ =	strace s9  }
0x27: {  	s1 =	sld [smem:$0x3F81]  }
0x28: {  	s2 =	sld [smem:$0x3F82]  }
0x29: {  	s4 =	sld [smem:$0x3F84]  }
0x2a: {  	p0 =	seq.s32 s5, $0x0;
	s5 =	sld [smem:$0x3F85]  }
0x2b: {  	s6 =	sld [smem:$0x3F86]  }
0x2c: {  	s7 =	sld [smem:$0x3F87]  }
0x2d: {  	s3 =	simm.s32 $0x108;
	s8 =	sld [smem:$0x3F88]  }
0x2e: {  	s3 =	simm.s32 @!p0 $0x1082;
	s9 =	sld [smem:$0x3F89]  }
0x2f: {  	lr =	sadd.s32 s0, s3;
	s0 =	sld [smem:$0x3F80]  }
0x30: {  	s3 =	sld [smem:$0x3F83]  }
0x31: {  	[smem:$0x3F8C] =	sst s10  }
0x32: {  	s10 =	sld [smem:$0x3F8A];
	_ =	sdelay $0x3  }
0x33: {  	p0 =	seq.s32 s10, $0x1;
	s10 =	sld [smem:$0x3F8C];
	_ =	sdelay $0x3  }
0x34: {  	[smem:$0x3F8C] =	sst s10  }
0x35: {  	s10 =	sld [smem:$0x3F8B];
	_ =	sdelay $0x3  }
0x36: {  	p1 =	seq.s32 s10, $0x1;
	s10 =	sld [smem:$0x3F8C];
	_ =	sdelay $0x3  }
0x37: {  	[smem:$0x3F8C] =	sst s10  }
0x38: {  	s10 =	sld [smem:$0x3F8D]  }
0x39: {  	_ = 	snop;
	(pc) =	sbr.ind lr, $3  }
0x3a: {  	_ = 	snop  }
0x3b: {  	_ = 	snop  }
0x3c: {  	p2 =	seq.s32 s10, $0x1;
	s10 =	sld [smem:$0x3F8C]  }
0x3d: {  	_ =	shalt  }
0x3e: {  	_ =	shalt  }
0x3f: {  	_ =	shalt  }
0x40: {  	_ =	shalt  }
0x41: {  	_ =	shalt  }
0x42: {  	_ =	shalt  }
0x43: {  	_ =	shalt  }
0x44: {  	_ =	shalt  }
0x45: {  	_ =	shalt  }
0x46: {  	_ =	shalt  }
0x47: {  	_ =	shalt  }
0x48: {  	_ =	shalt  }
0x49: {  	_ =	shalt  }
0x4a: {  	_ =	shalt  }
0x4b: {  	_ =	shalt  }
0x4c: {  	_ =	shalt  }
0x4d: {  	_ =	shalt  }
0x4e: {  	_ =	shalt  }
0x4f: {  	_ =	shalt  }
0x50: {  	_ =	shalt  }
0x51: {  	_ =	shalt  }
0x52: {  	_ =	shalt  }
0x53: {  	_ =	shalt  }
0x54: {  	_ =	shalt  }
0x55: {  	_ =	shalt  }
0x56: {  	_ =	shalt  }
0x57: {  	_ =	shalt  }
0x58: {  	_ =	shalt  }
0x59: {  	_ =	shalt  }
0x5a: {  	_ =	shalt  }
0x5b: {  	_ =	shalt  }
0x5c: {  	_ =	shalt  }
0x5d: {  	_ =	shalt  }
0x5e: {  	_ =	shalt  }
0x5f: {  	_ =	shalt  }
0x60: {  	_ =	shalt  }
0x61: {  	_ =	shalt  }
0x62: {  	_ =	shalt  }
0x63: {  	_ =	shalt  }
0x64: {  	_ =	shalt  }
0x65: {  	_ =	shalt  }
0x66: {  	_ =	shalt  }
0x67: {  	_ =	shalt  }
0x68: {  	_ =	shalt  }
0x69: {  	_ =	shalt  }
0x6a: {  	_ =	shalt  }
0x6b: {  	_ =	shalt  }
0x6c: {  	_ =	shalt  }
0x6d: {  	_ =	shalt  }
0x6e: {  	_ =	shalt  }
0x6f: {  	_ =	shalt  }
0x70: {  	_ =	shalt  }
0x71: {  	_ =	shalt  }
0x72: {  	_ =	shalt  }
0x73: {  	_ =	shalt  }
0x74: {  	_ =	shalt  }
0x75: {  	_ =	shalt  }
0x76: {  	_ =	shalt  }
0x77: {  	_ =	shalt  }
0x78: {  	_ =	shalt  }
0x79: {  	_ =	shalt  }
0x7a: {  	_ =	shalt  }
0x7b: {  	_ =	shalt  }
0x7c: {  	_ =	shalt  }
0x7d: {  	_ =	shalt  }
0x7e: {  	_ =	shalt  }
0x7f: {  	_ =	shalt  }
0x80: {  	_ =	shalt  }
0x81: {  	_ =	shalt  }
0x82: {  	_ =	shalt  }
0x83: {  	_ =	shalt  }
0x84: {  	_ =	shalt  }
0x85: {  	_ =	shalt  }
0x86: {  	_ =	shalt  }
0x87: {  	_ =	shalt  }
.Lfunc_end0:
.L_simem_size_0:
called_computation.1_lowered:
.L_overlay_start_0:
0x88: {  	s2 =	sld [smem:$0x3FD9]  }
0x89: {  	s3 =	sld [smem:$0x3FFE];
	_ =	sdelay $0x1  }
0x8a: {  	s1 =	srdreg.scid  }
0x8b: {  	s0 =	sand.u32 $0x1, s1  }
0x8c: {  	s17 =	sshll.u32 s0, $0xA;
	s2 =	sadd.s32 s3, s2  }
0x8d: {  	s2 =	sadd.s32 s2, s17  }
0x8e: {  	[smem:$0x3F98] =	sst s2  }
0x8f: {  	_ = 	snop  }
0x90: {  	(tm) =	ssettm $0x1  }
0x91: {  	s18 =	sld [smem:$0x3FFB];
	_ =	sdelay $0x3  }
0x92: {  	_ =	strace s18  }
0x93: {  	s2 =	sld [smem:$0x3FFC];
	_ =	sdelay $0x3  }
0x94: {  	_ =	strace s2  }
0x95: {  	s2 =	sld [smem:$0x3FFD];
	_ =	sdelay $0x3  }
0x96: {  	_ =	strace s2  }
0x97: {  	_ =	strace $0x8FFFFFFF  }
0x98: {  	s19 =	sld [smem:$0x3FDB];
	_ =	sdelay $0x1  }
0x99: {  	s20 =	simm.s32 $_scs_section_size  }
0x9a: {  	s4 =	simm.s32 $_size__tile_overlayer_lowered;
	s5 =	simm.s32 $_tile_overlayer_lowered  }
0x9b: {  	s6 =	simm.s32 $0x1BFF;
	s21 =	sshll.u32 s5, $0x1;
	s3 =	sadd.s32 s20, s19  }
0x9c: {  	s22 =	simm.s32 $0x0;
	s4 =	sshll.u32 s4, $0x1;
	s5 =	sadd.s32 s21, s3  }
0x9d: {  	[timem:s22], [sflag:s6] =	dma.local [hbm:s5], s4  }
0x9e: {  	_ =	swait.ge [sflag:s6], s4  }
0x9f: {  	s4 =	ssub.s32 $0x0, s4;
	[sflag:s6] =	ssyncset.done $0x0  }
0xa0: {  	[sflag:s6] =	ssyncadd.s32 s4;
	_ =	sdelay $0x1  }
0xa1: {  	s23 =	simm.s32 $0x1B8B  }
0xa2: {  	_ =	swait.ge [sflag:s23], $0x1  }
0xa3: {  	[sflag:s23] =	ssyncset.done $0x0  }
0xa4: {  	[sflag:s23] =	ssyncadd.s32 $0xFFFFFFFF  }
0xa5: {  	s4 =	sld [smem:$0x0]  }
0xa6: {  	s5 =	sand.u32 $0xFFFFFFFE, s1  }
0xa7: {  	p0 =	sne.s32 s1, s5  }
0xa8: {  	s5 =	sshll.u32 @p0 s5, $0xE  }
0xa9: {  	s5 =	sadd.s32 @p0 $0x11B8D, s5;
	s6 =	sshll.u32 @p0 s4, $0x11  }
0xaa: {  	s5 =	sor.u32 @p0 s6, s5  }
0xab: {  	[sflag:s5] =	ssyncadd.remote.s32 @p0 $0x1;
	_ =	sdelay $0x1  }
0xac: {  	s5 =	simm.s32 @p0 $0x1B8D  }
0xad: {  	_ =	swait.eq @p0 [sflag:s5], $0x1  }
0xae: {  	[sflag:s5] =	ssyncadd.s32 @p0 $0xFFFFFFFF  }
0xaf: {  	s6 =	sshll.u32 @!p0 s1, $0xE  }
0xb0: {  	s6 =	sor.u32 @!p0 $0x4000, s6;
	s5 =	simm.s32 @!p0 $0x1B8D  }
0xb1: {  	s4 =	sshll.u32 @!p0 s4, $0x11;
	s6 =	sadd.s32 @!p0 $0x11B8D, s6;
	_ =	swait.eq @!p0 [sflag:s5], $0x1  }
0xb2: {  	s4 =	sor.u32 @!p0 s4, s6;
	[sflag:s5] =	ssyncadd.s32 @!p0 $0xFFFFFFFF  }
0xb3: {  	s25 =	simm.s32 $0x1B8E;
	s24 =	sld [smem:$0x3FFE];
	[sflag:s4] =	ssyncadd.remote.s32 @!p0 $0x1  }
0xb4: {  	s26 =	simm.s32 $execute0_lowered;
	[smem:$0x3FD2] =	sst s25  }
0xb5: {  	s5 =	sshll.u32 s26, $0x1;
	_ =	strace $0x80000049;
	[dreg:$0x1] =	wrdreg $0xFFFFFFFF  }
0xb6: {  	s28 =	simm.s32 $_size_execute0_lowered;
	s3 =	sadd.s32 s3, s5;
	[dreg:$0x0] =	wrdreg $0x0  }
0xb7: {  	s5 =	sshll.u32 s28, $0x1;
	[dreg:$0x2] =	wrdreg s3  }
0xb8: {  	[dreg:$0x3] =	wrdreg s5  }
0xb9: {  	[dreg:$0x4] =	wrdreg $0xC0  }
0xba: {  	_ =	task [dreg:s22], $0x5FFFF  }
0xbb: {  	[dreg:$0x1] =	wrdreg $0xFFFFFFFF  }
0xbc: {  	[dreg:$0x0] =	wrdreg $0x60  }
0xbd: {  	[dreg:$0x2] =	wrdreg s24  }
0xbe: {  	[dreg:$0x3] =	wrdreg $0xA  }
0xbf: {  	_ =	task.clear_ibuf [dreg:s22], $0x4FFFF;
	_ =	strace $0x90000049  }
0xc0: {  	s29 =	simm.s32 $0xA;
	_ =	strace $0x8000004B  }
0xc1: {  	_ =	swait.ge [sflag:s29], $0x1  }
0xc2: {  	[sflag:s29] =	ssyncadd.s32 $0xFFFFFFFF  }
0xc3: {  	_ =	strace $0x9000004B  }
0xc4: {  	_ =	sfence  }
0xc5: {  	s30 =	sld [smem:$0x0];
	_ =	sdelay $0x2  }
0xc6: {  	s31 =	sshll.u32 s1, $0xD;
	s1 =	sshrl.u32 s1, $0x2  }
0xc7: {  	s4 =	sand.u32 $0x4000, s31;
	s1 =	sadd.s32 s1, s30  }
0xc8: {  	s0 =	sor.u32 s4, s0;
	s1 =	sshll.u32 s1, $0x11  }
0xc9: {  	s0 =	sor.u32 s1, s0  }
0xca: {  	s0 =	sadd.s32 $0x8F2B, s0  }
0xcb: {  	[sflag:s0] =	ssyncadd.remote.s32 $0x1  }
0xcc: {  	_ =	sfence.sel $0xFFFF  }
0xcd: {  	[dreg:$0x0] =	wrdreg $0xFFFFFFFF;
	(pc) =	sbr.abs _section_cstart, $3  }
0xce: {  	[dreg:$0x1] =	wrdreg $0xFFFFFFFF  }
0xcf: {  	_ =	task.clear_ibuf [dreg:s22], $0x2FFFF;
	_ =	strace $0x9FFFFFFF  }
0xd0: {  	(tm) =	ssettm $0x7FFFFFFF  }
0xd1: {  	_ =	shalt  }
tec
execute0_lowered:
.L_overlay_start_1:
0x0: {  	(tag) =	ssettag $0x1  }
0x1: {  	s1 =	srdreg.scid  }
0x2: {  	s0 =	stileid.u32;
	s4 =	rddreg [dreg:$0x0];
	s2 =	simm.s32 $0x0  }
0x3: {  	s11 =	simm.s32 $0x0;
	s5 =	sand.u32 $0x1, s1;
	s1 =	rddreg [dreg:$0x1]  }
0x4: {  	s3 =	sshll.u32 s0, $0x1;
	[smem:$0x7FF] =	sst s2;
	s7 =	smul.u32 $0x50000, s0  }
0x5: {  	s3 =	sor.u32 s5, s3;
	_ =	strace $0x8000004A;
	s10 =	smul.u32 $0x28000, s5  }
0x6: {  	s8 =	ssub.s32 $0x2, s5;
	s6 =	smul.u32 $0x500, s3;
	s3 =	sadd.s32 $0xC7800, s4  }
0x7: {  	s9 =	sshrl.u32 s8, $0x1;
	s30 =	sadd.s32 s7, s4;
	s7 =	simm.s32 $0x2  }
0x8: {  	s31 =	ssub.s32 s8, s9;
	s8 =	simm.s32 $0x80;
	s9 =	simm.s32 $0x2800  }
0x9: {  	s29 =	sadd.s32 s6, s4;
	s5 =	smax.u32 s31, $0x1;
	s6 =	sadd.s32 s10, s30  }
0xa: {  	s10 =	simm.s32 $0x1;
	s4 =	sadd.s32 $0x1D800, s29;
	s6 =	sadd.s32 $0xEEA00, s6  }
.LBB2_1:
0xb: {  	[tilespmem:s2], [sflag:$0x2] =	stream.linear.gather [hbm4b:s4+s2], $0x2800, $0x38;
	[tilespmem:$0x6800] =	vst v63  }
0xc: {  	_ =	swait.ge [sflag:s7], $0x2800  }
0xd: {  	[sflag:s7] =	ssyncset.done $0x0  }
0xe: {  	s12 =	simm.s32 $0x0;
	[sflag:s7] =	ssyncadd.s32 $0xFFFFD800  }
0xf: {  	[tilespmem:s9], [sflag:$0x1] =	stream.indirect.gather [hbm4b:s3+s8], $0x80, s12, s8, $0xb8;
	[tilespmem:$0x6800] =	vst v63  }
0x10: {  	_ =	swait.ge [sflag:s10], $0x4000  }
0x11: {  	[sflag:s10] =	ssyncset.done $0x0  }
0x12: {  	[sflag:s10] =	ssyncadd.s32 $0xFFFFC000  }
0x13: {  	[hbm4b:s6+s2] =	stream.linear.scatter [tilespmem:s9], [sflag:$0x2], $0x4000, $0x38;
	[tilespmem:$0x6800] =	vst v63  }
0x14: {  	s13 =	simm.s32 $0x200;
	_ =	swait.ge [sflag:s7], $0x4000  }
0x15: {  	s14 =	simm.s32 $0x400;
	s12 =	sadd.s32 $0x800, s6;
	[sflag:s7] =	ssyncset.done $0x0  }
.LBB2_2:
0x16: {  	s15 =	sshra.s32 s13, $0x2  }
0x17: {  	[sflag:s7] =	ssyncadd.s32 $0xFFFFC000;
	s13 =	smov.u32 s14;
	s16 =	sadd.s32 $0x200, s14  }
0x18: {  	[tilespmem:s9], [sflag:$0x1] =	stream.indirect.gather [hbm4b:s3+s8], $0x80, s15, s8, $0xb8;
	[tilespmem:$0x6800] =	vst v63  }
0x19: {  	p0 =	sne.s32 s14, $0x9E00;
	_ =	swait.ge [sflag:s10], $0x4000  }
.Ltmp0:
0x1a: {  	[sflag:s10] =	ssyncset.done $0x0;
	(pc) =	sbr.rel @p0 .LBB2_2-.Ltmp0, $4  }
0x1b: {  	[sflag:s10] =	ssyncadd.s32 $0xFFFFC000  }
0x1c: {  	[hbm4b:s12+s2] =	stream.linear.scatter [tilespmem:s9], [sflag:$0x2], $0x4000, $0x38;
	[tilespmem:$0x6800] =	vst v63  }
0x1d: {  	_ =	swait.ge [sflag:s7], $0x4000  }
0x1e: {  	s14 =	smov.u32 s16;
	s12 =	sadd.s32 $0x800, s12;
	[sflag:s7] =	ssyncset.done $0x0  }
0x1f: {  	s13 =	sshra.s32 s13, $0x2;
	[sflag:s7] =	ssyncadd.s32 $0xFFFFC000  }
0x20: {  	[tilespmem:s9], [sflag:$0x1] =	stream.indirect.gather [hbm4b:s3+s8], $0x80, s13, s8, $0xb8;
	[tilespmem:$0x6800] =	vst v63  }
0x21: {  	s11 =	sadd.s32 $0x1, s11;
	_ =	swait.ge [sflag:s10], $0x4000  }
0x22: {  	p0 =	sne.s32 s11, s5;
	[sflag:s10] =	ssyncset.done $0x0  }
.Ltmp1:
0x23: {  	[sflag:s10] =	ssyncadd.s32 $0xFFFFC000;
	(pc) =	sbr.rel @p0 .LBB2_1-.Ltmp1, $4  }
0x24: {  	[hbm4b:s12+s2] =	stream.linear.scatter [tilespmem:s9], [sflag:$0x2], $0x4000, $0x38;
	[tilespmem:$0x6800] =	vst v63  }
0x25: {  	_ =	swait.ge [sflag:s7], $0x4000  }
0x26: {  	[sflag:s7] =	ssyncset.done $0x0  }
0x27: {  	[sflag:s7] =	ssyncadd.s32 $0xFFFFC000  }
0x28: {  	_ =	sfence.sel $0x180000  }
0x29: {  	[bflag:$0x0] =	sbarrier.arrive $0xFFFF  }
0x2a: {  	p0 =	sne.s32 s0, $0x0;
	_ =	strace $0x9000004A  }
0x2b: {  	s0 =	sadd.s32 @!p0 $0x100000, s1;
	[bflag:$0x2] =	sbarrier.arrive $0xFFFF  }
0x2c: {  	[sflag:s0] =	ssyncadd.tile.s32 @!p0 $0x1;
	_ =	shalt  }
.Lfunc_end2:
_tile_overlayer_lowered:
.L_overlay_start_2:
0x2d: {  	(tag) =	ssettag $0x2  }
0x2e: {  	s0 =	rddreg [dreg:$0x0];
	s2 =	stileid.u32  }
0x2f: {  	s1 =	rddreg [dreg:$0x1];
	p0 =	sne.s32 s2, $0x0  }
0x30: {  	s3 =	rddreg [dreg:$0x2];
	[bflag:$0x3] =	sbarrier.arrive $0xFFFF;
	s2 =	simm.s32 @!p0 $0x1C02  }
0x31: {  	[timem:s3], [sflag:s2] =	dma.local @!p0 [hbm:s0], s1  }
0x32: {  	s0 =	simm.s32 @!p0 $0x2  }
0x33: {  	_ =	swait.ge @!p0 [sflag:s0], s1  }
0x34: {  	s1 =	ssub.s32 @!p0 $0x0, s1;
	[sflag:s0] =	ssyncset.done @!p0 $0x0  }
0x35: {  	[sflag:s0] =	ssyncadd.s32 @!p0 s1  }
0x36: {  	[bflag:$0x3] =	sbarrier.arrive $0xFFFF  }
0x37: {  	_ =	shalt  }

// kernel: kernel.23.cloned.1.call-start
scs
__scs_entry_jumppad:
0x0: {  	(pc) =	sbr.rel $0x88, $3  }
0x1: {  	(tag) =	ssettag $0x0;
	lr =	simm.s32 $0x1  }
0x2: {  	[smem:$0x3F71] =	sst lr;
	_ =	strace $0xD0000000  }
0x3: {  	_ = 	snop  }
0x4: {  	_ = 	snop  }
0x5: {  	_ = 	snop  }
0x6: {  	_ = 	snop  }
0x7: {  	_ = 	snop  }
__scs_overlays_trampoline_lowered:
0x8: {  	[smem:$0x3F80] =	sst s0  }
0x9: {  	[smem:$0x3F81] =	sst s1  }
0xa: {  	[smem:$0x3F82] =	sst s2  }
0xb: {  	[smem:$0x3F83] =	sst s3  }
0xc: {  	[smem:$0x3F84] =	sst s4  }
0xd: {  	[smem:$0x3F85] =	sst s5  }
0xe: {  	[smem:$0x3F86] =	sst s6  }
0xf: {  	[smem:$0x3F87] =	sst s7  }
0x10: {  	[smem:$0x3F88] =	sst s8  }
0x11: {  	[smem:$0x3F89] =	sst s9;
	s0 =	simm.s32 @!p0 $0x0  }
0x12: {  	s1 =	sld [smem:$0x3F6F];
	s0 =	simm.s32 @p0 $0x1  }
0x13: {  	[smem:$0x3F8A] =	sst s0;
	s0 =	simm.s32 @!p1 $0x0  }
0x14: {  	s2 =	sld [smem:$0x3F6E];
	s0 =	simm.s32 @p1 $0x1  }
0x15: {  	[smem:$0x3F8B] =	sst s0;
	s0 =	simm.s32 @!p2 $0x0  }
0x16: {  	s3 =	sld [smem:$0x3FDB];
	s0 =	simm.s32 @p2 $0x1  }
0x17: {  	s4 =	simm.s32 $0x1BF5;
	[smem:$0x3F8D] =	sst s0  }
0x18: {  	s0 =	sld [smem:$0x3F70];
	_ =	swait.ge [sflag:s4], $0x0  }
0x19: {  	s7 =	sld [smem:$0x3F71]  }
0x1a: {  	s8 =	sadd.s32 $0xFFFFE003, lr  }
0x1b: {  	s9 =	sadd.s32 $0xFFFFFEF7, lr;
	s5 =	simm.s32 $0xFFFFFFFF;
	p2 =	slt.u32 s8, $0xFFFFF086  }
0x1c: {  	p1 =	slt.u32 s9, $0xF7A;
	s5 =	simm.s32 @!p2 $0x0  }
0x1d: {  	s5 =	simm.s32 @p1 $0x1;
	p0 =	seq.s32 s7, s2  }
0x1e: {  	s7 =	smul.u32 @!p0 $0xF7A, s2;
	p2 =	seq.s32 @!p0 s5, $0x0  }
0x1f: {  	s9 =	smul.u32 $0xF7A, s1;
	s8 =	simm.s32 @!p0 $0x1BF5;
	p2 =	por !p2, p0  }
0x20: {  	[sflag:s8] =	ssyncset.s32 @!p0 $0xFFFFF086;
	s6 =	sadd.s32 @!p0 s3, s7;
	s7 =	simm.s32 @!p0 $0x108  }
0x21: {  	s3 =	sadd.s32 s3, s9;
	s6 =	sadd.s32 @!p0 $0x88, s6;
	s7 =	simm.s32 @p2 $0x1082  }
0x22: {  	[simem:s7], [sflag:s8] =	dma.local @!p0 [hbm:s6], $0xF7A  }
0x23: {  	s9 =	sor.u32 $0xD0000000, s2;
	s6 =	simm.s32 $0x108;
	_ =	swait.ge @!p0 [sflag:s8], $0x0  }
0x24: {  	s3 =	sadd.s32 $0x88, s3;
	s6 =	simm.s32 @!p1 $0x1082;
	[sflag:s4] =	ssyncset.s32 $0xFFFFF086  }
0x25: {  	[simem:s6], [sflag:s4] =	dma.local [hbm:s3], $0xF7A  }
0x26: {  	[smem:$0x3F71] =	sst s1;
	(tag) =	ssettag s2;
	_ =	strace s9  }
0x27: {  	s1 =	sld [smem:$0x3F81]  }
0x28: {  	s2 =	sld [smem:$0x3F82]  }
0x29: {  	s4 =	sld [smem:$0x3F84]  }
0x2a: {  	p0 =	seq.s32 s5, $0x0;
	s5 =	sld [smem:$0x3F85]  }
0x2b: {  	s6 =	sld [smem:$0x3F86]  }
0x2c: {  	s7 =	sld [smem:$0x3F87]  }
0x2d: {  	s3 =	simm.s32 $0x108;
	s8 =	sld [smem:$0x3F88]  }
0x2e: {  	s3 =	simm.s32 @!p0 $0x1082;
	s9 =	sld [smem:$0x3F89]  }
0x2f: {  	lr =	sadd.s32 s0, s3;
	s0 =	sld [smem:$0x3F80]  }
0x30: {  	s3 =	sld [smem:$0x3F83]  }
0x31: {  	[smem:$0x3F8C] =	sst s10  }
0x32: {  	s10 =	sld [smem:$0x3F8A];
	_ =	sdelay $0x3  }
0x33: {  	p0 =	seq.s32 s10, $0x1;
	s10 =	sld [smem:$0x3F8C];
	_ =	sdelay $0x3  }
0x34: {  	[smem:$0x3F8C] =	sst s10  }
0x35: {  	s10 =	sld [smem:$0x3F8B];
	_ =	sdelay $0x3  }
0x36: {  	p1 =	seq.s32 s10, $0x1;
	s10 =	sld [smem:$0x3F8C];
	_ =	sdelay $0x3  }
0x37: {  	[smem:$0x3F8C] =	sst s10  }
0x38: {  	s10 =	sld [smem:$0x3F8D]  }
0x39: {  	_ = 	snop;
	(pc) =	sbr.ind lr, $3  }
0x3a: {  	_ = 	snop  }
0x3b: {  	_ = 	snop  }
0x3c: {  	p2 =	seq.s32 s10, $0x1;
	s10 =	sld [smem:$0x3F8C]  }
0x3d: {  	_ =	shalt  }
0x3e: {  	_ =	shalt  }
0x3f: {  	_ =	shalt  }
0x40: {  	_ =	shalt  }
0x41: {  	_ =	shalt  }
0x42: {  	_ =	shalt  }
0x43: {  	_ =	shalt  }
0x44: {  	_ =	shalt  }
0x45: {  	_ =	shalt  }
0x46: {  	_ =	shalt  }
0x47: {  	_ =	shalt  }
0x48: {  	_ =	shalt  }
0x49: {  	_ =	shalt  }
0x4a: {  	_ =	shalt  }
0x4b: {  	_ =	shalt  }
0x4c: {  	_ =	shalt  }
0x4d: {  	_ =	shalt  }
0x4e: {  	_ =	shalt  }
0x4f: {  	_ =	shalt  }
0x50: {  	_ =	shalt  }
0x51: {  	_ =	shalt  }
0x52: {  	_ =	shalt  }
0x53: {  	_ =	shalt  }
0x54: {  	_ =	shalt  }
0x55: {  	_ =	shalt  }
0x56: {  	_ =	shalt  }
0x57: {  	_ =	shalt  }
0x58: {  	_ =	shalt  }
0x59: {  	_ =	shalt  }
0x5a: {  	_ =	shalt  }
0x5b: {  	_ =	shalt  }
0x5c: {  	_ =	shalt  }
0x5d: {  	_ =	shalt  }
0x5e: {  	_ =	shalt  }
0x5f: {  	_ =	shalt  }
0x60: {  	_ =	shalt  }
0x61: {  	_ =	shalt  }
0x62: {  	_ =	shalt  }
0x63: {  	_ =	shalt  }
0x64: {  	_ =	shalt  }
0x65: {  	_ =	shalt  }
0x66: {  	_ =	shalt  }
0x67: {  	_ =	shalt  }
0x68: {  	_ =	shalt  }
0x69: {  	_ =	shalt  }
0x6a: {  	_ =	shalt  }
0x6b: {  	_ =	shalt  }
0x6c: {  	_ =	shalt  }
0x6d: {  	_ =	shalt  }
0x6e: {  	_ =	shalt  }
0x6f: {  	_ =	shalt  }
0x70: {  	_ =	shalt  }
0x71: {  	_ =	shalt  }
0x72: {  	_ =	shalt  }
0x73: {  	_ =	shalt  }
0x74: {  	_ =	shalt  }
0x75: {  	_ =	shalt  }
0x76: {  	_ =	shalt  }
0x77: {  	_ =	shalt  }
0x78: {  	_ =	shalt  }
0x79: {  	_ =	shalt  }
0x7a: {  	_ =	shalt  }
0x7b: {  	_ =	shalt  }
0x7c: {  	_ =	shalt  }
0x7d: {  	_ =	shalt  }
0x7e: {  	_ =	shalt  }
0x7f: {  	_ =	shalt  }
0x80: {  	_ =	shalt  }
0x81: {  	_ =	shalt  }
0x82: {  	_ =	shalt  }
0x83: {  	_ =	shalt  }
0x84: {  	_ =	shalt  }
0x85: {  	_ =	shalt  }
0x86: {  	_ =	shalt  }
0x87: {  	_ =	shalt  }
.Lfunc_end0:
.L_simem_size_0:
called_computation.2_lowered:
.L_overlay_start_0:
0x88: {  	s2 =	sld [smem:$0x3FD9]  }
0x89: {  	s3 =	sld [smem:$0x3FFE];
	_ =	sdelay $0x1  }
0x8a: {  	s1 =	srdreg.scid  }
0x8b: {  	s0 =	sand.u32 $0x1, s1  }
0x8c: {  	s16 =	sshll.u32 s0, $0xA;
	s2 =	sadd.s32 s3, s2  }
0x8d: {  	s2 =	sadd.s32 s2, s16  }
0x8e: {  	[smem:$0x3F98] =	sst s2  }
0x8f: {  	_ = 	snop  }
0x90: {  	(tm) =	ssettm $0x1  }
0x91: {  	s17 =	sld [smem:$0x3FFB];
	_ =	sdelay $0x3  }
0x92: {  	_ =	strace s17  }
0x93: {  	s2 =	sld [smem:$0x3FFC];
	_ =	sdelay $0x3  }
0x94: {  	_ =	strace s2  }
0x95: {  	s2 =	sld [smem:$0x3FFD];
	_ =	sdelay $0x3  }
0x96: {  	_ =	strace s2  }
0x97: {  	_ =	strace $0x8FFFFFFF  }
0x98: {  	s18 =	sld [smem:$0x3FDB];
	_ =	sdelay $0x1  }
0x99: {  	s19 =	simm.s32 $_scs_section_size  }
0x9a: {  	s4 =	simm.s32 $_size__tile_overlayer_lowered;
	s5 =	simm.s32 $_tile_overlayer_lowered  }
0x9b: {  	s22 =	simm.s32 $0x1BFF;
	s21 =	sshll.u32 s5, $0x1;
	s2 =	sadd.s32 s19, s18  }
0x9c: {  	s6 =	simm.s32 $0x0;
	s20 =	sshll.u32 s4, $0x1;
	s4 =	sadd.s32 s21, s2  }
0x9d: {  	[timem:s6], [sflag:s22] =	dma.local [hbm:s4], s20  }
0x9e: {  	_ =	swait.ge [sflag:s22], s20  }
0x9f: {  	s3 =	ssub.s32 $0x0, s20;
	[sflag:s22] =	ssyncset.done $0x0  }
0xa0: {  	[sflag:s22] =	ssyncadd.s32 s3;
	_ =	sdelay $0x1  }
0xa1: {  	s23 =	simm.s32 $0x1B8B  }
0xa2: {  	_ =	swait.ge [sflag:s23], $0x1  }
0xa3: {  	[sflag:s23] =	ssyncset.done $0x0  }
0xa4: {  	s25 =	simm.s32 $0x1B8E;
	s24 =	sld [smem:$0x3FFE];
	[sflag:s23] =	ssyncadd.s32 $0xFFFFFFFF  }
0xa5: {  	s26 =	simm.s32 $execute0_lowered;
	[smem:$0x3FD2] =	sst s25  }
0xa6: {  	s4 =	sshll.u32 s26, $0x1;
	_ =	strace $0x8000004C;
	[dreg:$0x1] =	wrdreg $0xFFFFFFFF  }
0xa7: {  	s28 =	simm.s32 $_size_execute0_lowered;
	s2 =	sadd.s32 s2, s4;
	[dreg:$0x0] =	wrdreg $0x0  }
0xa8: {  	s4 =	sshll.u32 s28, $0x1;
	[dreg:$0x2] =	wrdreg s2  }
0xa9: {  	[dreg:$0x3] =	wrdreg s4  }
0xaa: {  	[dreg:$0x4] =	wrdreg $0xC0  }
0xab: {  	_ =	task [dreg:s6], $0x5FFFF  }
0xac: {  	[dreg:$0x1] =	wrdreg $0xFFFFFFFF  }
0xad: {  	[dreg:$0x0] =	wrdreg $0x60  }
0xae: {  	[dreg:$0x2] =	wrdreg s24  }
0xaf: {  	[dreg:$0x3] =	wrdreg $0x54000  }
0xb0: {  	[dreg:$0x4] =	wrdreg $0x9  }
0xb1: {  	_ =	task.clear_ibuf [dreg:s6], $0x5FFFF;
	_ =	strace $0x9000004C  }
0xb2: {  	s29 =	simm.s32 $0x9;
	_ =	strace $0x8000004E  }
0xb3: {  	_ =	swait.ge [sflag:s29], $0x1  }
0xb4: {  	[sflag:s29] =	ssyncadd.s32 $0xFFFFFFFF  }
0xb5: {  	_ =	strace $0x9000004E  }
0xb6: {  	_ =	sfence  }
0xb7: {  	s30 =	sld [smem:$0x0];
	_ =	sdelay $0x2  }
0xb8: {  	s31 =	sshll.u32 s1, $0xD;
	s1 =	sshrl.u32 s1, $0x2  }
0xb9: {  	s3 =	sand.u32 $0x4000, s31;
	s1 =	sadd.s32 s1, s30  }
0xba: {  	s0 =	sor.u32 s3, s0;
	s1 =	sshll.u32 s1, $0x11  }
0xbb: {  	s0 =	sor.u32 s1, s0  }
0xbc: {  	s0 =	sadd.s32 $0x8F2B, s0  }
0xbd: {  	[sflag:s0] =	ssyncadd.remote.s32 $0x1  }
0xbe: {  	_ =	sfence.sel $0xFFFF  }
0xbf: {  	[dreg:$0x0] =	wrdreg $0xFFFFFFFF;
	(pc) =	sbr.abs _section_cstart, $3  }
0xc0: {  	[dreg:$0x1] =	wrdreg $0xFFFFFFFF  }
0xc1: {  	_ =	task.clear_ibuf [dreg:s6], $0x2FFFF;
	_ =	strace $0x9FFFFFFF  }
0xc2: {  	(tm) =	ssettm $0x7FFFFFFF  }
0xc3: {  	_ =	shalt  }
tec
execute0_lowered:
.L_overlay_start_1:
0x0: {  	(tag) =	ssettag $0x1  }
0x1: {  	s12 =	stileid.u32  }
0x2: {  	s6 =	smul.u32 $0x28, s12  }
0x3: {  	s0 =	srdreg.scid;
	s10 =	smul.u32 $0x50000, s12  }
0x4: {  	s4 =	rddreg [dreg:$0x0];
	s30 =	smul.u32 $0x14000, s12  }
0x5: {  	s1 =	rddreg [dreg:$0x1];
	s3 =	sand.u32 $0x1, s0;
	s14 =	smul.u32 $0x2800, s12  }
0x6: {  	s2 =	simm.s32 $0x0;
	s0 =	rddreg [dreg:$0x2];
	s5 =	smul.u32 $0x280, s3  }
0x7: {  	[smem:$0x7FF] =	sst s2;
	p0 =	sne.s32 s12, $0x0;
	s7 =	smul.u32 $0x140000, s3  }
0x8: {  	s12 =	sshll.u32 s12, $0x6;
	_ =	strace $0x8000004D;
	s29 =	smul.u32 $0x28000, s3  }
0x9: {  	s8 =	ssub.s32 $0x2, s3;
	s3 =	sadd.s32 $0x27800, s4;
	s12 =	sor.u32 $0x1C01, s12  }
0xa: {  	s9 =	sshrl.u32 s8, $0x1;
	s31 =	sshrl.u32 s10, $0x2;
	s10 =	simm.s32 $0x80  }
0xb: {  	s5 =	sadd.s32 s6, s5;
	s28 =	sadd.s32 s7, s4;
	s7 =	sadd.s32 s29, s4  }
0xc: {  	s8 =	ssub.s32 s8, s9;
	s13 =	sadd.s32 s31, s1;
	s9 =	simm.s32 $0x1400  }
0xd: {  	s5 =	sshll.u32 s5, $0x4;
	s11 =	sadd.s32 $0x4F800, s7;
	s6 =	sadd.s32 s30, s28  }
0xe: {  	s7 =	sshrl.u32 @!p0 s1, $0x3;
	s13 =	sshrl.u32 s13, $0x3;
	s5 =	sadd.s32 s5, s4  }
0xf: {  	s6 =	sadd.s32 $0xAF3A00, s6;
	s11 =	sadd.s32 s14, s11;
	s14 =	simm.s32 $0x0  }
0x10: {  	s4 =	sadd.s32 $0x5EEA00, s5;
	s5 =	smax.u32 s8, $0x1;
	s8 =	simm.s32 $0x1  }
.LBB2_1:
0x11: {  	s15 =	simm.s32 @!p0 $0x1C01  }
0x12: {  	[spmem:s7], [sflag:s15] =	dma.local @!p0 [hbm:s3], $0x28000  }
0x13: {  	s15 =	simm.s32 @!p0 $0x1  }
0x14: {  	_ =	swait.ge @!p0 [sflag:s15], $0x28000  }
0x15: {  	[sflag:s15] =	ssyncset.done @!p0 $0x0  }
0x16: {  	[sflag:s15] =	ssyncadd.s32 @!p0 $0xFFFD8000  }
0x17: {  	[bflag:$0x0] =	sbarrier.arrive $0xFFFF  }
0x18: {  	[tilespmem:s2], [sflag:$0x1] =	stream.linear.gather [hbm4b:s4+s2], $0x1400, $0x38;
	[tilespmem:$0x19400] =	vst v63  }
0x19: {  	_ =	swait.ge [sflag:s8], $0x1400  }
0x1a: {  	[sflag:s8] =	ssyncset.done $0x0  }
0x1b: {  	[sflag:s8] =	ssyncadd.s32 $0xFFFFEC00  }
0x1c: {  	[tilespmem:s9], [sflag:$0x1] =	stream.linear.gather [hbm4b:s6+s2], $0x4000, $0x38;
	[tilespmem:$0x19400] =	vst v63  }
0x1d: {  	_ =	swait.ge [sflag:s8], $0x4000  }
0x1e: {  	[sflag:s8] =	ssyncset.done $0x0  }
0x1f: {  	s31 =	simm.s32 $0x0;
	[sflag:s8] =	ssyncadd.s32 $0xFFFFC000  }
0x20: {  	[spmem:s1] =	stream.indirect.scatter.add.f32 [tilespmem:s9], [sflag:$0x1], $0x80, s31, s10, $0xb8;
	[tilespmem:$0x19400] =	vst v63  }
0x21: {  	_ =	swait.ge [sflag:s8], $0x4000  }
0x22: {  	s16 =	smov.u32 s6;
	s15 =	simm.s32 $0x200;
	[sflag:s8] =	ssyncset.done $0x0  }
.LBB2_2:
0x23: {  	p1 =	sne.s32 s15, $0x4E00;
	[sflag:s8] =	ssyncadd.s32 $0xFFFFC000;
	s16 =	sadd.s32 $0x800, s16  }
0x24: {  	[tilespmem:s9], [sflag:$0x1] =	stream.linear.gather [hbm4b:s16+s2], $0x4000, $0x38;
	[tilespmem:$0x19400] =	vst v63  }
0x25: {  	s17 =	smov.u32 s15;
	s15 =	sadd.s32 $0x200, s15;
	_ =	swait.ge [sflag:s8], $0x4000  }
.Ltmp0:
0x26: {  	[sflag:s8] =	ssyncset.done $0x0;
	(pc) =	sbr.rel @p1 .LBB2_2-.Ltmp0, $4  }
0x27: {  	s17 =	sshra.s32 s17, $0x2;
	[sflag:s8] =	ssyncadd.s32 $0xFFFFC000  }
0x28: {  	[spmem:s1] =	stream.indirect.scatter.add.f32 [tilespmem:s9], [sflag:$0x1], $0x80, s17, s10, $0xb8;
	[tilespmem:$0x19400] =	vst v63  }
0x29: {  	_ =	swait.ge [sflag:s8], $0x4000  }
0x2a: {  	[sflag:s8] =	ssyncset.done $0x0  }
0x2b: {  	s14 =	sadd.s32 $0x1, s14  }
0x2c: {  	[sflag:s8] =	ssyncadd.s32 $0xFFFFC000;
	p1 =	sne.s32 s14, s5  }
.Ltmp1:
0x2d: {  	[bflag:$0x0] =	sbarrier.arrive $0xFFFF;
	(pc) =	sbr.rel @p1 .LBB2_1-.Ltmp1, $4  }
0x2e: {  	[hbm:s11], [sflag:s12] =	dma.local [spmem:s13], $0x2800  }
0x2f: {  	_ =	swait.ge [sflag:s8], $0x2800  }
0x30: {  	[sflag:s8] =	ssyncset.done $0x0  }
0x31: {  	[sflag:s8] =	ssyncadd.s32 $0xFFFFD800  }
0x32: {  	_ =	sfence.sel $0x180000  }
0x33: {  	[bflag:$0x0] =	sbarrier.arrive $0xFFFF  }
0x34: {  	_ =	strace $0x9000004D  }
0x35: {  	s0 =	sadd.s32 @!p0 $0x100000, s0;
	[bflag:$0x2] =	sbarrier.arrive $0xFFFF  }
0x36: {  	[sflag:s0] =	ssyncadd.tile.s32 @!p0 $0x1;
	_ =	shalt  }
.Lfunc_end2:
_tile_overlayer_lowered:
.L_overlay_start_2:
0x37: {  	(tag) =	ssettag $0x2  }
0x38: {  	s0 =	rddreg [dreg:$0x0];
	s2 =	stileid.u32  }
0x39: {  	s1 =	rddreg [dreg:$0x1];
	p0 =	sne.s32 s2, $0x0  }
0x3a: {  	s3 =	rddreg [dreg:$0x2];
	[bflag:$0x3] =	sbarrier.arrive $0xFFFF;
	s2 =	simm.s32 @!p0 $0x1C01  }
0x3b: {  	[timem:s3], [sflag:s2] =	dma.local @!p0 [hbm:s0], s1  }
0x3c: {  	s0 =	simm.s32 @!p0 $0x1  }
0x3d: {  	_ =	swait.ge @!p0 [sflag:s0], s1  }
0x3e: {  	s1 =	ssub.s32 @!p0 $0x0, s1;
	[sflag:s0] =	ssyncset.done @!p0 $0x0  }
0x3f: {  	[sflag:s0] =	ssyncadd.s32 @!p0 s1  }
0x40: {  	[bflag:$0x3] =	sbarrier.arrive $0xFFFF  }
0x41: {  	_ =	shalt  }

// kernel: kernel.26.cloned.1.call-start
scs
__scs_entry_jumppad:
0x0: {  	(pc) =	sbr.rel $0x88, $3  }
0x1: {  	(tag) =	ssettag $0x0;
	lr =	simm.s32 $0x1  }
0x2: {  	[smem:$0x3F71] =	sst lr;
	_ =	strace $0xD0000000  }
0x3: {  	_ = 	snop  }
0x4: {  	_ = 	snop  }
0x5: {  	_ = 	snop  }
0x6: {  	_ = 	snop  }
0x7: {  	_ = 	snop  }
__scs_overlays_trampoline_lowered:
0x8: {  	[smem:$0x3F80] =	sst s0  }
0x9: {  	[smem:$0x3F81] =	sst s1  }
0xa: {  	[smem:$0x3F82] =	sst s2  }
0xb: {  	[smem:$0x3F83] =	sst s3  }
0xc: {  	[smem:$0x3F84] =	sst s4  }
0xd: {  	[smem:$0x3F85] =	sst s5  }
0xe: {  	[smem:$0x3F86] =	sst s6  }
0xf: {  	[smem:$0x3F87] =	sst s7  }
0x10: {  	[smem:$0x3F88] =	sst s8  }
0x11: {  	[smem:$0x3F89] =	sst s9;
	s0 =	simm.s32 @!p0 $0x0  }
0x12: {  	s1 =	sld [smem:$0x3F6F];
	s0 =	simm.s32 @p0 $0x1  }
0x13: {  	[smem:$0x3F8A] =	sst s0;
	s0 =	simm.s32 @!p1 $0x0  }
0x14: {  	s2 =	sld [smem:$0x3F6E];
	s0 =	simm.s32 @p1 $0x1  }
0x15: {  	[smem:$0x3F8B] =	sst s0;
	s0 =	simm.s32 @!p2 $0x0  }
0x16: {  	s3 =	sld [smem:$0x3FDB];
	s0 =	simm.s32 @p2 $0x1  }
0x17: {  	s4 =	simm.s32 $0x1BF5;
	[smem:$0x3F8D] =	sst s0  }
0x18: {  	s0 =	sld [smem:$0x3F70];
	_ =	swait.ge [sflag:s4], $0x0  }
0x19: {  	s7 =	sld [smem:$0x3F71]  }
0x1a: {  	s8 =	sadd.s32 $0xFFFFE003, lr  }
0x1b: {  	s9 =	sadd.s32 $0xFFFFFEF7, lr;
	s5 =	simm.s32 $0xFFFFFFFF;
	p2 =	slt.u32 s8, $0xFFFFF086  }
0x1c: {  	p1 =	slt.u32 s9, $0xF7A;
	s5 =	simm.s32 @!p2 $0x0  }
0x1d: {  	s5 =	simm.s32 @p1 $0x1;
	p0 =	seq.s32 s7, s2  }
0x1e: {  	s7 =	smul.u32 @!p0 $0xF7A, s2;
	p2 =	seq.s32 @!p0 s5, $0x0  }
0x1f: {  	s9 =	smul.u32 $0xF7A, s1;
	s8 =	simm.s32 @!p0 $0x1BF5;
	p2 =	por !p2, p0  }
0x20: {  	[sflag:s8] =	ssyncset.s32 @!p0 $0xFFFFF086;
	s6 =	sadd.s32 @!p0 s3, s7;
	s7 =	simm.s32 @!p0 $0x108  }
0x21: {  	s3 =	sadd.s32 s3, s9;
	s6 =	sadd.s32 @!p0 $0x88, s6;
	s7 =	simm.s32 @p2 $0x1082  }
0x22: {  	[simem:s7], [sflag:s8] =	dma.local @!p0 [hbm:s6], $0xF7A  }
0x23: {  	s9 =	sor.u32 $0xD0000000, s2;
	s6 =	simm.s32 $0x108;
	_ =	swait.ge @!p0 [sflag:s8], $0x0  }
0x24: {  	s3 =	sadd.s32 $0x88, s3;
	s6 =	simm.s32 @!p1 $0x1082;
	[sflag:s4] =	ssyncset.s32 $0xFFFFF086  }
0x25: {  	[simem:s6], [sflag:s4] =	dma.local [hbm:s3], $0xF7A  }
0x26: {  	[smem:$0x3F71] =	sst s1;
	(tag) =	ssettag s2;
	_ =	strace s9  }
0x27: {  	s1 =	sld [smem:$0x3F81]  }
0x28: {  	s2 =	sld [smem:$0x3F82]  }
0x29: {  	s4 =	sld [smem:$0x3F84]  }
0x2a: {  	p0 =	seq.s32 s5, $0x0;
	s5 =	sld [smem:$0x3F85]  }
0x2b: {  	s6 =	sld [smem:$0x3F86]  }
0x2c: {  	s7 =	sld [smem:$0x3F87]  }
0x2d: {  	s3 =	simm.s32 $0x108;
	s8 =	sld [smem:$0x3F88]  }
0x2e: {  	s3 =	simm.s32 @!p0 $0x1082;
	s9 =	sld [smem:$0x3F89]  }
0x2f: {  	lr =	sadd.s32 s0, s3;
	s0 =	sld [smem:$0x3F80]  }
0x30: {  	s3 =	sld [smem:$0x3F83]  }
0x31: {  	[smem:$0x3F8C] =	sst s10  }
0x32: {  	s10 =	sld [smem:$0x3F8A];
	_ =	sdelay $0x3  }
0x33: {  	p0 =	seq.s32 s10, $0x1;
	s10 =	sld [smem:$0x3F8C];
	_ =	sdelay $0x3  }
0x34: {  	[smem:$0x3F8C] =	sst s10  }
0x35: {  	s10 =	sld [smem:$0x3F8B];
	_ =	sdelay $0x3  }
0x36: {  	p1 =	seq.s32 s10, $0x1;
	s10 =	sld [smem:$0x3F8C];
	_ =	sdelay $0x3  }
0x37: {  	[smem:$0x3F8C] =	sst s10  }
0x38: {  	s10 =	sld [smem:$0x3F8D]  }
0x39: {  	_ = 	snop;
	(pc) =	sbr.ind lr, $3  }
0x3a: {  	_ = 	snop  }
0x3b: {  	_ = 	snop  }
0x3c: {  	p2 =	seq.s32 s10, $0x1;
	s10 =	sld [smem:$0x3F8C]  }
0x3d: {  	_ =	shalt  }
0x3e: {  	_ =	shalt  }
0x3f: {  	_ =	shalt  }
0x40: {  	_ =	shalt  }
0x41: {  	_ =	shalt  }
0x42: {  	_ =	shalt  }
0x43: {  	_ =	shalt  }
0x44: {  	_ =	shalt  }
0x45: {  	_ =	shalt  }
0x46: {  	_ =	shalt  }
0x47: {  	_ =	shalt  }
0x48: {  	_ =	shalt  }
0x49: {  	_ =	shalt  }
0x4a: {  	_ =	shalt  }
0x4b: {  	_ =	shalt  }
0x4c: {  	_ =	shalt  }
0x4d: {  	_ =	shalt  }
0x4e: {  	_ =	shalt  }
0x4f: {  	_ =	shalt  }
0x50: {  	_ =	shalt  }
0x51: {  	_ =	shalt  }
0x52: {  	_ =	shalt  }
0x53: {  	_ =	shalt  }
0x54: {  	_ =	shalt  }
0x55: {  	_ =	shalt  }
0x56: {  	_ =	shalt  }
0x57: {  	_ =	shalt  }
0x58: {  	_ =	shalt  }
0x59: {  	_ =	shalt  }
0x5a: {  	_ =	shalt  }
0x5b: {  	_ =	shalt  }
0x5c: {  	_ =	shalt  }
0x5d: {  	_ =	shalt  }
0x5e: {  	_ =	shalt  }
0x5f: {  	_ =	shalt  }
0x60: {  	_ =	shalt  }
0x61: {  	_ =	shalt  }
0x62: {  	_ =	shalt  }
0x63: {  	_ =	shalt  }
0x64: {  	_ =	shalt  }
0x65: {  	_ =	shalt  }
0x66: {  	_ =	shalt  }
0x67: {  	_ =	shalt  }
0x68: {  	_ =	shalt  }
0x69: {  	_ =	shalt  }
0x6a: {  	_ =	shalt  }
0x6b: {  	_ =	shalt  }
0x6c: {  	_ =	shalt  }
0x6d: {  	_ =	shalt  }
0x6e: {  	_ =	shalt  }
0x6f: {  	_ =	shalt  }
0x70: {  	_ =	shalt  }
0x71: {  	_ =	shalt  }
0x72: {  	_ =	shalt  }
0x73: {  	_ =	shalt  }
0x74: {  	_ =	shalt  }
0x75: {  	_ =	shalt  }
0x76: {  	_ =	shalt  }
0x77: {  	_ =	shalt  }
0x78: {  	_ =	shalt  }
0x79: {  	_ =	shalt  }
0x7a: {  	_ =	shalt  }
0x7b: {  	_ =	shalt  }
0x7c: {  	_ =	shalt  }
0x7d: {  	_ =	shalt  }
0x7e: {  	_ =	shalt  }
0x7f: {  	_ =	shalt  }
0x80: {  	_ =	shalt  }
0x81: {  	_ =	shalt  }
0x82: {  	_ =	shalt  }
0x83: {  	_ =	shalt  }
0x84: {  	_ =	shalt  }
0x85: {  	_ =	shalt  }
0x86: {  	_ =	shalt  }
0x87: {  	_ =	shalt  }
.Lfunc_end0:
.L_simem_size_0:
called_computation.3_lowered:
.L_overlay_start_0:
0x88: {  	s2 =	sld [smem:$0x3FD9]  }
0x89: {  	s3 =	sld [smem:$0x3FFE];
	_ =	sdelay $0x1  }
0x8a: {  	s1 =	srdreg.scid  }
0x8b: {  	s0 =	sand.u32 $0x1, s1  }
0x8c: {  	s16 =	sshll.u32 s0, $0xA;
	s2 =	sadd.s32 s3, s2  }
0x8d: {  	s2 =	sadd.s32 s2, s16  }
0x8e: {  	[smem:$0x3F98] =	sst s2  }
0x8f: {  	_ = 	snop  }
0x90: {  	(tm) =	ssettm $0x1  }
0x91: {  	s17 =	sld [smem:$0x3FFB];
	_ =	sdelay $0x3  }
0x92: {  	_ =	strace s17  }
0x93: {  	s2 =	sld [smem:$0x3FFC];
	_ =	sdelay $0x3  }
0x94: {  	_ =	strace s2  }
0x95: {  	s2 =	sld [smem:$0x3FFD];
	_ =	sdelay $0x3  }
0x96: {  	_ =	strace s2  }
0x97: {  	_ =	strace $0x8FFFFFFF  }
0x98: {  	s18 =	sld [smem:$0x3FDB];
	_ =	sdelay $0x1  }
0x99: {  	s19 =	simm.s32 $_scs_section_size  }
0x9a: {  	s4 =	simm.s32 $_size__tile_overlayer_lowered;
	s5 =	simm.s32 $_tile_overlayer_lowered  }
0x9b: {  	s22 =	simm.s32 $0x1BFF;
	s21 =	sshll.u32 s5, $0x1;
	s2 =	sadd.s32 s19, s18  }
0x9c: {  	s6 =	simm.s32 $0x0;
	s20 =	sshll.u32 s4, $0x1;
	s4 =	sadd.s32 s21, s2  }
0x9d: {  	[timem:s6], [sflag:s22] =	dma.local [hbm:s4], s20  }
0x9e: {  	_ =	swait.ge [sflag:s22], s20  }
0x9f: {  	s3 =	ssub.s32 $0x0, s20;
	[sflag:s22] =	ssyncset.done $0x0  }
0xa0: {  	[sflag:s22] =	ssyncadd.s32 s3;
	_ =	sdelay $0x1  }
0xa1: {  	s23 =	simm.s32 $0x1B8B  }
0xa2: {  	_ =	swait.ge [sflag:s23], $0x1  }
0xa3: {  	[sflag:s23] =	ssyncset.done $0x0  }
0xa4: {  	s25 =	simm.s32 $0x1B8E;
	s24 =	sld [smem:$0x3FFE];
	[sflag:s23] =	ssyncadd.s32 $0xFFFFFFFF  }
0xa5: {  	s26 =	simm.s32 $execute0_lowered;
	[smem:$0x3FD2] =	sst s25  }
0xa6: {  	s4 =	sshll.u32 s26, $0x1;
	_ =	strace $0x8000004F;
	[dreg:$0x1] =	wrdreg $0xFFFFFFFF  }
0xa7: {  	s28 =	simm.s32 $_size_execute0_lowered;
	s2 =	sadd.s32 s2, s4;
	[dreg:$0x0] =	wrdreg $0x0  }
0xa8: {  	s4 =	sshll.u32 s28, $0x1;
	[dreg:$0x2] =	wrdreg s2  }
0xa9: {  	[dreg:$0x3] =	wrdreg s4  }
0xaa: {  	[dreg:$0x4] =	wrdreg $0xC0  }
0xab: {  	_ =	task [dreg:s6], $0x5FFFF  }
0xac: {  	[dreg:$0x1] =	wrdreg $0xFFFFFFFF  }
0xad: {  	[dreg:$0x0] =	wrdreg $0x60  }
0xae: {  	[dreg:$0x2] =	wrdreg s24  }
0xaf: {  	[dreg:$0x3] =	wrdreg $0x9  }
0xb0: {  	_ =	task.clear_ibuf [dreg:s6], $0x4FFFF;
	_ =	strace $0x9000004F  }
0xb1: {  	s29 =	simm.s32 $0x9;
	_ =	strace $0x80000051  }
0xb2: {  	_ =	swait.ge [sflag:s29], $0x1  }
0xb3: {  	[sflag:s29] =	ssyncadd.s32 $0xFFFFFFFF  }
0xb4: {  	_ =	strace $0x90000051  }
0xb5: {  	_ =	sfence  }
0xb6: {  	s30 =	sld [smem:$0x0];
	_ =	sdelay $0x2  }
0xb7: {  	s31 =	sshll.u32 s1, $0xD;
	s1 =	sshrl.u32 s1, $0x2  }
0xb8: {  	s3 =	sand.u32 $0x4000, s31;
	s1 =	sadd.s32 s1, s30  }
0xb9: {  	s0 =	sor.u32 s3, s0;
	s1 =	sshll.u32 s1, $0x11  }
0xba: {  	s0 =	sor.u32 s1, s0  }
0xbb: {  	s0 =	sadd.s32 $0x8F2B, s0  }
0xbc: {  	[sflag:s0] =	ssyncadd.remote.s32 $0x1  }
0xbd: {  	_ =	sfence.sel $0xFFFF  }
0xbe: {  	[dreg:$0x0] =	wrdreg $0xFFFFFFFF;
	(pc) =	sbr.abs _section_cstart, $3  }
0xbf: {  	[dreg:$0x1] =	wrdreg $0xFFFFFFFF  }
0xc0: {  	_ =	task.clear_ibuf [dreg:s6], $0x2FFFF;
	_ =	strace $0x9FFFFFFF  }
0xc1: {  	(tm) =	ssettm $0x7FFFFFFF  }
tec
execute0_lowered:
.L_overlay_start_1:
0x0: {  	(tag) =	ssettag $0x1  }
0x1: {  	s1 =	srdreg.scid  }
0x2: {  	s0 =	stileid.u32;
	s4 =	rddreg [dreg:$0x0];
	s2 =	simm.s32 $0x0  }
0x3: {  	s11 =	simm.s32 $0x0;
	s5 =	sand.u32 $0x1, s1;
	s1 =	rddreg [dreg:$0x1]  }
0x4: {  	s3 =	sshll.u32 s0, $0x1;
	[smem:$0x7FF] =	sst s2;
	s7 =	smul.u32 $0x50000, s0  }
0x5: {  	s3 =	sor.u32 s5, s3;
	_ =	strace $0x80000050;
	s10 =	smul.u32 $0x28000, s5  }
0x6: {  	s8 =	ssub.s32 $0x2, s5;
	s6 =	smul.u32 $0x500, s3;
	s3 =	sadd.s32 $0x4F800, s4  }
0x7: {  	s9 =	sshrl.u32 s8, $0x1;
	s30 =	sadd.s32 s7, s4;
	s7 =	simm.s32 $0x2  }
0x8: {  	s31 =	ssub.s32 s8, s9;
	s8 =	simm.s32 $0x80;
	s9 =	simm.s32 $0x2800  }
0x9: {  	s29 =	sadd.s32 s6, s4;
	s5 =	smax.u32 s31, $0x1;
	s6 =	sadd.s32 s10, s30  }
0xa: {  	s10 =	simm.s32 $0x1;
	s4 =	sadd.s32 $0x1D800, s29;
	s6 =	sadd.s32 $0x76A00, s6  }
.LBB2_1:
0xb: {  	[tilespmem:s2], [sflag:$0x2] =	stream.linear.gather [hbm4b:s4+s2], $0x2800, $0x38;
	[tilespmem:$0x6800] =	vst v63  }
0xc: {  	_ =	swait.ge [sflag:s7], $0x2800  }
0xd: {  	[sflag:s7] =	ssyncset.done $0x0  }
0xe: {  	s12 =	simm.s32 $0x0;
	[sflag:s7] =	ssyncadd.s32 $0xFFFFD800  }
0xf: {  	[tilespmem:s9], [sflag:$0x1] =	stream.indirect.gather [hbm4b:s3+s8], $0x80, s12, s8, $0xb8;
	[tilespmem:$0x6800] =	vst v63  }
0x10: {  	_ =	swait.ge [sflag:s10], $0x4000  }
0x11: {  	[sflag:s10] =	ssyncset.done $0x0  }
0x12: {  	[sflag:s10] =	ssyncadd.s32 $0xFFFFC000  }
0x13: {  	[hbm4b:s6+s2] =	stream.linear.scatter [tilespmem:s9], [sflag:$0x2], $0x4000, $0x38;
	[tilespmem:$0x6800] =	vst v63  }
0x14: {  	s13 =	simm.s32 $0x200;
	_ =	swait.ge [sflag:s7], $0x4000  }
0x15: {  	s14 =	simm.s32 $0x400;
	s12 =	sadd.s32 $0x800, s6;
	[sflag:s7] =	ssyncset.done $0x0  }
.LBB2_2:
0x16: {  	s15 =	sshra.s32 s13, $0x2  }
0x17: {  	[sflag:s7] =	ssyncadd.s32 $0xFFFFC000;
	s13 =	smov.u32 s14;
	s16 =	sadd.s32 $0x200, s14  }
0x18: {  	[tilespmem:s9], [sflag:$0x1] =	stream.indirect.gather [hbm4b:s3+s8], $0x80, s15, s8, $0xb8;
	[tilespmem:$0x6800] =	vst v63  }
0x19: {  	p0 =	sne.s32 s14, $0x9E00;
	_ =	swait.ge [sflag:s10], $0x4000  }
.Ltmp0:
0x1a: {  	[sflag:s10] =	ssyncset.done $0x0;
	(pc) =	sbr.rel @p0 .LBB2_2-.Ltmp0, $4  }
0x1b: {  	[sflag:s10] =	ssyncadd.s32 $0xFFFFC000  }
0x1c: {  	[hbm4b:s12+s2] =	stream.linear.scatter [tilespmem:s9], [sflag:$0x2], $0x4000, $0x38;
	[tilespmem:$0x6800] =	vst v63  }
0x1d: {  	_ =	swait.ge [sflag:s7], $0x4000  }
0x1e: {  	s14 =	smov.u32 s16;
	s12 =	sadd.s32 $0x800, s12;
	[sflag:s7] =	ssyncset.done $0x0  }
0x1f: {  	s13 =	sshra.s32 s13, $0x2;
	[sflag:s7] =	ssyncadd.s32 $0xFFFFC000  }
0x20: {  	[tilespmem:s9], [sflag:$0x1] =	stream.indirect.gather [hbm4b:s3+s8], $0x80, s13, s8, $0xb8;
	[tilespmem:$0x6800] =	vst v63  }
0x21: {  	s11 =	sadd.s32 $0x1, s11;
	_ =	swait.ge [sflag:s10], $0x4000  }
0x22: {  	p0 =	sne.s32 s11, s5;
	[sflag:s10] =	ssyncset.done $0x0  }
.Ltmp1:
0x23: {  	[sflag:s10] =	ssyncadd.s32 $0xFFFFC000;
	(pc) =	sbr.rel @p0 .LBB2_1-.Ltmp1, $4  }
0x24: {  	[hbm4b:s12+s2] =	stream.linear.scatter [tilespmem:s9], [sflag:$0x2], $0x4000, $0x38;
	[tilespmem:$0x6800] =	vst v63  }
0x25: {  	_ =	swait.ge [sflag:s7], $0x4000  }
0x26: {  	[sflag:s7] =	ssyncset.done $0x0  }
0x27: {  	[sflag:s7] =	ssyncadd.s32 $0xFFFFC000  }
0x28: {  	_ =	sfence.sel $0x180000  }
0x29: {  	[bflag:$0x0] =	sbarrier.arrive $0xFFFF  }
0x2a: {  	p0 =	sne.s32 s0, $0x0;
	_ =	strace $0x90000050  }
0x2b: {  	s0 =	sadd.s32 @!p0 $0x100000, s1;
	[bflag:$0x2] =	sbarrier.arrive $0xFFFF  }
0x2c: {  	[sflag:s0] =	ssyncadd.tile.s32 @!p0 $0x1;
	_ =	shalt  }
.Lfunc_end2:
_tile_overlayer_lowered:
.L_overlay_start_2:
0x2d: {  	(tag) =	ssettag $0x2  }
0x2e: {  	s0 =	rddreg [dreg:$0x0];
	s2 =	stileid.u32  }
0x2f: {  	s1 =	rddreg [dreg:$0x1];
	p0 =	sne.s32 s2, $0x0  }
0x30: {  	s3 =	rddreg [dreg:$0x2];
	[bflag:$0x3] =	sbarrier.arrive $0xFFFF;
	s2 =	simm.s32 @!p0 $0x1C02  }
0x31: {  	[timem:s3], [sflag:s2] =	dma.local @!p0 [hbm:s0], s1  }
0x32: {  	s0 =	simm.s32 @!p0 $0x2  }
0x33: {  	_ =	swait.ge @!p0 [sflag:s0], s1  }
0x34: {  	s1 =	ssub.s32 @!p0 $0x0, s1;
	[sflag:s0] =	ssyncset.done @!p0 $0x0  }
0x35: {  	[sflag:s0] =	ssyncadd.s32 @!p0 s1  }
0x36: {  	[bflag:$0x3] =	sbarrier.arrive $0xFFFF  }
0x37: {  	_ =	shalt  }

// kernel: kernel.29.cloned.1.call-start
scs
__scs_entry_jumppad:
0x0: {  	(pc) =	sbr.rel $0x88, $3  }
0x1: {  	(tag) =	ssettag $0x0;
	lr =	simm.s32 $0x1  }
0x2: {  	[smem:$0x3F71] =	sst lr;
	_ =	strace $0xD0000000  }
0x3: {  	_ = 	snop  }
0x4: {  	_ = 	snop  }
0x5: {  	_ = 	snop  }
0x6: {  	_ = 	snop  }
0x7: {  	_ = 	snop  }
__scs_overlays_trampoline_lowered:
0x8: {  	[smem:$0x3F80] =	sst s0  }
0x9: {  	[smem:$0x3F81] =	sst s1  }
0xa: {  	[smem:$0x3F82] =	sst s2  }
0xb: {  	[smem:$0x3F83] =	sst s3  }
0xc: {  	[smem:$0x3F84] =	sst s4  }
0xd: {  	[smem:$0x3F85] =	sst s5  }
0xe: {  	[smem:$0x3F86] =	sst s6  }
0xf: {  	[smem:$0x3F87] =	sst s7  }
0x10: {  	[smem:$0x3F88] =	sst s8  }
0x11: {  	[smem:$0x3F89] =	sst s9;
	s0 =	simm.s32 @!p0 $0x0  }
0x12: {  	s1 =	sld [smem:$0x3F6F];
	s0 =	simm.s32 @p0 $0x1  }
0x13: {  	[smem:$0x3F8A] =	sst s0;
	s0 =	simm.s32 @!p1 $0x0  }
0x14: {  	s2 =	sld [smem:$0x3F6E];
	s0 =	simm.s32 @p1 $0x1  }
0x15: {  	[smem:$0x3F8B] =	sst s0;
	s0 =	simm.s32 @!p2 $0x0  }
0x16: {  	s3 =	sld [smem:$0x3FDB];
	s0 =	simm.s32 @p2 $0x1  }
0x17: {  	s4 =	simm.s32 $0x1BF5;
	[smem:$0x3F8D] =	sst s0  }
0x18: {  	s0 =	sld [smem:$0x3F70];
	_ =	swait.ge [sflag:s4], $0x0  }
0x19: {  	s7 =	sld [smem:$0x3F71]  }
0x1a: {  	s8 =	sadd.s32 $0xFFFFE003, lr  }
0x1b: {  	s9 =	sadd.s32 $0xFFFFFEF7, lr;
	s5 =	simm.s32 $0xFFFFFFFF;
	p2 =	slt.u32 s8, $0xFFFFF086  }
0x1c: {  	p1 =	slt.u32 s9, $0xF7A;
	s5 =	simm.s32 @!p2 $0x0  }
0x1d: {  	s5 =	simm.s32 @p1 $0x1;
	p0 =	seq.s32 s7, s2  }
0x1e: {  	s7 =	smul.u32 @!p0 $0xF7A, s2;
	p2 =	seq.s32 @!p0 s5, $0x0  }
0x1f: {  	s9 =	smul.u32 $0xF7A, s1;
	s8 =	simm.s32 @!p0 $0x1BF5;
	p2 =	por !p2, p0  }
0x20: {  	[sflag:s8] =	ssyncset.s32 @!p0 $0xFFFFF086;
	s6 =	sadd.s32 @!p0 s3, s7;
	s7 =	simm.s32 @!p0 $0x108  }
0x21: {  	s3 =	sadd.s32 s3, s9;
	s6 =	sadd.s32 @!p0 $0x88, s6;
	s7 =	simm.s32 @p2 $0x1082  }
0x22: {  	[simem:s7], [sflag:s8] =	dma.local @!p0 [hbm:s6], $0xF7A  }
0x23: {  	s9 =	sor.u32 $0xD0000000, s2;
	s6 =	simm.s32 $0x108;
	_ =	swait.ge @!p0 [sflag:s8], $0x0  }
0x24: {  	s3 =	sadd.s32 $0x88, s3;
	s6 =	simm.s32 @!p1 $0x1082;
	[sflag:s4] =	ssyncset.s32 $0xFFFFF086  }
0x25: {  	[simem:s6], [sflag:s4] =	dma.local [hbm:s3], $0xF7A  }
0x26: {  	[smem:$0x3F71] =	sst s1;
	(tag) =	ssettag s2;
	_ =	strace s9  }
0x27: {  	s1 =	sld [smem:$0x3F81]  }
0x28: {  	s2 =	sld [smem:$0x3F82]  }
0x29: {  	s4 =	sld [smem:$0x3F84]  }
0x2a: {  	p0 =	seq.s32 s5, $0x0;
	s5 =	sld [smem:$0x3F85]  }
0x2b: {  	s6 =	sld [smem:$0x3F86]  }
0x2c: {  	s7 =	sld [smem:$0x3F87]  }
0x2d: {  	s3 =	simm.s32 $0x108;
	s8 =	sld [smem:$0x3F88]  }
0x2e: {  	s3 =	simm.s32 @!p0 $0x1082;
	s9 =	sld [smem:$0x3F89]  }
0x2f: {  	lr =	sadd.s32 s0, s3;
	s0 =	sld [smem:$0x3F80]  }
0x30: {  	s3 =	sld [smem:$0x3F83]  }
0x31: {  	[smem:$0x3F8C] =	sst s10  }
0x32: {  	s10 =	sld [smem:$0x3F8A];
	_ =	sdelay $0x3  }
0x33: {  	p0 =	seq.s32 s10, $0x1;
	s10 =	sld [smem:$0x3F8C];
	_ =	sdelay $0x3  }
0x34: {  	[smem:$0x3F8C] =	sst s10  }
0x35: {  	s10 =	sld [smem:$0x3F8B];
	_ =	sdelay $0x3  }
0x36: {  	p1 =	seq.s32 s10, $0x1;
	s10 =	sld [smem:$0x3F8C];
	_ =	sdelay $0x3  }
0x37: {  	[smem:$0x3F8C] =	sst s10  }
0x38: {  	s10 =	sld [smem:$0x3F8D]  }
0x39: {  	_ = 	snop;
	(pc) =	sbr.ind lr, $3  }
0x3a: {  	_ = 	snop  }
0x3b: {  	_ = 	snop  }
0x3c: {  	p2 =	seq.s32 s10, $0x1;
	s10 =	sld [smem:$0x3F8C]  }
0x3d: {  	_ =	shalt  }
0x3e: {  	_ =	shalt  }
0x3f: {  	_ =	shalt  }
0x40: {  	_ =	shalt  }
0x41: {  	_ =	shalt  }
0x42: {  	_ =	shalt  }
0x43: {  	_ =	shalt  }
0x44: {  	_ =	shalt  }
0x45: {  	_ =	shalt  }
0x46: {  	_ =	shalt  }
0x47: {  	_ =	shalt  }
0x48: {  	_ =	shalt  }
0x49: {  	_ =	shalt  }
0x4a: {  	_ =	shalt  }
0x4b: {  	_ =	shalt  }
0x4c: {  	_ =	shalt  }
0x4d: {  	_ =	shalt  }
0x4e: {  	_ =	shalt  }
0x4f: {  	_ =	shalt  }
0x50: {  	_ =	shalt  }
0x51: {  	_ =	shalt  }
0x52: {  	_ =	shalt  }
0x53: {  	_ =	shalt  }
0x54: {  	_ =	shalt  }
0x55: {  	_ =	shalt  }
0x56: {  	_ =	shalt  }
0x57: {  	_ =	shalt  }
0x58: {  	_ =	shalt  }
0x59: {  	_ =	shalt  }
0x5a: {  	_ =	shalt  }
0x5b: {  	_ =	shalt  }
0x5c: {  	_ =	shalt  }
0x5d: {  	_ =	shalt  }
0x5e: {  	_ =	shalt  }
0x5f: {  	_ =	shalt  }
0x60: {  	_ =	shalt  }
0x61: {  	_ =	shalt  }
0x62: {  	_ =	shalt  }
0x63: {  	_ =	shalt  }
0x64: {  	_ =	shalt  }
0x65: {  	_ =	shalt  }
0x66: {  	_ =	shalt  }
0x67: {  	_ =	shalt  }
0x68: {  	_ =	shalt  }
0x69: {  	_ =	shalt  }
0x6a: {  	_ =	shalt  }
0x6b: {  	_ =	shalt  }
0x6c: {  	_ =	shalt  }
0x6d: {  	_ =	shalt  }
0x6e: {  	_ =	shalt  }
0x6f: {  	_ =	shalt  }
0x70: {  	_ =	shalt  }
0x71: {  	_ =	shalt  }
0x72: {  	_ =	shalt  }
0x73: {  	_ =	shalt  }
0x74: {  	_ =	shalt  }
0x75: {  	_ =	shalt  }
0x76: {  	_ =	shalt  }
0x77: {  	_ =	shalt  }
0x78: {  	_ =	shalt  }
0x79: {  	_ =	shalt  }
0x7a: {  	_ =	shalt  }
0x7b: {  	_ =	shalt  }
0x7c: {  	_ =	shalt  }
0x7d: {  	_ =	shalt  }
0x7e: {  	_ =	shalt  }
0x7f: {  	_ =	shalt  }
0x80: {  	_ =	shalt  }
0x81: {  	_ =	shalt  }
0x82: {  	_ =	shalt  }
0x83: {  	_ =	shalt  }
0x84: {  	_ =	shalt  }
0x85: {  	_ =	shalt  }
0x86: {  	_ =	shalt  }
0x87: {  	_ =	shalt  }
.Lfunc_end0:
.L_simem_size_0:
called_computation.4_lowered:
.L_overlay_start_0:
0x88: {  	s2 =	sld [smem:$0x3FD9]  }
0x89: {  	s3 =	sld [smem:$0x3FFE];
	_ =	sdelay $0x1  }
0x8a: {  	s1 =	srdreg.scid  }
0x8b: {  	s0 =	sand.u32 $0x1, s1  }
0x8c: {  	s16 =	sshll.u32 s0, $0xA;
	s2 =	sadd.s32 s3, s2  }
0x8d: {  	s2 =	sadd.s32 s2, s16  }
0x8e: {  	[smem:$0x3F98] =	sst s2  }
0x8f: {  	_ = 	snop  }
0x90: {  	(tm) =	ssettm $0x1  }
0x91: {  	s17 =	sld [smem:$0x3FFB];
	_ =	sdelay $0x3  }
0x92: {  	_ =	strace s17  }
0x93: {  	s2 =	sld [smem:$0x3FFC];
	_ =	sdelay $0x3  }
0x94: {  	_ =	strace s2  }
0x95: {  	s2 =	sld [smem:$0x3FFD];
	_ =	sdelay $0x3  }
0x96: {  	_ =	strace s2  }
0x97: {  	_ =	strace $0x8FFFFFFF  }
0x98: {  	s18 =	sld [smem:$0x3FDB];
	_ =	sdelay $0x1  }
0x99: {  	s19 =	simm.s32 $_scs_section_size  }
0x9a: {  	s4 =	simm.s32 $_size__tile_overlayer_lowered;
	s5 =	simm.s32 $_tile_overlayer_lowered  }
0x9b: {  	s22 =	simm.s32 $0x1BFF;
	s21 =	sshll.u32 s5, $0x1;
	s2 =	sadd.s32 s19, s18  }
0x9c: {  	s6 =	simm.s32 $0x0;
	s20 =	sshll.u32 s4, $0x1;
	s4 =	sadd.s32 s21, s2  }
0x9d: {  	[timem:s6], [sflag:s22] =	dma.local [hbm:s4], s20  }
0x9e: {  	_ =	swait.ge [sflag:s22], s20  }
0x9f: {  	s3 =	ssub.s32 $0x0, s20;
	[sflag:s22] =	ssyncset.done $0x0  }
0xa0: {  	[sflag:s22] =	ssyncadd.s32 s3;
	_ =	sdelay $0x1  }
0xa1: {  	s23 =	simm.s32 $0x1B8B  }
0xa2: {  	_ =	swait.ge [sflag:s23], $0x1  }
0xa3: {  	[sflag:s23] =	ssyncset.done $0x0  }
0xa4: {  	s25 =	simm.s32 $0x1B8E;
	s24 =	sld [smem:$0x3FFE];
	[sflag:s23] =	ssyncadd.s32 $0xFFFFFFFF  }
0xa5: {  	s26 =	simm.s32 $execute0_lowered;
	[smem:$0x3FD2] =	sst s25  }
0xa6: {  	s4 =	sshll.u32 s26, $0x1;
	_ =	strace $0x80000052;
	[dreg:$0x1] =	wrdreg $0xFFFFFFFF  }
0xa7: {  	s28 =	simm.s32 $_size_execute0_lowered;
	s2 =	sadd.s32 s2, s4;
	[dreg:$0x0] =	wrdreg $0x0  }
0xa8: {  	s4 =	sshll.u32 s28, $0x1;
	[dreg:$0x2] =	wrdreg s2  }
0xa9: {  	[dreg:$0x3] =	wrdreg s4  }
0xaa: {  	[dreg:$0x4] =	wrdreg $0xC0  }
0xab: {  	_ =	task [dreg:s6], $0x5FFFF  }
0xac: {  	[dreg:$0x1] =	wrdreg $0xFFFFFFFF  }
0xad: {  	[dreg:$0x0] =	wrdreg $0x60  }
0xae: {  	[dreg:$0x2] =	wrdreg s24  }
0xaf: {  	[dreg:$0x3] =	wrdreg $0x54000  }
0xb0: {  	[dreg:$0x4] =	wrdreg $0x9  }
0xb1: {  	_ =	task.clear_ibuf [dreg:s6], $0x5FFFF;
	_ =	strace $0x90000052  }
0xb2: {  	s29 =	simm.s32 $0x9;
	_ =	strace $0x80000054  }
0xb3: {  	_ =	swait.ge [sflag:s29], $0x1  }
0xb4: {  	[sflag:s29] =	ssyncadd.s32 $0xFFFFFFFF  }
0xb5: {  	_ =	strace $0x90000054  }
0xb6: {  	_ =	sfence  }
0xb7: {  	s30 =	sld [smem:$0x0];
	_ =	sdelay $0x2  }
0xb8: {  	s31 =	sshll.u32 s1, $0xD;
	s1 =	sshrl.u32 s1, $0x2  }
0xb9: {  	s3 =	sand.u32 $0x4000, s31;
	s1 =	sadd.s32 s1, s30  }
0xba: {  	s0 =	sor.u32 s3, s0;
	s1 =	sshll.u32 s1, $0x11  }
0xbb: {  	s0 =	sor.u32 s1, s0  }
0xbc: {  	s0 =	sadd.s32 $0x8F2B, s0  }
0xbd: {  	[sflag:s0] =	ssyncadd.remote.s32 $0x1  }
0xbe: {  	_ =	sfence.sel $0xFFFF  }
0xbf: {  	[dreg:$0x0] =	wrdreg $0xFFFFFFFF;
	(pc) =	sbr.abs _section_cstart, $3  }
0xc0: {  	[dreg:$0x1] =	wrdreg $0xFFFFFFFF  }
0xc1: {  	_ =	task.clear_ibuf [dreg:s6], $0x2FFFF;
	_ =	strace $0x9FFFFFFF  }
0xc2: {  	(tm) =	ssettm $0x7FFFFFFF  }
0xc3: {  	_ =	shalt  }
tec
execute0_lowered:
.L_overlay_start_1:
0x0: {  	(tag) =	ssettag $0x1  }
0x1: {  	s12 =	stileid.u32  }
0x2: {  	s6 =	smul.u32 $0x28, s12  }
0x3: {  	s0 =	srdreg.scid;
	s10 =	smul.u32 $0x50000, s12  }
0x4: {  	s4 =	rddreg [dreg:$0x0];
	s30 =	smul.u32 $0x14000, s12  }
0x5: {  	s1 =	rddreg [dreg:$0x1];
	s3 =	sand.u32 $0x1, s0;
	s14 =	smul.u32 $0x2800, s12  }
0x6: {  	s2 =	simm.s32 $0x0;
	s0 =	rddreg [dreg:$0x2];
	s5 =	smul.u32 $0x280, s3  }
0x7: {  	[smem:$0x7FF] =	sst s2;
	p0 =	sne.s32 s12, $0x0;
	s7 =	smul.u32 $0x140000, s3  }
0x8: {  	s12 =	sshll.u32 s12, $0x6;
	_ =	strace $0x80000053;
	s29 =	smul.u32 $0x28000, s3  }
0x9: {  	s8 =	ssub.s32 $0x2, s3;
	s3 =	sadd.s32 $0x27800, s4;
	s12 =	sor.u32 $0x1C01, s12  }
0xa: {  	s9 =	sshrl.u32 s8, $0x1;
	s31 =	sshrl.u32 s10, $0x2;
	s10 =	simm.s32 $0x80  }
0xb: {  	s5 =	sadd.s32 s6, s5;
	s28 =	sadd.s32 s7, s4;
	s7 =	sadd.s32 s29, s4  }
0xc: {  	s8 =	ssub.s32 s8, s9;
	s13 =	sadd.s32 s31, s1;
	s9 =	simm.s32 $0x1400  }
0xd: {  	s5 =	sshll.u32 s5, $0x4;
	s11 =	sadd.s32 $0x76A00, s7;
	s6 =	sadd.s32 s30, s28  }
0xe: {  	s7 =	sshrl.u32 @!p0 s1, $0x3;
	s13 =	sshrl.u32 s13, $0x3;
	s5 =	sadd.s32 s5, s4  }
0xf: {  	s6 =	sadd.s32 $0x5F3A00, s6;
	s11 =	sadd.s32 s14, s11;
	s14 =	simm.s32 $0x0  }
0x10: {  	s4 =	sadd.s32 $0x5EEA00, s5;
	s5 =	smax.u32 s8, $0x1;
	s8 =	simm.s32 $0x1  }
.LBB2_1:
0x11: {  	s15 =	simm.s32 @!p0 $0x1C01  }
0x12: {  	[spmem:s7], [sflag:s15] =	dma.local @!p0 [hbm:s3], $0x28000  }
0x13: {  	s15 =	simm.s32 @!p0 $0x1  }
0x14: {  	_ =	swait.ge @!p0 [sflag:s15], $0x28000  }
0x15: {  	[sflag:s15] =	ssyncset.done @!p0 $0x0  }
0x16: {  	[sflag:s15] =	ssyncadd.s32 @!p0 $0xFFFD8000  }
0x17: {  	[bflag:$0x0] =	sbarrier.arrive $0xFFFF  }
0x18: {  	[tilespmem:s2], [sflag:$0x1] =	stream.linear.gather [hbm4b:s4+s2], $0x1400, $0x38;
	[tilespmem:$0x19400] =	vst v63  }
0x19: {  	_ =	swait.ge [sflag:s8], $0x1400  }
0x1a: {  	[sflag:s8] =	ssyncset.done $0x0  }
0x1b: {  	[sflag:s8] =	ssyncadd.s32 $0xFFFFEC00  }
0x1c: {  	[tilespmem:s9], [sflag:$0x1] =	stream.linear.gather [hbm4b:s6+s2], $0x4000, $0x38;
	[tilespmem:$0x19400] =	vst v63  }
0x1d: {  	_ =	swait.ge [sflag:s8], $0x4000  }
0x1e: {  	[sflag:s8] =	ssyncset.done $0x0  }
0x1f: {  	s31 =	simm.s32 $0x0;
	[sflag:s8] =	ssyncadd.s32 $0xFFFFC000  }
0x20: {  	[spmem:s1] =	stream.indirect.scatter.add.f32 [tilespmem:s9], [sflag:$0x1], $0x80, s31, s10, $0xb8;
	[tilespmem:$0x19400] =	vst v63  }
0x21: {  	_ =	swait.ge [sflag:s8], $0x4000  }
0x22: {  	s16 =	smov.u32 s6;
	s15 =	simm.s32 $0x200;
	[sflag:s8] =	ssyncset.done $0x0  }
.LBB2_2:
0x23: {  	p1 =	sne.s32 s15, $0x4E00;
	[sflag:s8] =	ssyncadd.s32 $0xFFFFC000;
	s16 =	sadd.s32 $0x800, s16  }
0x24: {  	[tilespmem:s9], [sflag:$0x1] =	stream.linear.gather [hbm4b:s16+s2], $0x4000, $0x38;
	[tilespmem:$0x19400] =	vst v63  }
0x25: {  	s17 =	smov.u32 s15;
	s15 =	sadd.s32 $0x200, s15;
	_ =	swait.ge [sflag:s8], $0x4000  }
.Ltmp0:
0x26: {  	[sflag:s8] =	ssyncset.done $0x0;
	(pc) =	sbr.rel @p1 .LBB2_2-.Ltmp0, $4  }
0x27: {  	s17 =	sshra.s32 s17, $0x2;
	[sflag:s8] =	ssyncadd.s32 $0xFFFFC000  }
0x28: {  	[spmem:s1] =	stream.indirect.scatter.add.f32 [tilespmem:s9], [sflag:$0x1], $0x80, s17, s10, $0xb8;
	[tilespmem:$0x19400] =	vst v63  }
0x29: {  	_ =	swait.ge [sflag:s8], $0x4000  }
0x2a: {  	[sflag:s8] =	ssyncset.done $0x0  }
0x2b: {  	s14 =	sadd.s32 $0x1, s14  }
0x2c: {  	[sflag:s8] =	ssyncadd.s32 $0xFFFFC000;
	p1 =	sne.s32 s14, s5  }
.Ltmp1:
0x2d: {  	[bflag:$0x0] =	sbarrier.arrive $0xFFFF;
	(pc) =	sbr.rel @p1 .LBB2_1-.Ltmp1, $4  }
0x2e: {  	[hbm:s11], [sflag:s12] =	dma.local [spmem:s13], $0x2800  }
0x2f: {  	_ =	swait.ge [sflag:s8], $0x2800  }
0x30: {  	[sflag:s8] =	ssyncset.done $0x0  }
0x31: {  	[sflag:s8] =	ssyncadd.s32 $0xFFFFD800  }
0x32: {  	_ =	sfence.sel $0x180000  }
0x33: {  	[bflag:$0x0] =	sbarrier.arrive $0xFFFF  }
0x34: {  	_ =	strace $0x90000053  }
0x35: {  	s0 =	sadd.s32 @!p0 $0x100000, s0;
	[bflag:$0x2] =	sbarrier.arrive $0xFFFF  }
0x36: {  	[sflag:s0] =	ssyncadd.tile.s32 @!p0 $0x1;
	_ =	shalt  }
.Lfunc_end2:
_tile_overlayer_lowered:
.L_overlay_start_2:
0x37: {  	(tag) =	ssettag $0x2  }
0x38: {  	s0 =	rddreg [dreg:$0x0];
	s2 =	stileid.u32  }
0x39: {  	s1 =	rddreg [dreg:$0x1];
	p0 =	sne.s32 s2, $0x0  }
0x3a: {  	s3 =	rddreg [dreg:$0x2];
	[bflag:$0x3] =	sbarrier.arrive $0xFFFF;
	s2 =	simm.s32 @!p0 $0x1C01  }
0x3b: {  	[timem:s3], [sflag:s2] =	dma.local @!p0 [hbm:s0], s1  }
0x3c: {  	s0 =	simm.s32 @!p0 $0x1  }
0x3d: {  	_ =	swait.ge @!p0 [sflag:s0], s1  }
0x3e: {  	s1 =	ssub.s32 @!p0 $0x0, s1;
	[sflag:s0] =	ssyncset.done @!p0 $0x0  }
0x3f: {  	[sflag:s0] =	ssyncadd.s32 @!p0 s1  }
0x40: {  	[bflag:$0x3] =	sbarrier.arrive $0xFFFF  }
0x41: {  	_ =	shalt  }

// kernel: kernel.32.cloned.1.call-start
scs
__scs_entry_jumppad:
0x0: {  	(pc) =	sbr.rel $0x88, $3  }
0x1: {  	(tag) =	ssettag $0x0;
	lr =	simm.s32 $0x1  }
0x2: {  	[smem:$0x3F71] =	sst lr;
	_ =	strace $0xD0000000  }
0x3: {  	_ = 	snop  }
0x4: {  	_ = 	snop  }
0x5: {  	_ = 	snop  }
0x6: {  	_ = 	snop  }
0x7: {  	_ = 	snop  }
__scs_overlays_trampoline_lowered:
0x8: {  	[smem:$0x3F80] =	sst s0  }
0x9: {  	[smem:$0x3F81] =	sst s1  }
0xa: {  	[smem:$0x3F82] =	sst s2  }
0xb: {  	[smem:$0x3F83] =	sst s3  }
0xc: {  	[smem:$0x3F84] =	sst s4  }
0xd: {  	[smem:$0x3F85] =	sst s5  }
0xe: {  	[smem:$0x3F86] =	sst s6  }
0xf: {  	[smem:$0x3F87] =	sst s7  }
0x10: {  	[smem:$0x3F88] =	sst s8  }
0x11: {  	[smem:$0x3F89] =	sst s9;
	s0 =	simm.s32 @!p0 $0x0  }
0x12: {  	s1 =	sld [smem:$0x3F6F];
	s0 =	simm.s32 @p0 $0x1  }
0x13: {  	[smem:$0x3F8A] =	sst s0;
	s0 =	simm.s32 @!p1 $0x0  }
0x14: {  	s2 =	sld [smem:$0x3F6E];
	s0 =	simm.s32 @p1 $0x1  }
0x15: {  	[smem:$0x3F8B] =	sst s0;
	s0 =	simm.s32 @!p2 $0x0  }
0x16: {  	s3 =	sld [smem:$0x3FDB];
	s0 =	simm.s32 @p2 $0x1  }
0x17: {  	s4 =	simm.s32 $0x1BF5;
	[smem:$0x3F8D] =	sst s0  }
0x18: {  	s0 =	sld [smem:$0x3F70];
	_ =	swait.ge [sflag:s4], $0x0  }
0x19: {  	s7 =	sld [smem:$0x3F71]  }
0x1a: {  	s8 =	sadd.s32 $0xFFFFE003, lr  }
0x1b: {  	s9 =	sadd.s32 $0xFFFFFEF7, lr;
	s5 =	simm.s32 $0xFFFFFFFF;
	p2 =	slt.u32 s8, $0xFFFFF086  }
0x1c: {  	p1 =	slt.u32 s9, $0xF7A;
	s5 =	simm.s32 @!p2 $0x0  }
0x1d: {  	s5 =	simm.s32 @p1 $0x1;
	p0 =	seq.s32 s7, s2  }
0x1e: {  	s7 =	smul.u32 @!p0 $0xF7A, s2;
	p2 =	seq.s32 @!p0 s5, $0x0  }
0x1f: {  	s9 =	smul.u32 $0xF7A, s1;
	s8 =	simm.s32 @!p0 $0x1BF5;
	p2 =	por !p2, p0  }
0x20: {  	[sflag:s8] =	ssyncset.s32 @!p0 $0xFFFFF086;
	s6 =	sadd.s32 @!p0 s3, s7;
	s7 =	simm.s32 @!p0 $0x108  }
0x21: {  	s3 =	sadd.s32 s3, s9;
	s6 =	sadd.s32 @!p0 $0x88, s6;
	s7 =	simm.s32 @p2 $0x1082  }
0x22: {  	[simem:s7], [sflag:s8] =	dma.local @!p0 [hbm:s6], $0xF7A  }
0x23: {  	s9 =	sor.u32 $0xD0000000, s2;
	s6 =	simm.s32 $0x108;
	_ =	swait.ge @!p0 [sflag:s8], $0x0  }
0x24: {  	s3 =	sadd.s32 $0x88, s3;
	s6 =	simm.s32 @!p1 $0x1082;
	[sflag:s4] =	ssyncset.s32 $0xFFFFF086  }
0x25: {  	[simem:s6], [sflag:s4] =	dma.local [hbm:s3], $0xF7A  }
0x26: {  	[smem:$0x3F71] =	sst s1;
	(tag) =	ssettag s2;
	_ =	strace s9  }
0x27: {  	s1 =	sld [smem:$0x3F81]  }
0x28: {  	s2 =	sld [smem:$0x3F82]  }
0x29: {  	s4 =	sld [smem:$0x3F84]  }
0x2a: {  	p0 =	seq.s32 s5, $0x0;
	s5 =	sld [smem:$0x3F85]  }
0x2b: {  	s6 =	sld [smem:$0x3F86]  }
0x2c: {  	s7 =	sld [smem:$0x3F87]  }
0x2d: {  	s3 =	simm.s32 $0x108;
	s8 =	sld [smem:$0x3F88]  }
0x2e: {  	s3 =	simm.s32 @!p0 $0x1082;
	s9 =	sld [smem:$0x3F89]  }
0x2f: {  	lr =	sadd.s32 s0, s3;
	s0 =	sld [smem:$0x3F80]  }
0x30: {  	s3 =	sld [smem:$0x3F83]  }
0x31: {  	[smem:$0x3F8C] =	sst s10  }
0x32: {  	s10 =	sld [smem:$0x3F8A];
	_ =	sdelay $0x3  }
0x33: {  	p0 =	seq.s32 s10, $0x1;
	s10 =	sld [smem:$0x3F8C];
	_ =	sdelay $0x3  }
0x34: {  	[smem:$0x3F8C] =	sst s10  }
0x35: {  	s10 =	sld [smem:$0x3F8B];
	_ =	sdelay $0x3  }
0x36: {  	p1 =	seq.s32 s10, $0x1;
	s10 =	sld [smem:$0x3F8C];
	_ =	sdelay $0x3  }
0x37: {  	[smem:$0x3F8C] =	sst s10  }
0x38: {  	s10 =	sld [smem:$0x3F8D]  }
0x39: {  	_ = 	snop;
	(pc) =	sbr.ind lr, $3  }
0x3a: {  	_ = 	snop  }
0x3b: {  	_ = 	snop  }
0x3c: {  	p2 =	seq.s32 s10, $0x1;
	s10 =	sld [smem:$0x3F8C]  }
0x3d: {  	_ =	shalt  }
0x3e: {  	_ =	shalt  }
0x3f: {  	_ =	shalt  }
0x40: {  	_ =	shalt  }
0x41: {  	_ =	shalt  }
0x42: {  	_ =	shalt  }
0x43: {  	_ =	shalt  }
0x44: {  	_ =	shalt  }
0x45: {  	_ =	shalt  }
0x46: {  	_ =	shalt  }
0x47: {  	_ =	shalt  }
0x48: {  	_ =	shalt  }
0x49: {  	_ =	shalt  }
0x4a: {  	_ =	shalt  }
0x4b: {  	_ =	shalt  }
0x4c: {  	_ =	shalt  }
0x4d: {  	_ =	shalt  }
0x4e: {  	_ =	shalt  }
0x4f: {  	_ =	shalt  }
0x50: {  	_ =	shalt  }
0x51: {  	_ =	shalt  }
0x52: {  	_ =	shalt  }
0x53: {  	_ =	shalt  }
0x54: {  	_ =	shalt  }
0x55: {  	_ =	shalt  }
0x56: {  	_ =	shalt  }
0x57: {  	_ =	shalt  }
0x58: {  	_ =	shalt  }
0x59: {  	_ =	shalt  }
0x5a: {  	_ =	shalt  }
0x5b: {  	_ =	shalt  }
0x5c: {  	_ =	shalt  }
0x5d: {  	_ =	shalt  }
0x5e: {  	_ =	shalt  }
0x5f: {  	_ =	shalt  }
0x60: {  	_ =	shalt  }
0x61: {  	_ =	shalt  }
0x62: {  	_ =	shalt  }
0x63: {  	_ =	shalt  }
0x64: {  	_ =	shalt  }
0x65: {  	_ =	shalt  }
0x66: {  	_ =	shalt  }
0x67: {  	_ =	shalt  }
0x68: {  	_ =	shalt  }
0x69: {  	_ =	shalt  }
0x6a: {  	_ =	shalt  }
0x6b: {  	_ =	shalt  }
0x6c: {  	_ =	shalt  }
0x6d: {  	_ =	shalt  }
0x6e: {  	_ =	shalt  }
0x6f: {  	_ =	shalt  }
0x70: {  	_ =	shalt  }
0x71: {  	_ =	shalt  }
0x72: {  	_ =	shalt  }
0x73: {  	_ =	shalt  }
0x74: {  	_ =	shalt  }
0x75: {  	_ =	shalt  }
0x76: {  	_ =	shalt  }
0x77: {  	_ =	shalt  }
0x78: {  	_ =	shalt  }
0x79: {  	_ =	shalt  }
0x7a: {  	_ =	shalt  }
0x7b: {  	_ =	shalt  }
0x7c: {  	_ =	shalt  }
0x7d: {  	_ =	shalt  }
0x7e: {  	_ =	shalt  }
0x7f: {  	_ =	shalt  }
0x80: {  	_ =	shalt  }
0x81: {  	_ =	shalt  }
0x82: {  	_ =	shalt  }
0x83: {  	_ =	shalt  }
0x84: {  	_ =	shalt  }
0x85: {  	_ =	shalt  }
0x86: {  	_ =	shalt  }
0x87: {  	_ =	shalt  }
.Lfunc_end0:
.L_simem_size_0:
called_computation.5_lowered:
.L_overlay_start_0:
0x88: {  	s2 =	sld [smem:$0x3FD9]  }
0x89: {  	s3 =	sld [smem:$0x3FFE];
	_ =	sdelay $0x1  }
0x8a: {  	s1 =	srdreg.scid  }
0x8b: {  	s0 =	sand.u32 $0x1, s1  }
0x8c: {  	s16 =	sshll.u32 s0, $0xA;
	s2 =	sadd.s32 s3, s2  }
0x8d: {  	s2 =	sadd.s32 s2, s16  }
0x8e: {  	[smem:$0x3F98] =	sst s2  }
0x8f: {  	_ = 	snop  }
0x90: {  	(tm) =	ssettm $0x1  }
0x91: {  	s17 =	sld [smem:$0x3FFB];
	_ =	sdelay $0x3  }
0x92: {  	_ =	strace s17  }
0x93: {  	s2 =	sld [smem:$0x3FFC];
	_ =	sdelay $0x3  }
0x94: {  	_ =	strace s2  }
0x95: {  	s2 =	sld [smem:$0x3FFD];
	_ =	sdelay $0x3  }
0x96: {  	_ =	strace s2  }
0x97: {  	_ =	strace $0x8FFFFFFF  }
0x98: {  	s18 =	sld [smem:$0x3FDB];
	_ =	sdelay $0x1  }
0x99: {  	s19 =	simm.s32 $_scs_section_size  }
0x9a: {  	s4 =	simm.s32 $_size__tile_overlayer_lowered;
	s5 =	simm.s32 $_tile_overlayer_lowered  }
0x9b: {  	s22 =	simm.s32 $0x1BFF;
	s21 =	sshll.u32 s5, $0x1;
	s2 =	sadd.s32 s19, s18  }
0x9c: {  	s6 =	simm.s32 $0x0;
	s20 =	sshll.u32 s4, $0x1;
	s4 =	sadd.s32 s21, s2  }
0x9d: {  	[timem:s6], [sflag:s22] =	dma.local [hbm:s4], s20  }
0x9e: {  	_ =	swait.ge [sflag:s22], s20  }
0x9f: {  	s3 =	ssub.s32 $0x0, s20;
	[sflag:s22] =	ssyncset.done $0x0  }
0xa0: {  	[sflag:s22] =	ssyncadd.s32 s3;
	_ =	sdelay $0x1  }
0xa1: {  	s23 =	simm.s32 $0x1B8B  }
0xa2: {  	_ =	swait.ge [sflag:s23], $0x1  }
0xa3: {  	[sflag:s23] =	ssyncset.done $0x0  }
0xa4: {  	s25 =	simm.s32 $0x1B8E;
	s24 =	sld [smem:$0x3FFE];
	[sflag:s23] =	ssyncadd.s32 $0xFFFFFFFF  }
0xa5: {  	s26 =	simm.s32 $execute0_lowered;
	[smem:$0x3FD2] =	sst s25  }
0xa6: {  	s4 =	sshll.u32 s26, $0x1;
	_ =	strace $0x80000055;
	[dreg:$0x1] =	wrdreg $0xFFFFFFFF  }
0xa7: {  	s28 =	simm.s32 $_size_execute0_lowered;
	s2 =	sadd.s32 s2, s4;
	[dreg:$0x0] =	wrdreg $0x0  }
0xa8: {  	s4 =	sshll.u32 s28, $0x1;
	[dreg:$0x2] =	wrdreg s2  }
0xa9: {  	[dreg:$0x3] =	wrdreg s4  }
0xaa: {  	[dreg:$0x4] =	wrdreg $0xC0  }
0xab: {  	_ =	task [dreg:s6], $0x5FFFF  }
0xac: {  	[dreg:$0x1] =	wrdreg $0xFFFFFFFF  }
0xad: {  	[dreg:$0x0] =	wrdreg $0x60  }
0xae: {  	[dreg:$0x2] =	wrdreg s24  }
0xaf: {  	[dreg:$0x3] =	wrdreg $0x9  }
0xb0: {  	_ =	task.clear_ibuf [dreg:s6], $0x4FFFF;
	_ =	strace $0x90000055  }
0xb1: {  	s29 =	simm.s32 $0x9;
	_ =	strace $0x80000057  }
0xb2: {  	_ =	swait.ge [sflag:s29], $0x1  }
0xb3: {  	[sflag:s29] =	ssyncadd.s32 $0xFFFFFFFF  }
0xb4: {  	_ =	strace $0x90000057  }
0xb5: {  	_ =	sfence  }
0xb6: {  	s30 =	sld [smem:$0x0];
	_ =	sdelay $0x2  }
0xb7: {  	s31 =	sshll.u32 s1, $0xD;
	s1 =	sshrl.u32 s1, $0x2  }
0xb8: {  	s3 =	sand.u32 $0x4000, s31;
	s1 =	sadd.s32 s1, s30  }
0xb9: {  	s0 =	sor.u32 s3, s0;
	s1 =	sshll.u32 s1, $0x11  }
0xba: {  	s0 =	sor.u32 s1, s0  }
0xbb: {  	s0 =	sadd.s32 $0x8F2B, s0  }
0xbc: {  	[sflag:s0] =	ssyncadd.remote.s32 $0x1  }
0xbd: {  	_ =	sfence.sel $0xFFFF  }
0xbe: {  	[dreg:$0x0] =	wrdreg $0xFFFFFFFF;
	(pc) =	sbr.abs _section_cstart, $3  }
0xbf: {  	[dreg:$0x1] =	wrdreg $0xFFFFFFFF  }
0xc0: {  	_ =	task.clear_ibuf [dreg:s6], $0x2FFFF;
	_ =	strace $0x9FFFFFFF  }
0xc1: {  	(tm) =	ssettm $0x7FFFFFFF  }
tec
execute0_lowered:
.L_overlay_start_1:
0x0: {  	(tag) =	ssettag $0x1  }
0x1: {  	s1 =	srdreg.scid  }
0x2: {  	s0 =	stileid.u32;
	s4 =	rddreg [dreg:$0x0];
	s2 =	simm.s32 $0x0  }
0x3: {  	s11 =	simm.s32 $0x0;
	s5 =	sand.u32 $0x1, s1;
	s1 =	rddreg [dreg:$0x1]  }
0x4: {  	s3 =	sshll.u32 s0, $0x1;
	[smem:$0x7FF] =	sst s2;
	s7 =	smul.u32 $0x50000, s0  }
0x5: {  	s3 =	sor.u32 s5, s3;
	_ =	strace $0x80000056;
	s10 =	smul.u32 $0x28000, s5  }
0x6: {  	s8 =	ssub.s32 $0x2, s5;
	s6 =	smul.u32 $0x500, s3;
	s3 =	sadd.s32 $0x5F3A00, s4  }
0x7: {  	s9 =	sshrl.u32 s8, $0x1;
	s30 =	sadd.s32 s7, s4;
	s7 =	simm.s32 $0x2  }
0x8: {  	s31 =	ssub.s32 s8, s9;
	s8 =	simm.s32 $0x80;
	s9 =	simm.s32 $0x2800  }
0x9: {  	s29 =	sadd.s32 s6, s4;
	s5 =	smax.u32 s31, $0x1;
	s6 =	sadd.s32 s10, s30  }
0xa: {  	s10 =	simm.s32 $0x1;
	s4 =	sadd.s32 $0x1D800, s29;
	s6 =	sadd.s32 $0x4F800, s6  }
.LBB2_1:
0xb: {  	[tilespmem:s2], [sflag:$0x2] =	stream.linear.gather [hbm4b:s4+s2], $0x2800, $0x38;
	[tilespmem:$0x6800] =	vst v63  }
0xc: {  	_ =	swait.ge [sflag:s7], $0x2800  }
0xd: {  	[sflag:s7] =	ssyncset.done $0x0  }
0xe: {  	s12 =	simm.s32 $0x0;
	[sflag:s7] =	ssyncadd.s32 $0xFFFFD800  }
0xf: {  	[tilespmem:s9], [sflag:$0x1] =	stream.indirect.gather [hbm4b:s3+s8], $0x80, s12, s8, $0xb8;
	[tilespmem:$0x6800] =	vst v63  }
0x10: {  	_ =	swait.ge [sflag:s10], $0x4000  }
0x11: {  	[sflag:s10] =	ssyncset.done $0x0  }
0x12: {  	[sflag:s10] =	ssyncadd.s32 $0xFFFFC000  }
0x13: {  	[hbm4b:s6+s2] =	stream.linear.scatter [tilespmem:s9], [sflag:$0x2], $0x4000, $0x38;
	[tilespmem:$0x6800] =	vst v63  }
0x14: {  	s13 =	simm.s32 $0x200;
	_ =	swait.ge [sflag:s7], $0x4000  }
0x15: {  	s14 =	simm.s32 $0x400;
	s12 =	sadd.s32 $0x800, s6;
	[sflag:s7] =	ssyncset.done $0x0  }
.LBB2_2:
0x16: {  	s15 =	sshra.s32 s13, $0x2  }
0x17: {  	[sflag:s7] =	ssyncadd.s32 $0xFFFFC000;
	s13 =	smov.u32 s14;
	s16 =	sadd.s32 $0x200, s14  }
0x18: {  	[tilespmem:s9], [sflag:$0x1] =	stream.indirect.gather [hbm4b:s3+s8], $0x80, s15, s8, $0xb8;
	[tilespmem:$0x6800] =	vst v63  }
0x19: {  	p0 =	sne.s32 s14, $0x9E00;
	_ =	swait.ge [sflag:s10], $0x4000  }
.Ltmp0:
0x1a: {  	[sflag:s10] =	ssyncset.done $0x0;
	(pc) =	sbr.rel @p0 .LBB2_2-.Ltmp0, $4  }
0x1b: {  	[sflag:s10] =	ssyncadd.s32 $0xFFFFC000  }
0x1c: {  	[hbm4b:s12+s2] =	stream.linear.scatter [tilespmem:s9], [sflag:$0x2], $0x4000, $0x38;
	[tilespmem:$0x6800] =	vst v63  }
0x1d: {  	_ =	swait.ge [sflag:s7], $0x4000  }
0x1e: {  	s14 =	smov.u32 s16;
	s12 =	sadd.s32 $0x800, s12;
	[sflag:s7] =	ssyncset.done $0x0  }
0x1f: {  	s13 =	sshra.s32 s13, $0x2;
	[sflag:s7] =	ssyncadd.s32 $0xFFFFC000  }
0x20: {  	[tilespmem:s9], [sflag:$0x1] =	stream.indirect.gather [hbm4b:s3+s8], $0x80, s13, s8, $0xb8;
	[tilespmem:$0x6800] =	vst v63  }
0x21: {  	s11 =	sadd.s32 $0x1, s11;
	_ =	swait.ge [sflag:s10], $0x4000  }
0x22: {  	p0 =	sne.s32 s11, s5;
	[sflag:s10] =	ssyncset.done $0x0  }
.Ltmp1:
0x23: {  	[sflag:s10] =	ssyncadd.s32 $0xFFFFC000;
	(pc) =	sbr.rel @p0 .LBB2_1-.Ltmp1, $4  }
0x24: {  	[hbm4b:s12+s2] =	stream.linear.scatter [tilespmem:s9], [sflag:$0x2], $0x4000, $0x38;
	[tilespmem:$0x6800] =	vst v63  }
0x25: {  	_ =	swait.ge [sflag:s7], $0x4000  }
0x26: {  	[sflag:s7] =	ssyncset.done $0x0  }
0x27: {  	[sflag:s7] =	ssyncadd.s32 $0xFFFFC000  }
0x28: {  	_ =	sfence.sel $0x180000  }
0x29: {  	[bflag:$0x0] =	sbarrier.arrive $0xFFFF  }
0x2a: {  	p0 =	sne.s32 s0, $0x0;
	_ =	strace $0x90000056  }
0x2b: {  	s0 =	sadd.s32 @!p0 $0x100000, s1;
	[bflag:$0x2] =	sbarrier.arrive $0xFFFF  }
0x2c: {  	[sflag:s0] =	ssyncadd.tile.s32 @!p0 $0x1;
	_ =	shalt  }
.Lfunc_end2:
_tile_overlayer_lowered:
.L_overlay_start_2:
0x2d: {  	(tag) =	ssettag $0x2  }
0x2e: {  	s0 =	rddreg [dreg:$0x0];
	s2 =	stileid.u32  }
0x2f: {  	s1 =	rddreg [dreg:$0x1];
	p0 =	sne.s32 s2, $0x0  }
0x30: {  	s3 =	rddreg [dreg:$0x2];
	[bflag:$0x3] =	sbarrier.arrive $0xFFFF;
	s2 =	simm.s32 @!p0 $0x1C02  }
0x31: {  	[timem:s3], [sflag:s2] =	dma.local @!p0 [hbm:s0], s1  }
0x32: {  	s0 =	simm.s32 @!p0 $0x2  }
0x33: {  	_ =	swait.ge @!p0 [sflag:s0], s1  }
0x34: {  	s1 =	ssub.s32 @!p0 $0x0, s1;
	[sflag:s0] =	ssyncset.done @!p0 $0x0  }
0x35: {  	[sflag:s0] =	ssyncadd.s32 @!p0 s1  }
0x36: {  	[bflag:$0x3] =	sbarrier.arrive $0xFFFF  }
0x37: {  	_ =	shalt  }

// kernel: kernel.35.cloned.1.call-start
scs
__scs_entry_jumppad:
0x0: {  	(pc) =	sbr.rel $0x88, $3  }
0x1: {  	(tag) =	ssettag $0x0;
	lr =	simm.s32 $0x1  }
0x2: {  	[smem:$0x3F71] =	sst lr;
	_ =	strace $0xD0000000  }
0x3: {  	_ = 	snop  }
0x4: {  	_ = 	snop  }
0x5: {  	_ = 	snop  }
0x6: {  	_ = 	snop  }
0x7: {  	_ = 	snop  }
__scs_overlays_trampoline_lowered:
0x8: {  	[smem:$0x3F80] =	sst s0  }
0x9: {  	[smem:$0x3F81] =	sst s1  }
0xa: {  	[smem:$0x3F82] =	sst s2  }
0xb: {  	[smem:$0x3F83] =	sst s3  }
0xc: {  	[smem:$0x3F84] =	sst s4  }
0xd: {  	[smem:$0x3F85] =	sst s5  }
0xe: {  	[smem:$0x3F86] =	sst s6  }
0xf: {  	[smem:$0x3F87] =	sst s7  }
0x10: {  	[smem:$0x3F88] =	sst s8  }
0x11: {  	[smem:$0x3F89] =	sst s9;
	s0 =	simm.s32 @!p0 $0x0  }
0x12: {  	s1 =	sld [smem:$0x3F6F];
	s0 =	simm.s32 @p0 $0x1  }
0x13: {  	[smem:$0x3F8A] =	sst s0;
	s0 =	simm.s32 @!p1 $0x0  }
0x14: {  	s2 =	sld [smem:$0x3F6E];
	s0 =	simm.s32 @p1 $0x1  }
0x15: {  	[smem:$0x3F8B] =	sst s0;
	s0 =	simm.s32 @!p2 $0x0  }
0x16: {  	s3 =	sld [smem:$0x3FDB];
	s0 =	simm.s32 @p2 $0x1  }
0x17: {  	s4 =	simm.s32 $0x1BF5;
	[smem:$0x3F8D] =	sst s0  }
0x18: {  	s0 =	sld [smem:$0x3F70];
	_ =	swait.ge [sflag:s4], $0x0  }
0x19: {  	s7 =	sld [smem:$0x3F71]  }
0x1a: {  	s8 =	sadd.s32 $0xFFFFE003, lr  }
0x1b: {  	s9 =	sadd.s32 $0xFFFFFEF7, lr;
	s5 =	simm.s32 $0xFFFFFFFF;
	p2 =	slt.u32 s8, $0xFFFFF086  }
0x1c: {  	p1 =	slt.u32 s9, $0xF7A;
	s5 =	simm.s32 @!p2 $0x0  }
0x1d: {  	s5 =	simm.s32 @p1 $0x1;
	p0 =	seq.s32 s7, s2  }
0x1e: {  	s7 =	smul.u32 @!p0 $0xF7A, s2;
	p2 =	seq.s32 @!p0 s5, $0x0  }
0x1f: {  	s9 =	smul.u32 $0xF7A, s1;
	s8 =	simm.s32 @!p0 $0x1BF5;
	p2 =	por !p2, p0  }
0x20: {  	[sflag:s8] =	ssyncset.s32 @!p0 $0xFFFFF086;
	s6 =	sadd.s32 @!p0 s3, s7;
	s7 =	simm.s32 @!p0 $0x108  }
0x21: {  	s3 =	sadd.s32 s3, s9;
	s6 =	sadd.s32 @!p0 $0x88, s6;
	s7 =	simm.s32 @p2 $0x1082  }
0x22: {  	[simem:s7], [sflag:s8] =	dma.local @!p0 [hbm:s6], $0xF7A  }
0x23: {  	s9 =	sor.u32 $0xD0000000, s2;
	s6 =	simm.s32 $0x108;
	_ =	swait.ge @!p0 [sflag:s8], $0x0  }
0x24: {  	s3 =	sadd.s32 $0x88, s3;
	s6 =	simm.s32 @!p1 $0x1082;
	[sflag:s4] =	ssyncset.s32 $0xFFFFF086  }
0x25: {  	[simem:s6], [sflag:s4] =	dma.local [hbm:s3], $0xF7A  }
0x26: {  	[smem:$0x3F71] =	sst s1;
	(tag) =	ssettag s2;
	_ =	strace s9  }
0x27: {  	s1 =	sld [smem:$0x3F81]  }
0x28: {  	s2 =	sld [smem:$0x3F82]  }
0x29: {  	s4 =	sld [smem:$0x3F84]  }
0x2a: {  	p0 =	seq.s32 s5, $0x0;
	s5 =	sld [smem:$0x3F85]  }
0x2b: {  	s6 =	sld [smem:$0x3F86]  }
0x2c: {  	s7 =	sld [smem:$0x3F87]  }
0x2d: {  	s3 =	simm.s32 $0x108;
	s8 =	sld [smem:$0x3F88]  }
0x2e: {  	s3 =	simm.s32 @!p0 $0x1082;
	s9 =	sld [smem:$0x3F89]  }
0x2f: {  	lr =	sadd.s32 s0, s3;
	s0 =	sld [smem:$0x3F80]  }
0x30: {  	s3 =	sld [smem:$0x3F83]  }
0x31: {  	[smem:$0x3F8C] =	sst s10  }
0x32: {  	s10 =	sld [smem:$0x3F8A];
	_ =	sdelay $0x3  }
0x33: {  	p0 =	seq.s32 s10, $0x1;
	s10 =	sld [smem:$0x3F8C];
	_ =	sdelay $0x3  }
0x34: {  	[smem:$0x3F8C] =	sst s10  }
0x35: {  	s10 =	sld [smem:$0x3F8B];
	_ =	sdelay $0x3  }
0x36: {  	p1 =	seq.s32 s10, $0x1;
	s10 =	sld [smem:$0x3F8C];
	_ =	sdelay $0x3  }
0x37: {  	[smem:$0x3F8C] =	sst s10  }
0x38: {  	s10 =	sld [smem:$0x3F8D]  }
0x39: {  	_ = 	snop;
	(pc) =	sbr.ind lr, $3  }
0x3a: {  	_ = 	snop  }
0x3b: {  	_ = 	snop  }
0x3c: {  	p2 =	seq.s32 s10, $0x1;
	s10 =	sld [smem:$0x3F8C]  }
0x3d: {  	_ =	shalt  }
0x3e: {  	_ =	shalt  }
0x3f: {  	_ =	shalt  }
0x40: {  	_ =	shalt  }
0x41: {  	_ =	shalt  }
0x42: {  	_ =	shalt  }
0x43: {  	_ =	shalt  }
0x44: {  	_ =	shalt  }
0x45: {  	_ =	shalt  }
0x46: {  	_ =	shalt  }
0x47: {  	_ =	shalt  }
0x48: {  	_ =	shalt  }
0x49: {  	_ =	shalt  }
0x4a: {  	_ =	shalt  }
0x4b: {  	_ =	shalt  }
0x4c: {  	_ =	shalt  }
0x4d: {  	_ =	shalt  }
0x4e: {  	_ =	shalt  }
0x4f: {  	_ =	shalt  }
0x50: {  	_ =	shalt  }
0x51: {  	_ =	shalt  }
0x52: {  	_ =	shalt  }
0x53: {  	_ =	shalt  }
0x54: {  	_ =	shalt  }
0x55: {  	_ =	shalt  }
0x56: {  	_ =	shalt  }
0x57: {  	_ =	shalt  }
0x58: {  	_ =	shalt  }
0x59: {  	_ =	shalt  }
0x5a: {  	_ =	shalt  }
0x5b: {  	_ =	shalt  }
0x5c: {  	_ =	shalt  }
0x5d: {  	_ =	shalt  }
0x5e: {  	_ =	shalt  }
0x5f: {  	_ =	shalt  }
0x60: {  	_ =	shalt  }
0x61: {  	_ =	shalt  }
0x62: {  	_ =	shalt  }
0x63: {  	_ =	shalt  }
0x64: {  	_ =	shalt  }
0x65: {  	_ =	shalt  }
0x66: {  	_ =	shalt  }
0x67: {  	_ =	shalt  }
0x68: {  	_ =	shalt  }
0x69: {  	_ =	shalt  }
0x6a: {  	_ =	shalt  }
0x6b: {  	_ =	shalt  }
0x6c: {  	_ =	shalt  }
0x6d: {  	_ =	shalt  }
0x6e: {  	_ =	shalt  }
0x6f: {  	_ =	shalt  }
0x70: {  	_ =	shalt  }
0x71: {  	_ =	shalt  }
0x72: {  	_ =	shalt  }
0x73: {  	_ =	shalt  }
0x74: {  	_ =	shalt  }
0x75: {  	_ =	shalt  }
0x76: {  	_ =	shalt  }
0x77: {  	_ =	shalt  }
0x78: {  	_ =	shalt  }
0x79: {  	_ =	shalt  }
0x7a: {  	_ =	shalt  }
0x7b: {  	_ =	shalt  }
0x7c: {  	_ =	shalt  }
0x7d: {  	_ =	shalt  }
0x7e: {  	_ =	shalt  }
0x7f: {  	_ =	shalt  }
0x80: {  	_ =	shalt  }
0x81: {  	_ =	shalt  }
0x82: {  	_ =	shalt  }
0x83: {  	_ =	shalt  }
0x84: {  	_ =	shalt  }
0x85: {  	_ =	shalt  }
0x86: {  	_ =	shalt  }
0x87: {  	_ =	shalt  }
.Lfunc_end0:
.L_simem_size_0:
called_computation.6_lowered:
.L_overlay_start_0:
0x88: {  	s2 =	sld [smem:$0x3FD9]  }
0x89: {  	s3 =	sld [smem:$0x3FFE];
	_ =	sdelay $0x1  }
0x8a: {  	s1 =	srdreg.scid  }
0x8b: {  	s0 =	sand.u32 $0x1, s1  }
0x8c: {  	s16 =	sshll.u32 s0, $0xA;
	s2 =	sadd.s32 s3, s2  }
0x8d: {  	s2 =	sadd.s32 s2, s16  }
0x8e: {  	[smem:$0x3F98] =	sst s2  }
0x8f: {  	_ = 	snop  }
0x90: {  	(tm) =	ssettm $0x1  }
0x91: {  	s17 =	sld [smem:$0x3FFB];
	_ =	sdelay $0x3  }
0x92: {  	_ =	strace s17  }
0x93: {  	s2 =	sld [smem:$0x3FFC];
	_ =	sdelay $0x3  }
0x94: {  	_ =	strace s2  }
0x95: {  	s2 =	sld [smem:$0x3FFD];
	_ =	sdelay $0x3  }
0x96: {  	_ =	strace s2  }
0x97: {  	_ =	strace $0x8FFFFFFF  }
0x98: {  	s18 =	sld [smem:$0x3FDB];
	_ =	sdelay $0x1  }
0x99: {  	s19 =	simm.s32 $_scs_section_size  }
0x9a: {  	s4 =	simm.s32 $_size__tile_overlayer_lowered;
	s5 =	simm.s32 $_tile_overlayer_lowered  }
0x9b: {  	s22 =	simm.s32 $0x1BFF;
	s21 =	sshll.u32 s5, $0x1;
	s2 =	sadd.s32 s19, s18  }
0x9c: {  	s6 =	simm.s32 $0x0;
	s20 =	sshll.u32 s4, $0x1;
	s4 =	sadd.s32 s21, s2  }
0x9d: {  	[timem:s6], [sflag:s22] =	dma.local [hbm:s4], s20  }
0x9e: {  	_ =	swait.ge [sflag:s22], s20  }
0x9f: {  	s3 =	ssub.s32 $0x0, s20;
	[sflag:s22] =	ssyncset.done $0x0  }
0xa0: {  	[sflag:s22] =	ssyncadd.s32 s3;
	_ =	sdelay $0x1  }
0xa1: {  	s23 =	simm.s32 $0x1B8B  }
0xa2: {  	_ =	swait.ge [sflag:s23], $0x1  }
0xa3: {  	[sflag:s23] =	ssyncset.done $0x0  }
0xa4: {  	s25 =	simm.s32 $0x1B8E;
	s24 =	sld [smem:$0x3FFE];
	[sflag:s23] =	ssyncadd.s32 $0xFFFFFFFF  }
0xa5: {  	s26 =	simm.s32 $execute0_lowered;
	[smem:$0x3FD2] =	sst s25  }
0xa6: {  	s4 =	sshll.u32 s26, $0x1;
	_ =	strace $0x80000058;
	[dreg:$0x1] =	wrdreg $0xFFFFFFFF  }
0xa7: {  	s28 =	simm.s32 $_size_execute0_lowered;
	s2 =	sadd.s32 s2, s4;
	[dreg:$0x0] =	wrdreg $0x0  }
0xa8: {  	s4 =	sshll.u32 s28, $0x1;
	[dreg:$0x2] =	wrdreg s2  }
0xa9: {  	[dreg:$0x3] =	wrdreg s4  }
0xaa: {  	[dreg:$0x4] =	wrdreg $0xC0  }
0xab: {  	_ =	task [dreg:s6], $0x5FFFF  }
0xac: {  	[dreg:$0x1] =	wrdreg $0xFFFFFFFF  }
0xad: {  	[dreg:$0x0] =	wrdreg $0x60  }
0xae: {  	[dreg:$0x2] =	wrdreg s24  }
0xaf: {  	[dreg:$0x3] =	wrdreg $0x54000  }
0xb0: {  	[dreg:$0x4] =	wrdreg $0x9  }
0xb1: {  	_ =	task.clear_ibuf [dreg:s6], $0x5FFFF;
	_ =	strace $0x90000058  }
0xb2: {  	s29 =	simm.s32 $0x9;
	_ =	strace $0x8000005A  }
0xb3: {  	_ =	swait.ge [sflag:s29], $0x1  }
0xb4: {  	[sflag:s29] =	ssyncadd.s32 $0xFFFFFFFF  }
0xb5: {  	_ =	strace $0x9000005A  }
0xb6: {  	_ =	sfence  }
0xb7: {  	s30 =	sld [smem:$0x0];
	_ =	sdelay $0x2  }
0xb8: {  	s31 =	sshll.u32 s1, $0xD;
	s1 =	sshrl.u32 s1, $0x2  }
0xb9: {  	s3 =	sand.u32 $0x4000, s31;
	s1 =	sadd.s32 s1, s30  }
0xba: {  	s0 =	sor.u32 s3, s0;
	s1 =	sshll.u32 s1, $0x11  }
0xbb: {  	s0 =	sor.u32 s1, s0  }
0xbc: {  	s0 =	sadd.s32 $0x8F2B, s0  }
0xbd: {  	[sflag:s0] =	ssyncadd.remote.s32 $0x1  }
0xbe: {  	_ =	sfence.sel $0xFFFF  }
0xbf: {  	[dreg:$0x0] =	wrdreg $0xFFFFFFFF;
	(pc) =	sbr.abs _section_cstart, $3  }
0xc0: {  	[dreg:$0x1] =	wrdreg $0xFFFFFFFF  }
0xc1: {  	_ =	task.clear_ibuf [dreg:s6], $0x2FFFF;
	_ =	strace $0x9FFFFFFF  }
0xc2: {  	(tm) =	ssettm $0x7FFFFFFF  }
0xc3: {  	_ =	shalt  }
tec
execute0_lowered:
.L_overlay_start_1:
0x0: {  	(tag) =	ssettag $0x1  }
0x1: {  	s12 =	stileid.u32  }
0x2: {  	s6 =	smul.u32 $0x28, s12  }
0x3: {  	s0 =	srdreg.scid;
	s10 =	smul.u32 $0x50000, s12  }
0x4: {  	s4 =	rddreg [dreg:$0x0];
	s30 =	smul.u32 $0x14000, s12  }
0x5: {  	s1 =	rddreg [dreg:$0x1];
	s3 =	sand.u32 $0x1, s0;
	s14 =	smul.u32 $0x2800, s12  }
0x6: {  	s2 =	simm.s32 $0x0;
	s0 =	rddreg [dreg:$0x2];
	s5 =	smul.u32 $0x280, s3  }
0x7: {  	[smem:$0x7FF] =	sst s2;
	p0 =	sne.s32 s12, $0x0;
	s7 =	smul.u32 $0x140000, s3  }
0x8: {  	s12 =	sshll.u32 s12, $0x6;
	_ =	strace $0x80000059;
	s29 =	smul.u32 $0x28000, s3  }
0x9: {  	s8 =	ssub.s32 $0x2, s3;
	s3 =	sadd.s32 $0x27800, s4;
	s12 =	sor.u32 $0x1C01, s12  }
0xa: {  	s9 =	sshrl.u32 s8, $0x1;
	s31 =	sshrl.u32 s10, $0x2;
	s10 =	simm.s32 $0x80  }
0xb: {  	s5 =	sadd.s32 s6, s5;
	s28 =	sadd.s32 s7, s4;
	s7 =	sadd.s32 s29, s4  }
0xc: {  	s8 =	ssub.s32 s8, s9;
	s13 =	sadd.s32 s31, s1;
	s9 =	simm.s32 $0x1400  }
0xd: {  	s5 =	sshll.u32 s5, $0x4;
	s11 =	sadd.s32 $0x4F800, s7;
	s6 =	sadd.s32 s30, s28  }
0xe: {  	s7 =	sshrl.u32 @!p0 s1, $0x3;
	s13 =	sshrl.u32 s13, $0x3;
	s5 =	sadd.s32 s5, s4  }
0xf: {  	s6 =	sadd.s32 $0xD73A00, s6;
	s11 =	sadd.s32 s14, s11;
	s14 =	simm.s32 $0x0  }
0x10: {  	s4 =	sadd.s32 $0x5EEA00, s5;
	s5 =	smax.u32 s8, $0x1;
	s8 =	simm.s32 $0x1  }
.LBB2_1:
0x11: {  	s15 =	simm.s32 @!p0 $0x1C01  }
0x12: {  	[spmem:s7], [sflag:s15] =	dma.local @!p0 [hbm:s3], $0x28000  }
0x13: {  	s15 =	simm.s32 @!p0 $0x1  }
0x14: {  	_ =	swait.ge @!p0 [sflag:s15], $0x28000  }
0x15: {  	[sflag:s15] =	ssyncset.done @!p0 $0x0  }
0x16: {  	[sflag:s15] =	ssyncadd.s32 @!p0 $0xFFFD8000  }
0x17: {  	[bflag:$0x0] =	sbarrier.arrive $0xFFFF  }
0x18: {  	[tilespmem:s2], [sflag:$0x1] =	stream.linear.gather [hbm4b:s4+s2], $0x1400, $0x38;
	[tilespmem:$0x19400] =	vst v63  }
0x19: {  	_ =	swait.ge [sflag:s8], $0x1400  }
0x1a: {  	[sflag:s8] =	ssyncset.done $0x0  }
0x1b: {  	[sflag:s8] =	ssyncadd.s32 $0xFFFFEC00  }
0x1c: {  	[tilespmem:s9], [sflag:$0x1] =	stream.linear.gather [hbm4b:s6+s2], $0x4000, $0x38;
	[tilespmem:$0x19400] =	vst v63  }
0x1d: {  	_ =	swait.ge [sflag:s8], $0x4000  }
0x1e: {  	[sflag:s8] =	ssyncset.done $0x0  }
0x1f: {  	s31 =	simm.s32 $0x0;
	[sflag:s8] =	ssyncadd.s32 $0xFFFFC000  }
0x20: {  	[spmem:s1] =	stream.indirect.scatter.add.f32 [tilespmem:s9], [sflag:$0x1], $0x80, s31, s10, $0xb8;
	[tilespmem:$0x19400] =	vst v63  }
0x21: {  	_ =	swait.ge [sflag:s8], $0x4000  }
0x22: {  	s16 =	smov.u32 s6;
	s15 =	simm.s32 $0x200;
	[sflag:s8] =	ssyncset.done $0x0  }
.LBB2_2:
0x23: {  	p1 =	sne.s32 s15, $0x4E00;
	[sflag:s8] =	ssyncadd.s32 $0xFFFFC000;
	s16 =	sadd.s32 $0x800, s16  }
0x24: {  	[tilespmem:s9], [sflag:$0x1] =	stream.linear.gather [hbm4b:s16+s2], $0x4000, $0x38;
	[tilespmem:$0x19400] =	vst v63  }
0x25: {  	s17 =	smov.u32 s15;
	s15 =	sadd.s32 $0x200, s15;
	_ =	swait.ge [sflag:s8], $0x4000  }
.Ltmp0:
0x26: {  	[sflag:s8] =	ssyncset.done $0x0;
	(pc) =	sbr.rel @p1 .LBB2_2-.Ltmp0, $4  }
0x27: {  	s17 =	sshra.s32 s17, $0x2;
	[sflag:s8] =	ssyncadd.s32 $0xFFFFC000  }
0x28: {  	[spmem:s1] =	stream.indirect.scatter.add.f32 [tilespmem:s9], [sflag:$0x1], $0x80, s17, s10, $0xb8;
	[tilespmem:$0x19400] =	vst v63  }
0x29: {  	_ =	swait.ge [sflag:s8], $0x4000  }
0x2a: {  	[sflag:s8] =	ssyncset.done $0x0  }
0x2b: {  	s14 =	sadd.s32 $0x1, s14  }
0x2c: {  	[sflag:s8] =	ssyncadd.s32 $0xFFFFC000;
	p1 =	sne.s32 s14, s5  }
.Ltmp1:
0x2d: {  	[bflag:$0x0] =	sbarrier.arrive $0xFFFF;
	(pc) =	sbr.rel @p1 .LBB2_1-.Ltmp1, $4  }
0x2e: {  	[hbm:s11], [sflag:s12] =	dma.local [spmem:s13], $0x2800  }
0x2f: {  	_ =	swait.ge [sflag:s8], $0x2800  }
0x30: {  	[sflag:s8] =	ssyncset.done $0x0  }
0x31: {  	[sflag:s8] =	ssyncadd.s32 $0xFFFFD800  }
0x32: {  	_ =	sfence.sel $0x180000  }
0x33: {  	[bflag:$0x0] =	sbarrier.arrive $0xFFFF  }
0x34: {  	_ =	strace $0x90000059  }
0x35: {  	s0 =	sadd.s32 @!p0 $0x100000, s0;
	[bflag:$0x2] =	sbarrier.arrive $0xFFFF  }
0x36: {  	[sflag:s0] =	ssyncadd.tile.s32 @!p0 $0x1;
	_ =	shalt  }
.Lfunc_end2:
_tile_overlayer_lowered:
.L_overlay_start_2:
0x37: {  	(tag) =	ssettag $0x2  }
0x38: {  	s0 =	rddreg [dreg:$0x0];
	s2 =	stileid.u32  }
0x39: {  	s1 =	rddreg [dreg:$0x1];
	p0 =	sne.s32 s2, $0x0  }
0x3a: {  	s3 =	rddreg [dreg:$0x2];
	[bflag:$0x3] =	sbarrier.arrive $0xFFFF;
	s2 =	simm.s32 @!p0 $0x1C01  }
0x3b: {  	[timem:s3], [sflag:s2] =	dma.local @!p0 [hbm:s0], s1  }
0x3c: {  	s0 =	simm.s32 @!p0 $0x1  }
0x3d: {  	_ =	swait.ge @!p0 [sflag:s0], s1  }
0x3e: {  	s1 =	ssub.s32 @!p0 $0x0, s1;
	[sflag:s0] =	ssyncset.done @!p0 $0x0  }
0x3f: {  	[sflag:s0] =	ssyncadd.s32 @!p0 s1  }
0x40: {  	[bflag:$0x3] =	sbarrier.arrive $0xFFFF  }
0x41: {  	_ =	shalt  }

</sc_bundles>
